<compile_context>
chip_gen: v7x
topology: tpu7x:2x2x1
jax: 0.10.2.dev20260603
libtpu: 0.0.44.dev20260713+nightly
codegen_flags: <defaults>
</compile_context>

<pallas_src>
import functools

import jax
import jax.numpy as jnp
from jax import lax
from jax.experimental import pallas as pl
from jax.experimental.pallas import tpu as pltpu
from jax.experimental.pallas import tpu_sc as plsc

VOCAB = 100000
WORD_DIM = 300
CHAR_VOCAB = 262
CHAR_DIM = 64
HIDDEN = 128
H2 = HIDDEN // 2
B = 1024
L = 200
W = 16
K = 5
T = W - K + 1

N = B * L

NC = 2
NS = 16
NW = NC * NS
LANES = 16

TOK_PER_W = N // NW
NB = 128
NCHUNK = TOK_PER_W // NB
NG = NB // LANES

ROWS_PCT = K * CHAR_VOCAB
HP = H2 // 2


def _pw_body(wt_ref, wp_ref, o_ref):
    o_ref[...] = jnp.dot(wt_ref[...], wp_ref[...],
                         preferred_element_type=jnp.float32)


def _project_word(word_table, word_proj):
    rows = 1000
    return pl.pallas_call(
        _pw_body,
        grid=(VOCAB // rows,),
        in_specs=[
            pl.BlockSpec((rows, WORD_DIM), lambda i: (i, 0)),
            pl.BlockSpec((WORD_DIM, H2), lambda i: (0, 0)),
        ],
        out_specs=pl.BlockSpec((rows, H2), lambda i: (i, 0)),
        out_shape=jax.ShapeDtypeStruct((VOCAB, H2), jnp.float32),
    )(word_table, word_proj)


def _pct_body(ct_ref, w_ref, b_ref, o_ref):
    k = pl.program_id(0)
    acc = jnp.dot(ct_ref[...], w_ref[0], preferred_element_type=jnp.float32)
    scale = jnp.where(k == 0, 1.0, 0.0)
    o_ref[0] = acc + scale * b_ref[...]


def _char_tables(char_table, char_conv_w, char_conv_b):
    out = pl.pallas_call(
        _pct_body,
        grid=(K,),
        in_specs=[
            pl.BlockSpec((CHAR_VOCAB, CHAR_DIM), lambda k: (0, 0)),
            pl.BlockSpec((1, CHAR_DIM, H2), lambda k: (k, 0, 0)),
            pl.BlockSpec((1, H2), lambda k: (0, 0)),
        ],
        out_specs=pl.BlockSpec((1, CHAR_VOCAB, H2), lambda k: (k, 0, 0)),
        out_shape=jax.ShapeDtypeStruct((K, CHAR_VOCAB, H2), jnp.float32),
    )(char_table, char_conv_w, char_conv_b.reshape(1, H2))
    return out.reshape(ROWS_PCT, H2)


_SC_PARAMS = dict(
    compiler_params=pltpu.CompilerParams(use_tc_tiling_on_sc=False,
                                         needs_layout_passes=False),
)


def _sc_mesh():
    return plsc.VectorSubcoreMesh(core_axis_name="c", subcore_axis_name="s",
                                  num_cores=NC, num_subcores=NS)


@functools.cache
def _build_sc_char():
    return pl.kernel(
        _sc_char_body,
        out_type=jax.ShapeDtypeStruct((N, H2), jnp.float32),
        mesh=_sc_mesh(),
        scratch_types=[
            pltpu.VMEM((ROWS_PCT * HP,), jnp.float32),
            pltpu.VMEM((2 * NB * W,), jnp.int32),
            pltpu.VMEM((2, NB, H2), jnp.float32),
            pltpu.SemaphoreType.DMA,
            pltpu.SemaphoreType.DMA,
        ],
        **_SC_PARAMS,
    )


def _sc_char_body(cflat_hbm, pct_hbm, cp_hbm, pct_v, cidx_v, obuf_v,
                  sem_in, sem_o):
    wid = lax.axis_index("s") * NC + lax.axis_index("c")
    pltpu.sync_copy(pct_hbm, pct_v)

    def in_copy(ci, b):
        base = wid * TOK_PER_W + ci * NB
        return pltpu.make_async_copy(
            cflat_hbm.at[pl.ds(base * W, NB * W)],
            cidx_v.at[pl.ds(b * NB * W, NB * W)], sem_in)

    def out_copy(ci, b):
        base = wid * TOK_PER_W + ci * NB
        return pltpu.make_async_copy(
            obuf_v.at[b], cp_hbm.at[pl.ds(base, NB)], sem_o)

    in_copy(0, 0).start()
    in_copy(0, 0).wait()
    in_copy(1, 1).start()

    def chunk_body(ci, carry):
        b = ci % 2

        @pl.when(ci >= 2)
        def _():
            out_copy(ci - 2, b).wait()

        def tok_body(i, carry2):
            cvec = cidx_v[pl.ds((b * NB + i) * W, W)]
            cj = [cvec[j] * HP for j in range(W)]
            m0 = m1 = None
            for t in range(T):
                s0 = s1 = None
                for k in range(K):
                    adr = cj[t + k] + (k * CHAR_VOCAB * HP)
                    lo = plsc.bitcast(pct_v[pl.ds(adr, LANES)], jnp.bfloat16)
                    hi = plsc.bitcast(pct_v[pl.ds(adr + LANES, LANES)],
                                      jnp.bfloat16)
                    s0 = lo if s0 is None else s0 + lo
                    s1 = hi if s1 is None else s1 + hi
                s0 = jnp.maximum(s0, jnp.bfloat16(0))
                s1 = jnp.maximum(s1, jnp.bfloat16(0))
                m0 = s0 if m0 is None else jnp.maximum(m0, s0)
                m1 = s1 if m1 is None else jnp.maximum(m1, s1)
            a0, b0 = plsc.unpack(m0, format=plsc.PackFormat.INTERLEAVED)
            a1, b1 = plsc.unpack(m1, format=plsc.PackFormat.INTERLEAVED)
            obuf_v[b, i, pl.ds(0, LANES)] = a0
            obuf_v[b, i, pl.ds(16, LANES)] = a1
            obuf_v[b, i, pl.ds(32, LANES)] = b0
            obuf_v[b, i, pl.ds(48, LANES)] = b1
            return carry2

        lax.fori_loop(0, NB, tok_body, 0, unroll=2)
        out_copy(ci, b).start()

        @pl.when(ci + 1 < NCHUNK)
        def _():
            in_copy(ci + 1, 1 - b).wait()

        @pl.when(ci + 2 < NCHUNK)
        def _():
            in_copy(ci + 2, b).start()

        return carry

    lax.fori_loop(0, NCHUNK, chunk_body, 0)
    out_copy(NCHUNK - 2, NCHUNK % 2).wait()
    out_copy(NCHUNK - 1, 1 - NCHUNK % 2).wait()


@functools.cache
def _build_sc_word():
    return pl.kernel(
        _sc_word_body,
        out_type=jax.ShapeDtypeStruct((N, HIDDEN), jnp.float32),
        mesh=_sc_mesh(),
        scratch_types=[
            pltpu.VMEM((2 * NB,), jnp.int32),
            pltpu.VMEM((2, NB, H2), jnp.float32),
            pltpu.VMEM((4, NB, H2), jnp.float32),
            pltpu.SemaphoreType.DMA,
            pltpu.SemaphoreType.DMA,
            pltpu.SemaphoreType.DMA,
        ],
        **_SC_PARAMS,
    )


def _sc_word_body(wflat_hbm, pw_hbm, cp_hbm, out_hbm,
                  widx_v, wrows_v, cbuf_v, sem_in, sem_g, sem_o):
    wid = lax.axis_index("s") * NC + lax.axis_index("c")

    def in_copies(ci, b, b4):
        base = wid * TOK_PER_W + ci * NB
        return (
            pltpu.make_async_copy(wflat_hbm.at[pl.ds(base, NB)],
                                  widx_v.at[pl.ds(b * NB, NB)], sem_in),
            pltpu.make_async_copy(cp_hbm.at[pl.ds(base, NB)],
                                  cbuf_v.at[b4], sem_in),
        )

    def gather_copy(b):
        return pltpu.make_async_copy(
            pw_hbm.at[widx_v.at[pl.ds(b * NB, NB)]], wrows_v.at[b], sem_g)

    def out_copies(ci, b, b4):
        base = wid * TOK_PER_W + ci * NB
        return (
            pltpu.make_async_copy(
                wrows_v.at[b],
                out_hbm.at[pl.ds(base, NB), pl.ds(0, H2)], sem_o),
            pltpu.make_async_copy(
                cbuf_v.at[b4],
                out_hbm.at[pl.ds(base, NB), pl.ds(H2, H2)], sem_o),
        )

    for c in in_copies(0, 0, 0):
        c.start()
    for c in in_copies(0, 0, 0):
        c.wait()
    gather_copy(0).start()
    for c in in_copies(1, 1, 1):
        c.start()

    def chunk_body(ci, carry):
        b = ci % 2
        b4 = ci % 4
        gather_copy(b).wait()
        for c in out_copies(ci, b, b4):
            c.start()

        @pl.when(ci + 1 < NCHUNK)
        def _():
            for c in in_copies(ci + 1, 1 - b, (ci + 1) % 4):
                c.wait()

            @pl.when(ci >= 1)
            def _():
                for c in out_copies(ci - 1, 1 - b, (ci - 1) % 4):
                    c.wait()

            gather_copy(1 - b).start()

        @pl.when(ci + 2 < NCHUNK)
        def _():
            for c in in_copies(ci + 2, b, (ci + 2) % 4):
                c.start()

        return carry

    lax.fori_loop(0, NCHUNK, chunk_body, 0)
    for c in out_copies(NCHUNK - 2, NCHUNK % 2, (NCHUNK - 2) % 4):
        c.wait()
    for c in out_copies(NCHUNK - 1, 1 - NCHUNK % 2, (NCHUNK - 1) % 4):
        c.wait()


def kernel(w_idxs, c_idxs, word_table, char_table, word_proj,
           char_conv_w, char_conv_b):
    pw = _project_word(word_table, word_proj)
    pct = _char_tables(char_table, char_conv_w, char_conv_b)
    pct = lax.bitcast_convert_type(
        pct.astype(jnp.bfloat16).reshape(ROWS_PCT, 2, HP).transpose(0, 2, 1),
        jnp.float32)
    cp = _build_sc_char()(c_idxs.reshape(-1), pct.reshape(-1))
    out = _build_sc_word()(w_idxs.reshape(-1), pw, cp)
    return out.reshape(B, L, HIDDEN)

# --- scband reference (transcript-rebuilt; emitter-appended) ---
"""Pipeline reference for scband-embedding-with-char-19653770346897 (READ-ONLY COPY).

The authoritative reference and input builder live on the scoring server;
editing this copy changes nothing except your own understanding.
"""

import jax, jax.numpy as jnp
import numpy as np

VOCAB = 100000
WORD_DIM = 300
CHAR_VOCAB = 262
CHAR_DIM = 64
HIDDEN = 128
B = 1024
L = 200
W = 16
K = 5


def setup_inputs(seed: int = 0) -> dict:
    key = jax.random.key(seed)
    ks = jax.random.split(key, 7)
    w_idxs = jax.random.randint(ks[0], (B, L), 0, VOCAB, dtype=jnp.int32)
    c_idxs = jax.random.randint(ks[1], (B, L, W), 0, CHAR_VOCAB, dtype=jnp.int32)
    word_table = jax.random.normal(ks[2], (VOCAB, WORD_DIM), jnp.float32) * 0.1
    char_table = jax.random.normal(ks[3], (CHAR_VOCAB, CHAR_DIM), jnp.float32) * 0.1
    word_proj = jax.random.normal(ks[4], (WORD_DIM, HIDDEN // 2), jnp.float32) / np.float32(np.sqrt(WORD_DIM))
    char_conv_w = jax.random.normal(ks[5], (K, CHAR_DIM, HIDDEN // 2), jnp.float32) / np.float32(np.sqrt(K * CHAR_DIM))
    char_conv_b = jnp.zeros((HIDDEN // 2,), jnp.float32)
    return {
        "w_idxs": w_idxs,
        "c_idxs": c_idxs,
        "word_table": word_table,
        "char_table": char_table,
        "word_proj": word_proj,
        "char_conv_w": char_conv_w,
        "char_conv_b": char_conv_b,
    }


def reference(w_idxs, c_idxs, word_table, char_table, word_proj, char_conv_w, char_conv_b):
    # WordEmbedding: lookup -> (dropout is identity at inference) -> linear projection
    word_emb = jnp.take(word_table, w_idxs, axis=0)          # [B, L, WORD_DIM]
    word_emb = word_emb @ word_proj                          # [B, L, HIDDEN//2]

    # CharEmbedding: lookup -> (dropout identity) -> 1D conv over char positions -> relu -> max-pool over chars
    ch = jnp.take(char_table, c_idxs, axis=0)                # [B, L, W, CHAR_DIM]
    b, l, w, d = ch.shape
    x = ch.reshape(b * l, w, d)                              # [B*L, W, CHAR_DIM]
    out = jax.lax.conv_general_dilated(
        x, char_conv_w,
        window_strides=(1,), padding='VALID',
        dimension_numbers=('NWC', 'WIO', 'NWC'))             # [B*L, W-K+1, HIDDEN//2]
    out = out + char_conv_b
    out = jax.nn.relu(out)
    out = jnp.max(out, axis=1)                               # [B*L, HIDDEN//2]
    char_emb = out.reshape(b, l, -1)                         # [B, L, HIDDEN//2]

    # Concatenate word-level and char-level embeddings
    emb = jnp.concatenate([word_emb, char_emb], axis=2)      # [B, L, HIDDEN]
    return emb

if __name__ == "__main__":
    import jax
    _d = setup_inputs()
    print(jax.jit(kernel)(*tuple(_d.values())))

</pallas_src>

<mosaic_0001>
#map = affine_map<(d0, d1) -> (0)>
#map1 = affine_map<(d0, d1) -> (0, 0)>
module attributes {stable_mosaic.version = 14 : i64} {
  func.func @_sc_char_body(%arg0: i32, %arg1: i32, %arg2: memref<3276800xi32, #tpu.memory_space<hbm>>, %arg3: memref<41920xf32, #tpu.memory_space<hbm>>, %arg4: memref<204800x64xf32, #tpu.memory_space<hbm>>, %arg5: memref<41920xf32, #tpu.memory_space<vmem>>, %arg6: memref<4096xi32, #tpu.memory_space<vmem>>, %arg7: memref<2x128x64xf32, #tpu.memory_space<vmem>>, %arg8: memref<!tpu.dma_semaphore, #tpu.memory_space<semaphore_mem>>, %arg9: memref<!tpu.dma_semaphore, #tpu.memory_space<semaphore_mem>>) attributes {dimension_semantics = [#tpu.dimension_semantics<core_parallel>, #tpu.dimension_semantics<subcore_parallel>], iteration_bounds = array<i64: 2, 16>, scalar_prefetch = 0 : i64, scratch_operands = 5 : i64, tpu.core_type = #tpu.core_type<sc_vector_subcore>, window_params = [{transform_indices = #map}, {transform_indices = #map}, {transform_indices = #map1}]} {
    %mul3A = arith.constant 2 : i32
    %mul3A_0 = arith.muli %arg1, %mul3A : i32
    %add3A = arith.addi %mul3A_0, %arg0 : i32
    "tpu.region"() ({
      %run_scoped3A = tpu.sem_alloc : memref<!tpu.dma_semaphore, #tpu.memory_space<semaphore_mem>>
      tpu.enqueue_dma source(%arg3 : memref<41920xf32, #tpu.memory_space<hbm>>) target(%arg5 : memref<41920xf32, #tpu.memory_space<vmem>>) target_semaphore(%run_scoped3A : memref<!tpu.dma_semaphore, #tpu.memory_space<semaphore_mem>>)
      tpu.wait_dma2 semaphore(%run_scoped3A : memref<!tpu.dma_semaphore, #tpu.memory_space<semaphore_mem>>) src(%arg3 : memref<41920xf32, #tpu.memory_space<hbm>>) dst(%arg5 : memref<41920xf32, #tpu.memory_space<vmem>>)
      tpu.yield
    }) : () -> ()
    %mul3A_1 = arith.constant 6400 : i32
    %mul3A_2 = arith.muli %add3A, %mul3A_1 : i32
    %add3A_3 = arith.constant 0 : i32
    %add3A_4 = arith.addi %mul3A_2, %add3A_3 : i32
    %mul3A_5 = arith.constant 16 : i32
    %mul3A_6 = arith.muli %add3A_4, %mul3A_5 : i32
    %dma_start3A = arith.constant 0 : i32
    %dma_start3A_7 = tpu.memref_slice %arg6[%dma_start3A] : memref<4096xi32, #tpu.memory_space<vmem>> -> memref<2048xi32, #tpu.memory_space<vmem>>
    %dma_start3A_8 = tpu.memref_slice %arg2[%mul3A_6] : memref<3276800xi32, #tpu.memory_space<hbm>> -> memref<2048xi32, #tpu.memory_space<hbm>>
    %dma_start3A_9 = arith.constant 0 : i32
    %dma_start3A_10 = tpu.memref_slice %arg6[%dma_start3A_9] : memref<4096xi32, #tpu.memory_space<vmem>> -> memref<2048xi32, #tpu.memory_space<vmem>>
    %dma_start3A_11 = tpu.memref_slice %arg2[%mul3A_6] : memref<3276800xi32, #tpu.memory_space<hbm>> -> memref<2048xi32, #tpu.memory_space<hbm>>
    tpu.enqueue_dma source(%dma_start3A_11 : memref<2048xi32, #tpu.memory_space<hbm>>) target(%dma_start3A_10 : memref<2048xi32, #tpu.memory_space<vmem>>) target_semaphore(%arg8 : memref<!tpu.dma_semaphore, #tpu.memory_space<semaphore_mem>>)
    %mul3A_12 = arith.constant 6400 : i32
    %mul3A_13 = arith.muli %add3A, %mul3A_12 : i32
    %add3A_14 = arith.constant 0 : i32
    %add3A_15 = arith.addi %mul3A_13, %add3A_14 : i32
    %mul3A_16 = arith.constant 16 : i32
    %mul3A_17 = arith.muli %add3A_15, %mul3A_16 : i32
    %dma_wait3A = arith.constant 0 : i32
    %dma_wait3A_18 = tpu.memref_slice %arg6[%dma_wait3A] : memref<4096xi32, #tpu.memory_space<vmem>> -> memref<2048xi32, #tpu.memory_space<vmem>>
    %dma_wait3A_19 = tpu.memref_slice %arg2[%mul3A_17] : memref<3276800xi32, #tpu.memory_space<hbm>> -> memref<2048xi32, #tpu.memory_space<hbm>>
    %dma_wait3A_20 = arith.constant 0 : i32
    %dma_wait3A_21 = tpu.memref_slice %arg6[%dma_wait3A_20] : memref<4096xi32, #tpu.memory_space<vmem>> -> memref<2048xi32, #tpu.memory_space<vmem>>
    %dma_wait3A_22 = tpu.memref_slice %arg2[%mul3A_17] : memref<3276800xi32, #tpu.memory_space<hbm>> -> memref<2048xi32, #tpu.memory_space<hbm>>
    tpu.wait_dma2 semaphore(%arg8 : memref<!tpu.dma_semaphore, #tpu.memory_space<semaphore_mem>>) src(%dma_wait3A_22 : memref<2048xi32, #tpu.memory_space<hbm>>) dst(%dma_wait3A_21 : memref<2048xi32, #tpu.memory_space<vmem>>)
    %mul3A_23 = arith.constant 6400 : i32
    %mul3A_24 = arith.muli %add3A, %mul3A_23 : i32
    %add3A_25 = arith.constant 128 : i32
    %add3A_26 = arith.addi %mul3A_24, %add3A_25 : i32
    %mul3A_27 = arith.constant 16 : i32
    %mul3A_28 = arith.muli %add3A_26, %mul3A_27 : i32
    %dma_start3A_29 = arith.constant 2048 : i32
    %dma_start3A_30 = tpu.memref_slice %arg6[%dma_start3A_29] : memref<4096xi32, #tpu.memory_space<vmem>> -> memref<2048xi32, #tpu.memory_space<vmem>>
    %dma_start3A_31 = tpu.memref_slice %arg2[%mul3A_28] : memref<3276800xi32, #tpu.memory_space<hbm>> -> memref<2048xi32, #tpu.memory_space<hbm>>
    %dma_start3A_32 = arith.constant 2048 : i32
    %dma_start3A_33 = tpu.memref_slice %arg6[%dma_start3A_32] : memref<4096xi32, #tpu.memory_space<vmem>> -> memref<2048xi32, #tpu.memory_space<vmem>>
    %dma_start3A_34 = tpu.memref_slice %arg2[%mul3A_28] : memref<3276800xi32, #tpu.memory_space<hbm>> -> memref<2048xi32, #tpu.memory_space<hbm>>
    tpu.enqueue_dma source(%dma_start3A_34 : memref<2048xi32, #tpu.memory_space<hbm>>) target(%dma_start3A_33 : memref<2048xi32, #tpu.memory_space<vmem>>) target_semaphore(%arg8 : memref<!tpu.dma_semaphore, #tpu.memory_space<semaphore_mem>>)
    %scan3A = arith.constant 0 : i32
    %scan3A_35 = arith.constant 0 : i32
    %scan3A_36 = arith.constant 50 : i32
    %scan3A_37 = arith.addi %scan3A_35, %scan3A_36 : i32
    %scan3A_38 = arith.constant 1 : i32
    scf.for %scan3A_74 = %scan3A_35 to %scan3A_37 step %scan3A_38  : i32 {
      %jit3A = arith.constant 2 : i32
      %eq3A = arith.constant 0 : i32
      %eq3A_75 = arith.cmpi eq, %jit3A, %eq3A : i32
      %jit3A_76 = arith.constant 1 : i32
      %select_n3A = arith.select %eq3A_75, %jit3A_76, %jit3A : i32
      %rem3A = arith.remsi %scan3A_74, %select_n3A : i32
      %ne3A = arith.constant 0 : i32
      %ne3A_77 = arith.cmpi ne, %rem3A, %ne3A : i32
      %lt3A = arith.constant 0 : i32
      %lt3A_78 = arith.cmpi slt, %rem3A, %lt3A : i32
      %lt3A_79 = arith.constant 0 : i32
      %lt3A_80 = arith.cmpi slt, %select_n3A, %lt3A_79 : i32
      %ne3A_81 = arith.xori %lt3A_78, %lt3A_80 : i1
      %and3A = arith.andi %ne3A_81, %ne3A_77 : i1
      %add3A_82 = arith.addi %rem3A, %select_n3A : i32
      %select_n3A_83 = arith.select %and3A, %add3A_82, %rem3A : i32
      %ge3A = arith.constant 2 : i32
      %ge3A_84 = arith.cmpi sge, %scan3A_74, %ge3A : i32
      %convert_element_type3A = arith.extui %ge3A_84 : i1 to i32
      %cond3A = arith.constant 0 : i32
      %cond3A_85 = arith.cmpi ne, %convert_element_type3A, %cond3A : i32
      scf.if %cond3A_85 {
        %sub3A = arith.constant 2 : i32
        %sub3A_123 = arith.subi %scan3A_74, %sub3A : i32
        %mul3A_124 = arith.constant 6400 : i32
        %mul3A_125 = arith.muli %add3A, %mul3A_124 : i32
        %mul3A_126 = arith.constant 128 : i32
        %mul3A_127 = arith.muli %sub3A_123, %mul3A_126 : i32
        %add3A_128 = arith.addi %mul3A_125, %mul3A_127 : i32
        %dma_wait3A_129 = arith.constant 0 : i32
        %dma_wait3A_130 = arith.constant 0 : i32
        %dma_wait3A_131 = tpu.memref_slice %arg7[%select_n3A_83, %dma_wait3A_129, %dma_wait3A_130] : memref<2x128x64xf32, #tpu.memory_space<vmem>> -> memref<1x128x64xf32, #tpu.memory_space<vmem>>
        %dma_wait3A_132 = tpu.memref_squeeze %dma_wait3A_131 : memref<1x128x64xf32, #tpu.memory_space<vmem>> -> memref<128x64xf32, #tpu.memory_space<vmem>>
        %dma_wait3A_133 = arith.constant 0 : i32
        %dma_wait3A_134 = tpu.memref_slice %arg4[%add3A_128, %dma_wait3A_133] : memref<204800x64xf32, #tpu.memory_space<hbm>> -> memref<128x64xf32, #tpu.memory_space<hbm>>
        %dma_wait3A_135 = arith.constant 0 : i32
        %dma_wait3A_136 = tpu.memref_slice %arg4[%add3A_128, %dma_wait3A_135] : memref<204800x64xf32, #tpu.memory_space<hbm>> -> memref<128x64xf32, #tpu.memory_space<hbm>>
        %dma_wait3A_137 = arith.constant 0 : i32
        %dma_wait3A_138 = arith.constant 0 : i32
        %dma_wait3A_139 = tpu.memref_slice %arg7[%select_n3A_83, %dma_wait3A_137, %dma_wait3A_138] : memref<2x128x64xf32, #tpu.memory_space<vmem>> -> memref<1x128x64xf32, #tpu.memory_space<vmem>>
        %dma_wait3A_140 = tpu.memref_squeeze %dma_wait3A_139 : memref<1x128x64xf32, #tpu.memory_space<vmem>> -> memref<128x64xf32, #tpu.memory_space<vmem>>
        tpu.wait_dma2 semaphore(%arg9 : memref<!tpu.dma_semaphore, #tpu.memory_space<semaphore_mem>>) src(%dma_wait3A_140 : memref<128x64xf32, #tpu.memory_space<vmem>>) dst(%dma_wait3A_136 : memref<128x64xf32, #tpu.memory_space<hbm>>)
      } else {
      }
      %scan3A_86 = arith.constant 0 : i32
      %scan3A_87 = arith.constant 0 : i32
      %scan3A_88 = arith.constant 128 : i32
      %scan3A_89 = arith.addi %scan3A_87, %scan3A_88 : i32
      %scan3A_90 = arith.constant 2 : i32
      scf.for %scan3A_123 = %scan3A_87 to %scan3A_89 step %scan3A_90  : i32 {
        %mul3A_124 = arith.constant 128 : i32
        %mul3A_125 = arith.muli %select_n3A_83, %mul3A_124 : i32
        %add3A_126 = arith.addi %mul3A_125, %scan3A_123 : i32
        %mul3A_127 = arith.constant 16 : i32
        %mul3A_128 = arith.muli %add3A_126, %mul3A_127 : i32
        %get3A = arith.index_cast %mul3A_128 : i32 to index
        %get3A_129 = tpu.vector_load %arg6[%get3A] {strides = array<i32>} : memref<4096xi32, #tpu.memory_space<vmem>>, vector<16xi32>,
        %slice3A = vector.extract_strided_slice %get3A_129 {offsets = [0], sizes = [1], strides = [1]} : vector<16xi32> to vector<1xi32>
        %squeeze3A = vector.extract %slice3A[0] : i32 from vector<1xi32>
        %mul3A_130 = arith.constant 32 : i32
        %mul3A_131 = arith.muli %squeeze3A, %mul3A_130 : i32
        %slice3A_132 = vector.extract_strided_slice %get3A_129 {offsets = [1], sizes = [1], strides = [1]} : vector<16xi32> to vector<1xi32>
        %squeeze3A_133 = vector.extract %slice3A_132[0] : i32 from vector<1xi32>
        %mul3A_134 = arith.constant 32 : i32
        %mul3A_135 = arith.muli %squeeze3A_133, %mul3A_134 : i32
        %slice3A_136 = vector.extract_strided_slice %get3A_129 {offsets = [2], sizes = [1], strides = [1]} : vector<16xi32> to vector<1xi32>
        %squeeze3A_137 = vector.extract %slice3A_136[0] : i32 from vector<1xi32>
        %mul3A_138 = arith.constant 32 : i32
        %mul3A_139 = arith.muli %squeeze3A_137, %mul3A_138 : i32
        %slice3A_140 = vector.extract_strided_slice %get3A_129 {offsets = [3], sizes = [1], strides = [1]} : vector<16xi32> to vector<1xi32>
        %squeeze3A_141 = vector.extract %slice3A_140[0] : i32 from vector<1xi32>
        %mul3A_142 = arith.constant 32 : i32
        %mul3A_143 = arith.muli %squeeze3A_141, %mul3A_142 : i32
        %slice3A_144 = vector.extract_strided_slice %get3A_129 {offsets = [4], sizes = [1], strides = [1]} : vector<16xi32> to vector<1xi32>
        %squeeze3A_145 = vector.extract %slice3A_144[0] : i32 from vector<1xi32>
        %mul3A_146 = arith.constant 32 : i32
        %mul3A_147 = arith.muli %squeeze3A_145, %mul3A_146 : i32
        %slice3A_148 = vector.extract_strided_slice %get3A_129 {offsets = [5], sizes = [1], strides = [1]} : vector<16xi32> to vector<1xi32>
        %squeeze3A_149 = vector.extract %slice3A_148[0] : i32 from vector<1xi32>
        %mul3A_150 = arith.constant 32 : i32
        %mul3A_151 = arith.muli %squeeze3A_149, %mul3A_150 : i32
        %slice3A_152 = vector.extract_strided_slice %get3A_129 {offsets = [6], sizes = [1], strides = [1]} : vector<16xi32> to vector<1xi32>
        %squeeze3A_153 = vector.extract %slice3A_152[0] : i32 from vector<1xi32>
        %mul3A_154 = arith.constant 32 : i32
        %mul3A_155 = arith.muli %squeeze3A_153, %mul3A_154 : i32
        %slice3A_156 = vector.extract_strided_slice %get3A_129 {offsets = [7], sizes = [1], strides = [1]} : vector<16xi32> to vector<1xi32>
        %squeeze3A_157 = vector.extract %slice3A_156[0] : i32 from vector<1xi32>
        %mul3A_158 = arith.constant 32 : i32
        %mul3A_159 = arith.muli %squeeze3A_157, %mul3A_158 : i32
        %slice3A_160 = vector.extract_strided_slice %get3A_129 {offsets = [8], sizes = [1], strides = [1]} : vector<16xi32> to vector<1xi32>
        %squeeze3A_161 = vector.extract %slice3A_160[0] : i32 from vector<1xi32>
        %mul3A_162 = arith.constant 32 : i32
        %mul3A_163 = arith.muli %squeeze3A_161, %mul3A_162 : i32
        %slice3A_164 = vector.extract_strided_slice %get3A_129 {offsets = [9], sizes = [1], strides = [1]} : vector<16xi32> to vector<1xi32>
        %squeeze3A_165 = vector.extract %slice3A_164[0] : i32 from vector<1xi32>
        %mul3A_166 = arith.constant 32 : i32
        %mul3A_167 = arith.muli %squeeze3A_165, %mul3A_166 : i32
        %slice3A_168 = vector.extract_strided_slice %get3A_129 {offsets = [10], sizes = [1], strides = [1]} : vector<16xi32> to vector<1xi32>
        %squeeze3A_169 = vector.extract %slice3A_168[0] : i32 from vector<1xi32>
        %mul3A_170 = arith.constant 32 : i32
        %mul3A_171 = arith.muli %squeeze3A_169, %mul3A_170 : i32
        %slice3A_172 = vector.extract_strided_slice %get3A_129 {offsets = [11], sizes = [1], strides = [1]} : vector<16xi32> to vector<1xi32>
        %squeeze3A_173 = vector.extract %slice3A_172[0] : i32 from vector<1xi32>
        %mul3A_174 = arith.constant 32 : i32
        %mul3A_175 = arith.muli %squeeze3A_173, %mul3A_174 : i32
        %slice3A_176 = vector.extract_strided_slice %get3A_129 {offsets = [12], sizes = [1], strides = [1]} : vector<16xi32> to vector<1xi32>
        %squeeze3A_177 = vector.extract %slice3A_176[0] : i32 from vector<1xi32>
        %mul3A_178 = arith.constant 32 : i32
        %mul3A_179 = arith.muli %squeeze3A_177, %mul3A_178 : i32
        %slice3A_180 = vector.extract_strided_slice %get3A_129 {offsets = [13], sizes = [1], strides = [1]} : vector<16xi32> to vector<1xi32>
        %squeeze3A_181 = vector.extract %slice3A_180[0] : i32 from vector<1xi32>
        %mul3A_182 = arith.constant 32 : i32
        %mul3A_183 = arith.muli %squeeze3A_181, %mul3A_182 : i32
        %slice3A_184 = vector.extract_strided_slice %get3A_129 {offsets = [14], sizes = [1], strides = [1]} : vector<16xi32> to vector<1xi32>
        %squeeze3A_185 = vector.extract %slice3A_184[0] : i32 from vector<1xi32>
        %mul3A_186 = arith.constant 32 : i32
        %mul3A_187 = arith.muli %squeeze3A_185, %mul3A_186 : i32
        %slice3A_188 = vector.extract_strided_slice %get3A_129 {offsets = [15], sizes = [1], strides = [1]} : vector<16xi32> to vector<1xi32>
        %squeeze3A_189 = vector.extract %slice3A_188[0] : i32 from vector<1xi32>
        %mul3A_190 = arith.constant 32 : i32
        %mul3A_191 = arith.muli %squeeze3A_189, %mul3A_190 : i32
        %add3A_192 = arith.constant 0 : i32
        %add3A_193 = arith.addi %mul3A_131, %add3A_192 : i32
        %get3A_194 = arith.index_cast %add3A_193 : i32 to index
        %get3A_195 = tpu.vector_load %arg5[%get3A_194] {strides = array<i32>} : memref<41920xf32, #tpu.memory_space<vmem>>, vector<16xf32>,
        %bitcast3A = vector.bitcast %get3A_195 : vector<16xf32> to vector<32xbf16>
        %add3A_196 = arith.constant 16 : i32
        %add3A_197 = arith.addi %add3A_193, %add3A_196 : i32
        %get3A_198 = arith.index_cast %add3A_197 : i32 to index
        %get3A_199 = tpu.vector_load %arg5[%get3A_198] {strides = array<i32>} : memref<41920xf32, #tpu.memory_space<vmem>>, vector<16xf32>,
        %bitcast3A_200 = vector.bitcast %get3A_199 : vector<16xf32> to vector<32xbf16>
        %add3A_201 = arith.constant 8384 : i32
        %add3A_202 = arith.addi %mul3A_135, %add3A_201 : i32
        %get3A_203 = arith.index_cast %add3A_202 : i32 to index
        %get3A_204 = tpu.vector_load %arg5[%get3A_203] {strides = array<i32>} : memref<41920xf32, #tpu.memory_space<vmem>>, vector<16xf32>,
        %bitcast3A_205 = vector.bitcast %get3A_204 : vector<16xf32> to vector<32xbf16>
        %add3A_206 = arith.constant 16 : i32
        %add3A_207 = arith.addi %add3A_202, %add3A_206 : i32
        %get3A_208 = arith.index_cast %add3A_207 : i32 to index
        %get3A_209 = tpu.vector_load %arg5[%get3A_208] {strides = array<i32>} : memref<41920xf32, #tpu.memory_space<vmem>>, vector<16xf32>,
        %bitcast3A_210 = vector.bitcast %get3A_209 : vector<16xf32> to vector<32xbf16>
        %add3A_211 = arith.addf %bitcast3A, %bitcast3A_205 : vector<32xbf16>
        %add3A_212 = arith.addf %bitcast3A_200, %bitcast3A_210 : vector<32xbf16>
        %add3A_213 = arith.constant 16768 : i32
        %add3A_214 = arith.addi %mul3A_139, %add3A_213 : i32
        %get3A_215 = arith.index_cast %add3A_214 : i32 to index
        %get3A_216 = tpu.vector_load %arg5[%get3A_215] {strides = array<i32>} : memref<41920xf32, #tpu.memory_space<vmem>>, vector<16xf32>,
        %bitcast3A_217 = vector.bitcast %get3A_216 : vector<16xf32> to vector<32xbf16>
        %add3A_218 = arith.constant 16 : i32
        %add3A_219 = arith.addi %add3A_214, %add3A_218 : i32
        %get3A_220 = arith.index_cast %add3A_219 : i32 to index
        %get3A_221 = tpu.vector_load %arg5[%get3A_220] {strides = array<i32>} : memref<41920xf32, #tpu.memory_space<vmem>>, vector<16xf32>,
        %bitcast3A_222 = vector.bitcast %get3A_221 : vector<16xf32> to vector<32xbf16>
        %add3A_223 = arith.addf %add3A_211, %bitcast3A_217 : vector<32xbf16>
        %add3A_224 = arith.addf %add3A_212, %bitcast3A_222 : vector<32xbf16>
        %add3A_225 = arith.constant 25152 : i32
        %add3A_226 = arith.addi %mul3A_143, %add3A_225 : i32
        %get3A_227 = arith.index_cast %add3A_226 : i32 to index
        %get3A_228 = tpu.vector_load %arg5[%get3A_227] {strides = array<i32>} : memref<41920xf32, #tpu.memory_space<vmem>>, vector<16xf32>,
        %bitcast3A_229 = vector.bitcast %get3A_228 : vector<16xf32> to vector<32xbf16>
        %add3A_230 = arith.constant 16 : i32
        %add3A_231 = arith.addi %add3A_226, %add3A_230 : i32
        %get3A_232 = arith.index_cast %add3A_231 : i32 to index
        %get3A_233 = tpu.vector_load %arg5[%get3A_232] {strides = array<i32>} : memref<41920xf32, #tpu.memory_space<vmem>>, vector<16xf32>,
        %bitcast3A_234 = vector.bitcast %get3A_233 : vector<16xf32> to vector<32xbf16>
        %add3A_235 = arith.addf %add3A_223, %bitcast3A_229 : vector<32xbf16>
        %add3A_236 = arith.addf %add3A_224, %bitcast3A_234 : vector<32xbf16>
        %add3A_237 = arith.constant 33536 : i32
        %add3A_238 = arith.addi %mul3A_147, %add3A_237 : i32
        %get3A_239 = arith.index_cast %add3A_238 : i32 to index
        %get3A_240 = tpu.vector_load %arg5[%get3A_239] {strides = array<i32>} : memref<41920xf32, #tpu.memory_space<vmem>>, vector<16xf32>,
        %bitcast3A_241 = vector.bitcast %get3A_240 : vector<16xf32> to vector<32xbf16>
        %add3A_242 = arith.constant 16 : i32
        %add3A_243 = arith.addi %add3A_238, %add3A_242 : i32
        %get3A_244 = arith.index_cast %add3A_243 : i32 to index
        %get3A_245 = tpu.vector_load %arg5[%get3A_244] {strides = array<i32>} : memref<41920xf32, #tpu.memory_space<vmem>>, vector<16xf32>,
        %bitcast3A_246 = vector.bitcast %get3A_245 : vector<16xf32> to vector<32xbf16>
        %add3A_247 = arith.addf %add3A_235, %bitcast3A_241 : vector<32xbf16>
        %add3A_248 = arith.addf %add3A_236, %bitcast3A_246 : vector<32xbf16>
        %max3A = arith.constant 0.000000e+00 : bf16
        %max3A_249 = vector.broadcast %max3A : bf16 to vector<32xbf16>
        %max3A_250 = arith.maximumf %add3A_247, %max3A_249 : vector<32xbf16>
        %max3A_251 = arith.constant 0.000000e+00 : bf16
        %max3A_252 = vector.broadcast %max3A_251 : bf16 to vector<32xbf16>
        %max3A_253 = arith.maximumf %add3A_248, %max3A_252 : vector<32xbf16>
        %add3A_254 = arith.constant 0 : i32
        %add3A_255 = arith.addi %mul3A_135, %add3A_254 : i32
        %get3A_256 = arith.index_cast %add3A_255 : i32 to index
        %get3A_257 = tpu.vector_load %arg5[%get3A_256] {strides = array<i32>} : memref<41920xf32, #tpu.memory_space<vmem>>, vector<16xf32>,
        %bitcast3A_258 = vector.bitcast %get3A_257 : vector<16xf32> to vector<32xbf16>
        %add3A_259 = arith.constant 16 : i32
        %add3A_260 = arith.addi %add3A_255, %add3A_259 : i32
        %get3A_261 = arith.index_cast %add3A_260 : i32 to index
        %get3A_262 = tpu.vector_load %arg5[%get3A_261] {strides = array<i32>} : memref<41920xf32, #tpu.memory_space<vmem>>, vector<16xf32>,
        %bitcast3A_263 = vector.bitcast %get3A_262 : vector<16xf32> to vector<32xbf16>
        %add3A_264 = arith.constant 8384 : i32
        %add3A_265 = arith.addi %mul3A_139, %add3A_264 : i32
        %get3A_266 = arith.index_cast %add3A_265 : i32 to index
        %get3A_267 = tpu.vector_load %arg5[%get3A_266] {strides = array<i32>} : memref<41920xf32, #tpu.memory_space<vmem>>, vector<16xf32>,
        %bitcast3A_268 = vector.bitcast %get3A_267 : vector<16xf32> to vector<32xbf16>
        %add3A_269 = arith.constant 16 : i32
        %add3A_270 = arith.addi %add3A_265, %add3A_269 : i32
        %get3A_271 = arith.index_cast %add3A_270 : i32 to index
        %get3A_272 = tpu.vector_load %arg5[%get3A_271] {strides = array<i32>} : memref<41920xf32, #tpu.memory_space<vmem>>, vector<16xf32>,
        %bitcast3A_273 = vector.bitcast %get3A_272 : vector<16xf32> to vector<32xbf16>
        %add3A_274 = arith.addf %bitcast3A_258, %bitcast3A_268 : vector<32xbf16>
        %add3A_275 = arith.addf %bitcast3A_263, %bitcast3A_273 : vector<32xbf16>
        %add3A_276 = arith.constant 16768 : i32
        %add3A_277 = arith.addi %mul3A_143, %add3A_276 : i32
        %get3A_278 = arith.index_cast %add3A_277 : i32 to index
        %get3A_279 = tpu.vector_load %arg5[%get3A_278] {strides = array<i32>} : memref<41920xf32, #tpu.memory_space<vmem>>, vector<16xf32>,
        %bitcast3A_280 = vector.bitcast %get3A_279 : vector<16xf32> to vector<32xbf16>
        %add3A_281 = arith.constant 16 : i32
        %add3A_282 = arith.addi %add3A_277, %add3A_281 : i32
        %get3A_283 = arith.index_cast %add3A_282 : i32 to index
        %get3A_284 = tpu.vector_load %arg5[%get3A_283] {strides = array<i32>} : memref<41920xf32, #tpu.memory_space<vmem>>, vector<16xf32>,
        %bitcast3A_285 = vector.bitcast %get3A_284 : vector<16xf32> to vector<32xbf16>
        %add3A_286 = arith.addf %add3A_274, %bitcast3A_280 : vector<32xbf16>
        %add3A_287 = arith.addf %add3A_275, %bitcast3A_285 : vector<32xbf16>
        %add3A_288 = arith.constant 25152 : i32
        %add3A_289 = arith.addi %mul3A_147, %add3A_288 : i32
        %get3A_290 = arith.index_cast %add3A_289 : i32 to index
        %get3A_291 = tpu.vector_load %arg5[%get3A_290] {strides = array<i32>} : memref<41920xf32, #tpu.memory_space<vmem>>, vector<16xf32>,
        %bitcast3A_292 = vector.bitcast %get3A_291 : vector<16xf32> to vector<32xbf16>
        %add3A_293 = arith.constant 16 : i32
        %add3A_294 = arith.addi %add3A_289, %add3A_293 : i32
        %get3A_295 = arith.index_cast %add3A_294 : i32 to index
        %get3A_296 = tpu.vector_load %arg5[%get3A_295] {strides = array<i32>} : memref<41920xf32, #tpu.memory_space<vmem>>, vector<16xf32>,
        %bitcast3A_297 = vector.bitcast %get3A_296 : vector<16xf32> to vector<32xbf16>
        %add3A_298 = arith.addf %add3A_286, %bitcast3A_292 : vector<32xbf16>
        %add3A_299 = arith.addf %add3A_287, %bitcast3A_297 : vector<32xbf16>
        %add3A_300 = arith.constant 33536 : i32
        %add3A_301 = arith.addi %mul3A_151, %add3A_300 : i32
        %get3A_302 = arith.index_cast %add3A_301 : i32 to index
        %get3A_303 = tpu.vector_load %arg5[%get3A_302] {strides = array<i32>} : memref<41920xf32, #tpu.memory_space<vmem>>, vector<16xf32>,
        %bitcast3A_304 = vector.bitcast %get3A_303 : vector<16xf32> to vector<32xbf16>
        %add3A_305 = arith.constant 16 : i32
        %add3A_306 = arith.addi %add3A_301, %add3A_305 : i32
        %get3A_307 = arith.index_cast %add3A_306 : i32 to index
        %get3A_308 = tpu.vector_load %arg5[%get3A_307] {strides = array<i32>} : memref<41920xf32, #tpu.memory_space<vmem>>, vector<16xf32>,
        %bitcast3A_309 = vector.bitcast %get3A_308 : vector<16xf32> to vector<32xbf16>
        %add3A_310 = arith.addf %add3A_298, %bitcast3A_304 : vector<32xbf16>
        %add3A_311 = arith.addf %add3A_299, %bitcast3A_309 : vector<32xbf16>
        %max3A_312 = arith.constant 0.000000e+00 : bf16
        %max3A_313 = vector.broadcast %max3A_312 : bf16 to vector<32xbf16>
        %max3A_314 = arith.maximumf %add3A_310, %max3A_313 : vector<32xbf16>
        %max3A_315 = arith.constant 0.000000e+00 : bf16
        %max3A_316 = vector.broadcast %max3A_315 : bf16 to vector<32xbf16>
        %max3A_317 = arith.maximumf %add3A_311, %max3A_316 : vector<32xbf16>
        %max3A_318 = arith.maximumf %max3A_250, %max3A_314 : vector<32xbf16>
        %max3A_319 = arith.maximumf %max3A_253, %max3A_317 : vector<32xbf16>
        %add3A_320 = arith.constant 0 : i32
        %add3A_321 = arith.addi %mul3A_139, %add3A_320 : i32
        %get3A_322 = arith.index_cast %add3A_321 : i32 to index
        %get3A_323 = tpu.vector_load %arg5[%get3A_322] {strides = array<i32>} : memref<41920xf32, #tpu.memory_space<vmem>>, vector<16xf32>,
        %bitcast3A_324 = vector.bitcast %get3A_323 : vector<16xf32> to vector<32xbf16>
        %add3A_325 = arith.constant 16 : i32
        %add3A_326 = arith.addi %add3A_321, %add3A_325 : i32
        %get3A_327 = arith.index_cast %add3A_326 : i32 to index
        %get3A_328 = tpu.vector_load %arg5[%get3A_327] {strides = array<i32>} : memref<41920xf32, #tpu.memory_space<vmem>>, vector<16xf32>,
        %bitcast3A_329 = vector.bitcast %get3A_328 : vector<16xf32> to vector<32xbf16>
        %add3A_330 = arith.constant 8384 : i32
        %add3A_331 = arith.addi %mul3A_143, %add3A_330 : i32
        %get3A_332 = arith.index_cast %add3A_331 : i32 to index
        %get3A_333 = tpu.vector_load %arg5[%get3A_332] {strides = array<i32>} : memref<41920xf32, #tpu.memory_space<vmem>>, vector<16xf32>,
        %bitcast3A_334 = vector.bitcast %get3A_333 : vector<16xf32> to vector<32xbf16>
        %add3A_335 = arith.constant 16 : i32
        %add3A_336 = arith.addi %add3A_331, %add3A_335 : i32
        %get3A_337 = arith.index_cast %add3A_336 : i32 to index
        %get3A_338 = tpu.vector_load %arg5[%get3A_337] {strides = array<i32>} : memref<41920xf32, #tpu.memory_space<vmem>>, vector<16xf32>,
        %bitcast3A_339 = vector.bitcast %get3A_338 : vector<16xf32> to vector<32xbf16>
        %add3A_340 = arith.addf %bitcast3A_324, %bitcast3A_334 : vector<32xbf16>
        %add3A_341 = arith.addf %bitcast3A_329, %bitcast3A_339 : vector<32xbf16>
        %add3A_342 = arith.constant 16768 : i32
        %add3A_343 = arith.addi %mul3A_147, %add3A_342 : i32
        %get3A_344 = arith.index_cast %add3A_343 : i32 to index
        %get3A_345 = tpu.vector_load %arg5[%get3A_344] {strides = array<i32>} : memref<41920xf32, #tpu.memory_space<vmem>>, vector<16xf32>,
        %bitcast3A_346 = vector.bitcast %get3A_345 : vector<16xf32> to vector<32xbf16>
        %add3A_347 = arith.constant 16 : i32
        %add3A_348 = arith.addi %add3A_343, %add3A_347 : i32
        %get3A_349 = arith.index_cast %add3A_348 : i32 to index
        %get3A_350 = tpu.vector_load %arg5[%get3A_349] {strides = array<i32>} : memref<41920xf32, #tpu.memory_space<vmem>>, vector<16xf32>,
        %bitcast3A_351 = vector.bitcast %get3A_350 : vector<16xf32> to vector<32xbf16>
        %add3A_352 = arith.addf %add3A_340, %bitcast3A_346 : vector<32xbf16>
        %add3A_353 = arith.addf %add3A_341, %bitcast3A_351 : vector<32xbf16>
        %add3A_354 = arith.constant 25152 : i32
        %add3A_355 = arith.addi %mul3A_151, %add3A_354 : i32
        %get3A_356 = arith.index_cast %add3A_355 : i32 to index
        %get3A_357 = tpu.vector_load %arg5[%get3A_356] {strides = array<i32>} : memref<41920xf32, #tpu.memory_space<vmem>>, vector<16xf32>,
        %bitcast3A_358 = vector.bitcast %get3A_357 : vector<16xf32> to vector<32xbf16>
        %add3A_359 = arith.constant 16 : i32
        %add3A_360 = arith.addi %add3A_355, %add3A_359 : i32
        %get3A_361 = arith.index_cast %add3A_360 : i32 to index
        %get3A_362 = tpu.vector_load %arg5[%get3A_361] {strides = array<i32>} : memref<41920xf32, #tpu.memory_space<vmem>>, vector<16xf32>,
        %bitcast3A_363 = vector.bitcast %get3A_362 : vector<16xf32> to vector<32xbf16>
        %add3A_364 = arith.addf %add3A_352, %bitcast3A_358 : vector<32xbf16>
        %add3A_365 = arith.addf %add3A_353, %bitcast3A_363 : vector<32xbf16>
        %add3A_366 = arith.constant 33536 : i32
        %add3A_367 = arith.addi %mul3A_155, %add3A_366 : i32
        %get3A_368 = arith.index_cast %add3A_367 : i32 to index
        %get3A_369 = tpu.vector_load %arg5[%get3A_368] {strides = array<i32>} : memref<41920xf32, #tpu.memory_space<vmem>>, vector<16xf32>,
        %bitcast3A_370 = vector.bitcast %get3A_369 : vector<16xf32> to vector<32xbf16>
        %add3A_371 = arith.constant 16 : i32
        %add3A_372 = arith.addi %add3A_367, %add3A_371 : i32
        %get3A_373 = arith.index_cast %add3A_372 : i32 to index
        %get3A_374 = tpu.vector_load %arg5[%get3A_373] {strides = array<i32>} : memref<41920xf32, #tpu.memory_space<vmem>>, vector<16xf32>,
        %bitcast3A_375 = vector.bitcast %get3A_374 : vector<16xf32> to vector<32xbf16>
        %add3A_376 = arith.addf %add3A_364, %bitcast3A_370 : vector<32xbf16>
        %add3A_377 = arith.addf %add3A_365, %bitcast3A_375 : vector<32xbf16>
        %max3A_378 = arith.constant 0.000000e+00 : bf16
        %max3A_379 = vector.broadcast %max3A_378 : bf16 to vector<32xbf16>
        %max3A_380 = arith.maximumf %add3A_376, %max3A_379 : vector<32xbf16>
        %max3A_381 = arith.constant 0.000000e+00 : bf16
        %max3A_382 = vector.broadcast %max3A_381 : bf16 to vector<32xbf16>
        %max3A_383 = arith.maximumf %add3A_377, %max3A_382 : vector<32xbf16>
        %max3A_384 = arith.maximumf %max3A_318, %max3A_380 : vector<32xbf16>
        %max3A_385 = arith.maximumf %max3A_319, %max3A_383 : vector<32xbf16>
        %add3A_386 = arith.constant 0 : i32
        %add3A_387 = arith.addi %mul3A_143, %add3A_386 : i32
        %get3A_388 = arith.index_cast %add3A_387 : i32 to index
        %get3A_389 = tpu.vector_load %arg5[%get3A_388] {strides = array<i32>} : memref<41920xf32, #tpu.memory_space<vmem>>, vector<16xf32>,
        %bitcast3A_390 = vector.bitcast %get3A_389 : vector<16xf32> to vector<32xbf16>
        %add3A_391 = arith.constant 16 : i32
        %add3A_392 = arith.addi %add3A_387, %add3A_391 : i32
        %get3A_393 = arith.index_cast %add3A_392 : i32 to index
        %get3A_394 = tpu.vector_load %arg5[%get3A_393] {strides = array<i32>} : memref<41920xf32, #tpu.memory_space<vmem>>, vector<16xf32>,
        %bitcast3A_395 = vector.bitcast %get3A_394 : vector<16xf32> to vector<32xbf16>
        %add3A_396 = arith.constant 8384 : i32
        %add3A_397 = arith.addi %mul3A_147, %add3A_396 : i32
        %get3A_398 = arith.index_cast %add3A_397 : i32 to index
        %get3A_399 = tpu.vector_load %arg5[%get3A_398] {strides = array<i32>} : memref<41920xf32, #tpu.memory_space<vmem>>, vector<16xf32>,
        %bitcast3A_400 = vector.bitcast %get3A_399 : vector<16xf32> to vector<32xbf16>
        %add3A_401 = arith.constant 16 : i32
        %add3A_402 = arith.addi %add3A_397, %add3A_401 : i32
        %get3A_403 = arith.index_cast %add3A_402 : i32 to index
        %get3A_404 = tpu.vector_load %arg5[%get3A_403] {strides = array<i32>} : memref<41920xf32, #tpu.memory_space<vmem>>, vector<16xf32>,
        %bitcast3A_405 = vector.bitcast %get3A_404 : vector<16xf32> to vector<32xbf16>
        %add3A_406 = arith.addf %bitcast3A_390, %bitcast3A_400 : vector<32xbf16>
        %add3A_407 = arith.addf %bitcast3A_395, %bitcast3A_405 : vector<32xbf16>
        %add3A_408 = arith.constant 16768 : i32
        %add3A_409 = arith.addi %mul3A_151, %add3A_408 : i32
        %get3A_410 = arith.index_cast %add3A_409 : i32 to index
        %get3A_411 = tpu.vector_load %arg5[%get3A_410] {strides = array<i32>} : memref<41920xf32, #tpu.memory_space<vmem>>, vector<16xf32>,
        %bitcast3A_412 = vector.bitcast %get3A_411 : vector<16xf32> to vector<32xbf16>
        %add3A_413 = arith.constant 16 : i32
        %add3A_414 = arith.addi %add3A_409, %add3A_413 : i32
        %get3A_415 = arith.index_cast %add3A_414 : i32 to index
        %get3A_416 = tpu.vector_load %arg5[%get3A_415] {strides = array<i32>} : memref<41920xf32, #tpu.memory_space<vmem>>, vector<16xf32>,
        %bitcast3A_417 = vector.bitcast %get3A_416 : vector<16xf32> to vector<32xbf16>
        %add3A_418 = arith.addf %add3A_406, %bitcast3A_412 : vector<32xbf16>
        %add3A_419 = arith.addf %add3A_407, %bitcast3A_417 : vector<32xbf16>
        %add3A_420 = arith.constant 25152 : i32
        %add3A_421 = arith.addi %mul3A_155, %add3A_420 : i32
        %get3A_422 = arith.index_cast %add3A_421 : i32 to index
        %get3A_423 = tpu.vector_load %arg5[%get3A_422] {strides = array<i32>} : memref<41920xf32, #tpu.memory_space<vmem>>, vector<16xf32>,
        %bitcast3A_424 = vector.bitcast %get3A_423 : vector<16xf32> to vector<32xbf16>
        %add3A_425 = arith.constant 16 : i32
        %add3A_426 = arith.addi %add3A_421, %add3A_425 : i32
        %get3A_427 = arith.index_cast %add3A_426 : i32 to index
        %get3A_428 = tpu.vector_load %arg5[%get3A_427] {strides = array<i32>} : memref<41920xf32, #tpu.memory_space<vmem>>, vector<16xf32>,
        %bitcast3A_429 = vector.bitcast %get3A_428 : vector<16xf32> to vector<32xbf16>
        %add3A_430 = arith.addf %add3A_418, %bitcast3A_424 : vector<32xbf16>
        %add3A_431 = arith.addf %add3A_419, %bitcast3A_429 : vector<32xbf16>
        %add3A_432 = arith.constant 33536 : i32
        %add3A_433 = arith.addi %mul3A_159, %add3A_432 : i32
        %get3A_434 = arith.index_cast %add3A_433 : i32 to index
        %get3A_435 = tpu.vector_load %arg5[%get3A_434] {strides = array<i32>} : memref<41920xf32, #tpu.memory_space<vmem>>, vector<16xf32>,
        %bitcast3A_436 = vector.bitcast %get3A_435 : vector<16xf32> to vector<32xbf16>
        %add3A_437 = arith.constant 16 : i32
        %add3A_438 = arith.addi %add3A_433, %add3A_437 : i32
        %get3A_439 = arith.index_cast %add3A_438 : i32 to index
        %get3A_440 = tpu.vector_load %arg5[%get3A_439] {strides = array<i32>} : memref<41920xf32, #tpu.memory_space<vmem>>, vector<16xf32>,
        %bitcast3A_441 = vector.bitcast %get3A_440 : vector<16xf32> to vector<32xbf16>
        %add3A_442 = arith.addf %add3A_430, %bitcast3A_436 : vector<32xbf16>
        %add3A_443 = arith.addf %add3A_431, %bitcast3A_441 : vector<32xbf16>
        %max3A_444 = arith.constant 0.000000e+00 : bf16
        %max3A_445 = vector.broadcast %max3A_444 : bf16 to vector<32xbf16>
        %max3A_446 = arith.maximumf %add3A_442, %max3A_445 : vector<32xbf16>
        %max3A_447 = arith.constant 0.000000e+00 : bf16
        %max3A_448 = vector.broadcast %max3A_447 : bf16 to vector<32xbf16>
        %max3A_449 = arith.maximumf %add3A_443, %max3A_448 : vector<32xbf16>
        %max3A_450 = arith.maximumf %max3A_384, %max3A_446 : vector<32xbf16>
        %max3A_451 = arith.maximumf %max3A_385, %max3A_449 : vector<32xbf16>
        %add3A_452 = arith.constant 0 : i32
        %add3A_453 = arith.addi %mul3A_147, %add3A_452 : i32
        %get3A_454 = arith.index_cast %add3A_453 : i32 to index
        %get3A_455 = tpu.vector_load %arg5[%get3A_454] {strides = array<i32>} : memref<41920xf32, #tpu.memory_space<vmem>>, vector<16xf32>,
        %bitcast3A_456 = vector.bitcast %get3A_455 : vector<16xf32> to vector<32xbf16>
        %add3A_457 = arith.constant 16 : i32
        %add3A_458 = arith.addi %add3A_453, %add3A_457 : i32
        %get3A_459 = arith.index_cast %add3A_458 : i32 to index
        %get3A_460 = tpu.vector_load %arg5[%get3A_459] {strides = array<i32>} : memref<41920xf32, #tpu.memory_space<vmem>>, vector<16xf32>,
        %bitcast3A_461 = vector.bitcast %get3A_460 : vector<16xf32> to vector<32xbf16>
        %add3A_462 = arith.constant 8384 : i32
        %add3A_463 = arith.addi %mul3A_151, %add3A_462 : i32
        %get3A_464 = arith.index_cast %add3A_463 : i32 to index
        %get3A_465 = tpu.vector_load %arg5[%get3A_464] {strides = array<i32>} : memref<41920xf32, #tpu.memory_space<vmem>>, vector<16xf32>,
        %bitcast3A_466 = vector.bitcast %get3A_465 : vector<16xf32> to vector<32xbf16>
        %add3A_467 = arith.constant 16 : i32
        %add3A_468 = arith.addi %add3A_463, %add3A_467 : i32
        %get3A_469 = arith.index_cast %add3A_468 : i32 to index
        %get3A_470 = tpu.vector_load %arg5[%get3A_469] {strides = array<i32>} : memref<41920xf32, #tpu.memory_space<vmem>>, vector<16xf32>,
        %bitcast3A_471 = vector.bitcast %get3A_470 : vector<16xf32> to vector<32xbf16>
        %add3A_472 = arith.addf %bitcast3A_456, %bitcast3A_466 : vector<32xbf16>
        %add3A_473 = arith.addf %bitcast3A_461, %bitcast3A_471 : vector<32xbf16>
        %add3A_474 = arith.constant 16768 : i32
        %add3A_475 = arith.addi %mul3A_155, %add3A_474 : i32
        %get3A_476 = arith.index_cast %add3A_475 : i32 to index
        %get3A_477 = tpu.vector_load %arg5[%get3A_476] {strides = array<i32>} : memref<41920xf32, #tpu.memory_space<vmem>>, vector<16xf32>,
        %bitcast3A_478 = vector.bitcast %get3A_477 : vector<16xf32> to vector<32xbf16>
        %add3A_479 = arith.constant 16 : i32
        %add3A_480 = arith.addi %add3A_475, %add3A_479 : i32
        %get3A_481 = arith.index_cast %add3A_480 : i32 to index
        %get3A_482 = tpu.vector_load %arg5[%get3A_481] {strides = array<i32>} : memref<41920xf32, #tpu.memory_space<vmem>>, vector<16xf32>,
        %bitcast3A_483 = vector.bitcast %get3A_482 : vector<16xf32> to vector<32xbf16>
        %add3A_484 = arith.addf %add3A_472, %bitcast3A_478 : vector<32xbf16>
        %add3A_485 = arith.addf %add3A_473, %bitcast3A_483 : vector<32xbf16>
        %add3A_486 = arith.constant 25152 : i32
        %add3A_487 = arith.addi %mul3A_159, %add3A_486 : i32
        %get3A_488 = arith.index_cast %add3A_487 : i32 to index
        %get3A_489 = tpu.vector_load %arg5[%get3A_488] {strides = array<i32>} : memref<41920xf32, #tpu.memory_space<vmem>>, vector<16xf32>,
        %bitcast3A_490 = vector.bitcast %get3A_489 : vector<16xf32> to vector<32xbf16>
        %add3A_491 = arith.constant 16 : i32
        %add3A_492 = arith.addi %add3A_487, %add3A_491 : i32
        %get3A_493 = arith.index_cast %add3A_492 : i32 to index
        %get3A_494 = tpu.vector_load %arg5[%get3A_493] {strides = array<i32>} : memref<41920xf32, #tpu.memory_space<vmem>>, vector<16xf32>,
        %bitcast3A_495 = vector.bitcast %get3A_494 : vector<16xf32> to vector<32xbf16>
        %add3A_496 = arith.addf %add3A_484, %bitcast3A_490 : vector<32xbf16>
        %add3A_497 = arith.addf %add3A_485, %bitcast3A_495 : vector<32xbf16>
        %add3A_498 = arith.constant 33536 : i32
        %add3A_499 = arith.addi %mul3A_163, %add3A_498 : i32
        %get3A_500 = arith.index_cast %add3A_499 : i32 to index
        %get3A_501 = tpu.vector_load %arg5[%get3A_500] {strides = array<i32>} : memref<41920xf32, #tpu.memory_space<vmem>>, vector<16xf32>,
        %bitcast3A_502 = vector.bitcast %get3A_501 : vector<16xf32> to vector<32xbf16>
        %add3A_503 = arith.constant 16 : i32
        %add3A_504 = arith.addi %add3A_499, %add3A_503 : i32
        %get3A_505 = arith.index_cast %add3A_504 : i32 to index
        %get3A_506 = tpu.vector_load %arg5[%get3A_505] {strides = array<i32>} : memref<41920xf32, #tpu.memory_space<vmem>>, vector<16xf32>,
        %bitcast3A_507 = vector.bitcast %get3A_506 : vector<16xf32> to vector<32xbf16>
        %add3A_508 = arith.addf %add3A_496, %bitcast3A_502 : vector<32xbf16>
        %add3A_509 = arith.addf %add3A_497, %bitcast3A_507 : vector<32xbf16>
        %max3A_510 = arith.constant 0.000000e+00 : bf16
        %max3A_511 = vector.broadcast %max3A_510 : bf16 to vector<32xbf16>
        %max3A_512 = arith.maximumf %add3A_508, %max3A_511 : vector<32xbf16>
        %max3A_513 = arith.constant 0.000000e+00 : bf16
        %max3A_514 = vector.broadcast %max3A_513 : bf16 to vector<32xbf16>
        %max3A_515 = arith.maximumf %add3A_509, %max3A_514 : vector<32xbf16>
        %max3A_516 = arith.maximumf %max3A_450, %max3A_512 : vector<32xbf16>
        %max3A_517 = arith.maximumf %max3A_451, %max3A_515 : vector<32xbf16>
        %add3A_518 = arith.constant 0 : i32
        %add3A_519 = arith.addi %mul3A_151, %add3A_518 : i32
        %get3A_520 = arith.index_cast %add3A_519 : i32 to index
        %get3A_521 = tpu.vector_load %arg5[%get3A_520] {strides = array<i32>} : memref<41920xf32, #tpu.memory_space<vmem>>, vector<16xf32>,
        %bitcast3A_522 = vector.bitcast %get3A_521 : vector<16xf32> to vector<32xbf16>
        %add3A_523 = arith.constant 16 : i32
        %add3A_524 = arith.addi %add3A_519, %add3A_523 : i32
        %get3A_525 = arith.index_cast %add3A_524 : i32 to index
        %get3A_526 = tpu.vector_load %arg5[%get3A_525] {strides = array<i32>} : memref<41920xf32, #tpu.memory_space<vmem>>, vector<16xf32>,
        %bitcast3A_527 = vector.bitcast %get3A_526 : vector<16xf32> to vector<32xbf16>
        %add3A_528 = arith.constant 8384 : i32
        %add3A_529 = arith.addi %mul3A_155, %add3A_528 : i32
        %get3A_530 = arith.index_cast %add3A_529 : i32 to index
        %get3A_531 = tpu.vector_load %arg5[%get3A_530] {strides = array<i32>} : memref<41920xf32, #tpu.memory_space<vmem>>, vector<16xf32>,
        %bitcast3A_532 = vector.bitcast %get3A_531 : vector<16xf32> to vector<32xbf16>
        %add3A_533 = arith.constant 16 : i32
        %add3A_534 = arith.addi %add3A_529, %add3A_533 : i32
        %get3A_535 = arith.index_cast %add3A_534 : i32 to index
        %get3A_536 = tpu.vector_load %arg5[%get3A_535] {strides = array<i32>} : memref<41920xf32, #tpu.memory_space<vmem>>, vector<16xf32>,
        %bitcast3A_537 = vector.bitcast %get3A_536 : vector<16xf32> to vector<32xbf16>
        %add3A_538 = arith.addf %bitcast3A_522, %bitcast3A_532 : vector<32xbf16>
        %add3A_539 = arith.addf %bitcast3A_527, %bitcast3A_537 : vector<32xbf16>
        %add3A_540 = arith.constant 16768 : i32
        %add3A_541 = arith.addi %mul3A_159, %add3A_540 : i32
        %get3A_542 = arith.index_cast %add3A_541 : i32 to index
        %get3A_543 = tpu.vector_load %arg5[%get3A_542] {strides = array<i32>} : memref<41920xf32, #tpu.memory_space<vmem>>, vector<16xf32>,
        %bitcast3A_544 = vector.bitcast %get3A_543 : vector<16xf32> to vector<32xbf16>
        %add3A_545 = arith.constant 16 : i32
        %add3A_546 = arith.addi %add3A_541, %add3A_545 : i32
        %get3A_547 = arith.index_cast %add3A_546 : i32 to index
        %get3A_548 = tpu.vector_load %arg5[%get3A_547] {strides = array<i32>} : memref<41920xf32, #tpu.memory_space<vmem>>, vector<16xf32>,
        %bitcast3A_549 = vector.bitcast %get3A_548 : vector<16xf32> to vector<32xbf16>
        %add3A_550 = arith.addf %add3A_538, %bitcast3A_544 : vector<32xbf16>
        %add3A_551 = arith.addf %add3A_539, %bitcast3A_549 : vector<32xbf16>
        %add3A_552 = arith.constant 25152 : i32
        %add3A_553 = arith.addi %mul3A_163, %add3A_552 : i32
        %get3A_554 = arith.index_cast %add3A_553 : i32 to index
        %get3A_555 = tpu.vector_load %arg5[%get3A_554] {strides = array<i32>} : memref<41920xf32, #tpu.memory_space<vmem>>, vector<16xf32>,
        %bitcast3A_556 = vector.bitcast %get3A_555 : vector<16xf32> to vector<32xbf16>
        %add3A_557 = arith.constant 16 : i32
        %add3A_558 = arith.addi %add3A_553, %add3A_557 : i32
        %get3A_559 = arith.index_cast %add3A_558 : i32 to index
        %get3A_560 = tpu.vector_load %arg5[%get3A_559] {strides = array<i32>} : memref<41920xf32, #tpu.memory_space<vmem>>, vector<16xf32>,
        %bitcast3A_561 = vector.bitcast %get3A_560 : vector<16xf32> to vector<32xbf16>
        %add3A_562 = arith.addf %add3A_550, %bitcast3A_556 : vector<32xbf16>
        %add3A_563 = arith.addf %add3A_551, %bitcast3A_561 : vector<32xbf16>
        %add3A_564 = arith.constant 33536 : i32
        %add3A_565 = arith.addi %mul3A_167, %add3A_564 : i32
        %get3A_566 = arith.index_cast %add3A_565 : i32 to index
        %get3A_567 = tpu.vector_load %arg5[%get3A_566] {strides = array<i32>} : memref<41920xf32, #tpu.memory_space<vmem>>, vector<16xf32>,
        %bitcast3A_568 = vector.bitcast %get3A_567 : vector<16xf32> to vector<32xbf16>
        %add3A_569 = arith.constant 16 : i32
        %add3A_570 = arith.addi %add3A_565, %add3A_569 : i32
        %get3A_571 = arith.index_cast %add3A_570 : i32 to index
        %get3A_572 = tpu.vector_load %arg5[%get3A_571] {strides = array<i32>} : memref<41920xf32, #tpu.memory_space<vmem>>, vector<16xf32>,
        %bitcast3A_573 = vector.bitcast %get3A_572 : vector<16xf32> to vector<32xbf16>
        %add3A_574 = arith.addf %add3A_562, %bitcast3A_568 : vector<32xbf16>
        %add3A_575 = arith.addf %add3A_563, %bitcast3A_573 : vector<32xbf16>
        %max3A_576 = arith.constant 0.000000e+00 : bf16
        %max3A_577 = vector.broadcast %max3A_576 : bf16 to vector<32xbf16>
        %max3A_578 = arith.maximumf %add3A_574, %max3A_577 : vector<32xbf16>
        %max3A_579 = arith.constant 0.000000e+00 : bf16
        %max3A_580 = vector.broadcast %max3A_579 : bf16 to vector<32xbf16>
        %max3A_581 = arith.maximumf %add3A_575, %max3A_580 : vector<32xbf16>
        %max3A_582 = arith.maximumf %max3A_516, %max3A_578 : vector<32xbf16>
        %max3A_583 = arith.maximumf %max3A_517, %max3A_581 : vector<32xbf16>
        %add3A_584 = arith.constant 0 : i32
        %add3A_585 = arith.addi %mul3A_155, %add3A_584 : i32
        %get3A_586 = arith.index_cast %add3A_585 : i32 to index
        %get3A_587 = tpu.vector_load %arg5[%get3A_586] {strides = array<i32>} : memref<41920xf32, #tpu.memory_space<vmem>>, vector<16xf32>,
        %bitcast3A_588 = vector.bitcast %get3A_587 : vector<16xf32> to vector<32xbf16>
        %add3A_589 = arith.constant 16 : i32
        %add3A_590 = arith.addi %add3A_585, %add3A_589 : i32
        %get3A_591 = arith.index_cast %add3A_590 : i32 to index
        %get3A_592 = tpu.vector_load %arg5[%get3A_591] {strides = array<i32>} : memref<41920xf32, #tpu.memory_space<vmem>>, vector<16xf32>,
        %bitcast3A_593 = vector.bitcast %get3A_592 : vector<16xf32> to vector<32xbf16>
        %add3A_594 = arith.constant 8384 : i32
        %add3A_595 = arith.addi %mul3A_159, %add3A_594 : i32
        %get3A_596 = arith.index_cast %add3A_595 : i32 to index
        %get3A_597 = tpu.vector_load %arg5[%get3A_596] {strides = array<i32>} : memref<41920xf32, #tpu.memory_space<vmem>>, vector<16xf32>,
        %bitcast3A_598 = vector.bitcast %get3A_597 : vector<16xf32> to vector<32xbf16>
        %add3A_599 = arith.constant 16 : i32
        %add3A_600 = arith.addi %add3A_595, %add3A_599 : i32
        %get3A_601 = arith.index_cast %add3A_600 : i32 to index
        %get3A_602 = tpu.vector_load %arg5[%get3A_601] {strides = array<i32>} : memref<41920xf32, #tpu.memory_space<vmem>>, vector<16xf32>,
        %bitcast3A_603 = vector.bitcast %get3A_602 : vector<16xf32> to vector<32xbf16>
        %add3A_604 = arith.addf %bitcast3A_588, %bitcast3A_598 : vector<32xbf16>
        %add3A_605 = arith.addf %bitcast3A_593, %bitcast3A_603 : vector<32xbf16>
        %add3A_606 = arith.constant 16768 : i32
        %add3A_607 = arith.addi %mul3A_163, %add3A_606 : i32
        %get3A_608 = arith.index_cast %add3A_607 : i32 to index
        %get3A_609 = tpu.vector_load %arg5[%get3A_608] {strides = array<i32>} : memref<41920xf32, #tpu.memory_space<vmem>>, vector<16xf32>,
        %bitcast3A_610 = vector.bitcast %get3A_609 : vector<16xf32> to vector<32xbf16>
        %add3A_611 = arith.constant 16 : i32
        %add3A_612 = arith.addi %add3A_607, %add3A_611 : i32
        %get3A_613 = arith.index_cast %add3A_612 : i32 to index
        %get3A_614 = tpu.vector_load %arg5[%get3A_613] {strides = array<i32>} : memref<41920xf32, #tpu.memory_space<vmem>>, vector<16xf32>,
        %bitcast3A_615 = vector.bitcast %get3A_614 : vector<16xf32> to vector<32xbf16>
        %add3A_616 = arith.addf %add3A_604, %bitcast3A_610 : vector<32xbf16>
        %add3A_617 = arith.addf %add3A_605, %bitcast3A_615 : vector<32xbf16>
        %add3A_618 = arith.constant 25152 : i32
        %add3A_619 = arith.addi %mul3A_167, %add3A_618 : i32
        %get3A_620 = arith.index_cast %add3A_619 : i32 to index
        %get3A_621 = tpu.vector_load %arg5[%get3A_620] {strides = array<i32>} : memref<41920xf32, #tpu.memory_space<vmem>>, vector<16xf32>,
        %bitcast3A_622 = vector.bitcast %get3A_621 : vector<16xf32> to vector<32xbf16>
        %add3A_623 = arith.constant 16 : i32
        %add3A_624 = arith.addi %add3A_619, %add3A_623 : i32
        %get3A_625 = arith.index_cast %add3A_624 : i32 to index
        %get3A_626 = tpu.vector_load %arg5[%get3A_625] {strides = array<i32>} : memref<41920xf32, #tpu.memory_space<vmem>>, vector<16xf32>,
        %bitcast3A_627 = vector.bitcast %get3A_626 : vector<16xf32> to vector<32xbf16>
        %add3A_628 = arith.addf %add3A_616, %bitcast3A_622 : vector<32xbf16>
        %add3A_629 = arith.addf %add3A_617, %bitcast3A_627 : vector<32xbf16>
        %add3A_630 = arith.constant 33536 : i32
        %add3A_631 = arith.addi %mul3A_171, %add3A_630 : i32
        %get3A_632 = arith.index_cast %add3A_631 : i32 to index
        %get3A_633 = tpu.vector_load %arg5[%get3A_632] {strides = array<i32>} : memref<41920xf32, #tpu.memory_space<vmem>>, vector<16xf32>,
        %bitcast3A_634 = vector.bitcast %get3A_633 : vector<16xf32> to vector<32xbf16>
        %add3A_635 = arith.constant 16 : i32
        %add3A_636 = arith.addi %add3A_631, %add3A_635 : i32
        %get3A_637 = arith.index_cast %add3A_636 : i32 to index
        %get3A_638 = tpu.vector_load %arg5[%get3A_637] {strides = array<i32>} : memref<41920xf32, #tpu.memory_space<vmem>>, vector<16xf32>,
        %bitcast3A_639 = vector.bitcast %get3A_638 : vector<16xf32> to vector<32xbf16>
        %add3A_640 = arith.addf %add3A_628, %bitcast3A_634 : vector<32xbf16>
        %add3A_641 = arith.addf %add3A_629, %bitcast3A_639 : vector<32xbf16>
        %max3A_642 = arith.constant 0.000000e+00 : bf16
        %max3A_643 = vector.broadcast %max3A_642 : bf16 to vector<32xbf16>
        %max3A_644 = arith.maximumf %add3A_640, %max3A_643 : vector<32xbf16>
        %max3A_645 = arith.constant 0.000000e+00 : bf16
        %max3A_646 = vector.broadcast %max3A_645 : bf16 to vector<32xbf16>
        %max3A_647 = arith.maximumf %add3A_641, %max3A_646 : vector<32xbf16>
        %max3A_648 = arith.maximumf %max3A_582, %max3A_644 : vector<32xbf16>
        %max3A_649 = arith.maximumf %max3A_583, %max3A_647 : vector<32xbf16>
        %add3A_650 = arith.constant 0 : i32
        %add3A_651 = arith.addi %mul3A_159, %add3A_650 : i32
        %get3A_652 = arith.index_cast %add3A_651 : i32 to index
        %get3A_653 = tpu.vector_load %arg5[%get3A_652] {strides = array<i32>} : memref<41920xf32, #tpu.memory_space<vmem>>, vector<16xf32>,
        %bitcast3A_654 = vector.bitcast %get3A_653 : vector<16xf32> to vector<32xbf16>
        %add3A_655 = arith.constant 16 : i32
        %add3A_656 = arith.addi %add3A_651, %add3A_655 : i32
        %get3A_657 = arith.index_cast %add3A_656 : i32 to index
        %get3A_658 = tpu.vector_load %arg5[%get3A_657] {strides = array<i32>} : memref<41920xf32, #tpu.memory_space<vmem>>, vector<16xf32>,
        %bitcast3A_659 = vector.bitcast %get3A_658 : vector<16xf32> to vector<32xbf16>
        %add3A_660 = arith.constant 8384 : i32
        %add3A_661 = arith.addi %mul3A_163, %add3A_660 : i32
        %get3A_662 = arith.index_cast %add3A_661 : i32 to index
        %get3A_663 = tpu.vector_load %arg5[%get3A_662] {strides = array<i32>} : memref<41920xf32, #tpu.memory_space<vmem>>, vector<16xf32>,
        %bitcast3A_664 = vector.bitcast %get3A_663 : vector<16xf32> to vector<32xbf16>
        %add3A_665 = arith.constant 16 : i32
        %add3A_666 = arith.addi %add3A_661, %add3A_665 : i32
        %get3A_667 = arith.index_cast %add3A_666 : i32 to index
        %get3A_668 = tpu.vector_load %arg5[%get3A_667] {strides = array<i32>} : memref<41920xf32, #tpu.memory_space<vmem>>, vector<16xf32>,
        %bitcast3A_669 = vector.bitcast %get3A_668 : vector<16xf32> to vector<32xbf16>
        %add3A_670 = arith.addf %bitcast3A_654, %bitcast3A_664 : vector<32xbf16>
        %add3A_671 = arith.addf %bitcast3A_659, %bitcast3A_669 : vector<32xbf16>
        %add3A_672 = arith.constant 16768 : i32
        %add3A_673 = arith.addi %mul3A_167, %add3A_672 : i32
        %get3A_674 = arith.index_cast %add3A_673 : i32 to index
        %get3A_675 = tpu.vector_load %arg5[%get3A_674] {strides = array<i32>} : memref<41920xf32, #tpu.memory_space<vmem>>, vector<16xf32>,
        %bitcast3A_676 = vector.bitcast %get3A_675 : vector<16xf32> to vector<32xbf16>
        %add3A_677 = arith.constant 16 : i32
        %add3A_678 = arith.addi %add3A_673, %add3A_677 : i32
        %get3A_679 = arith.index_cast %add3A_678 : i32 to index
        %get3A_680 = tpu.vector_load %arg5[%get3A_679] {strides = array<i32>} : memref<41920xf32, #tpu.memory_space<vmem>>, vector<16xf32>,
        %bitcast3A_681 = vector.bitcast %get3A_680 : vector<16xf32> to vector<32xbf16>
        %add3A_682 = arith.addf %add3A_670, %bitcast3A_676 : vector<32xbf16>
        %add3A_683 = arith.addf %add3A_671, %bitcast3A_681 : vector<32xbf16>
        %add3A_684 = arith.constant 25152 : i32
        %add3A_685 = arith.addi %mul3A_171, %add3A_684 : i32
        %get3A_686 = arith.index_cast %add3A_685 : i32 to index
        %get3A_687 = tpu.vector_load %arg5[%get3A_686] {strides = array<i32>} : memref<41920xf32, #tpu.memory_space<vmem>>, vector<16xf32>,
        %bitcast3A_688 = vector.bitcast %get3A_687 : vector<16xf32> to vector<32xbf16>
        %add3A_689 = arith.constant 16 : i32
        %add3A_690 = arith.addi %add3A_685, %add3A_689 : i32
        %get3A_691 = arith.index_cast %add3A_690 : i32 to index
        %get3A_692 = tpu.vector_load %arg5[%get3A_691] {strides = array<i32>} : memref<41920xf32, #tpu.memory_space<vmem>>, vector<16xf32>,
        %bitcast3A_693 = vector.bitcast %get3A_692 : vector<16xf32> to vector<32xbf16>
        %add3A_694 = arith.addf %add3A_682, %bitcast3A_688 : vector<32xbf16>
        %add3A_695 = arith.addf %add3A_683, %bitcast3A_693 : vector<32xbf16>
        %add3A_696 = arith.constant 33536 : i32
        %add3A_697 = arith.addi %mul3A_175, %add3A_696 : i32
        %get3A_698 = arith.index_cast %add3A_697 : i32 to index
        %get3A_699 = tpu.vector_load %arg5[%get3A_698] {strides = array<i32>} : memref<41920xf32, #tpu.memory_space<vmem>>, vector<16xf32>,
        %bitcast3A_700 = vector.bitcast %get3A_699 : vector<16xf32> to vector<32xbf16>
        %add3A_701 = arith.constant 16 : i32
        %add3A_702 = arith.addi %add3A_697, %add3A_701 : i32
        %get3A_703 = arith.index_cast %add3A_702 : i32 to index
        %get3A_704 = tpu.vector_load %arg5[%get3A_703] {strides = array<i32>} : memref<41920xf32, #tpu.memory_space<vmem>>, vector<16xf32>,
        %bitcast3A_705 = vector.bitcast %get3A_704 : vector<16xf32> to vector<32xbf16>
        %add3A_706 = arith.addf %add3A_694, %bitcast3A_700 : vector<32xbf16>
        %add3A_707 = arith.addf %add3A_695, %bitcast3A_705 : vector<32xbf16>
        %max3A_708 = arith.constant 0.000000e+00 : bf16
        %max3A_709 = vector.broadcast %max3A_708 : bf16 to vector<32xbf16>
        %max3A_710 = arith.maximumf %add3A_706, %max3A_709 : vector<32xbf16>
        %max3A_711 = arith.constant 0.000000e+00 : bf16
        %max3A_712 = vector.broadcast %max3A_711 : bf16 to vector<32xbf16>
        %max3A_713 = arith.maximumf %add3A_707, %max3A_712 : vector<32xbf16>
        %max3A_714 = arith.maximumf %max3A_648, %max3A_710 : vector<32xbf16>
        %max3A_715 = arith.maximumf %max3A_649, %max3A_713 : vector<32xbf16>
        %add3A_716 = arith.constant 0 : i32
        %add3A_717 = arith.addi %mul3A_163, %add3A_716 : i32
        %get3A_718 = arith.index_cast %add3A_717 : i32 to index
        %get3A_719 = tpu.vector_load %arg5[%get3A_718] {strides = array<i32>} : memref<41920xf32, #tpu.memory_space<vmem>>, vector<16xf32>,
        %bitcast3A_720 = vector.bitcast %get3A_719 : vector<16xf32> to vector<32xbf16>
        %add3A_721 = arith.constant 16 : i32
        %add3A_722 = arith.addi %add3A_717, %add3A_721 : i32
        %get3A_723 = arith.index_cast %add3A_722 : i32 to index
        %get3A_724 = tpu.vector_load %arg5[%get3A_723] {strides = array<i32>} : memref<41920xf32, #tpu.memory_space<vmem>>, vector<16xf32>,
        %bitcast3A_725 = vector.bitcast %get3A_724 : vector<16xf32> to vector<32xbf16>
        %add3A_726 = arith.constant 8384 : i32
        %add3A_727 = arith.addi %mul3A_167, %add3A_726 : i32
        %get3A_728 = arith.index_cast %add3A_727 : i32 to index
        %get3A_729 = tpu.vector_load %arg5[%get3A_728] {strides = array<i32>} : memref<41920xf32, #tpu.memory_space<vmem>>, vector<16xf32>,
        %bitcast3A_730 = vector.bitcast %get3A_729 : vector<16xf32> to vector<32xbf16>
        %add3A_731 = arith.constant 16 : i32
        %add3A_732 = arith.addi %add3A_727, %add3A_731 : i32
        %get3A_733 = arith.index_cast %add3A_732 : i32 to index
        %get3A_734 = tpu.vector_load %arg5[%get3A_733] {strides = array<i32>} : memref<41920xf32, #tpu.memory_space<vmem>>, vector<16xf32>,
        %bitcast3A_735 = vector.bitcast %get3A_734 : vector<16xf32> to vector<32xbf16>
        %add3A_736 = arith.addf %bitcast3A_720, %bitcast3A_730 : vector<32xbf16>
        %add3A_737 = arith.addf %bitcast3A_725, %bitcast3A_735 : vector<32xbf16>
        %add3A_738 = arith.constant 16768 : i32
        %add3A_739 = arith.addi %mul3A_171, %add3A_738 : i32
        %get3A_740 = arith.index_cast %add3A_739 : i32 to index
        %get3A_741 = tpu.vector_load %arg5[%get3A_740] {strides = array<i32>} : memref<41920xf32, #tpu.memory_space<vmem>>, vector<16xf32>,
        %bitcast3A_742 = vector.bitcast %get3A_741 : vector<16xf32> to vector<32xbf16>
        %add3A_743 = arith.constant 16 : i32
        %add3A_744 = arith.addi %add3A_739, %add3A_743 : i32
        %get3A_745 = arith.index_cast %add3A_744 : i32 to index
        %get3A_746 = tpu.vector_load %arg5[%get3A_745] {strides = array<i32>} : memref<41920xf32, #tpu.memory_space<vmem>>, vector<16xf32>,
        %bitcast3A_747 = vector.bitcast %get3A_746 : vector<16xf32> to vector<32xbf16>
        %add3A_748 = arith.addf %add3A_736, %bitcast3A_742 : vector<32xbf16>
        %add3A_749 = arith.addf %add3A_737, %bitcast3A_747 : vector<32xbf16>
        %add3A_750 = arith.constant 25152 : i32
        %add3A_751 = arith.addi %mul3A_175, %add3A_750 : i32
        %get3A_752 = arith.index_cast %add3A_751 : i32 to index
        %get3A_753 = tpu.vector_load %arg5[%get3A_752] {strides = array<i32>} : memref<41920xf32, #tpu.memory_space<vmem>>, vector<16xf32>,
        %bitcast3A_754 = vector.bitcast %get3A_753 : vector<16xf32> to vector<32xbf16>
        %add3A_755 = arith.constant 16 : i32
        %add3A_756 = arith.addi %add3A_751, %add3A_755 : i32
        %get3A_757 = arith.index_cast %add3A_756 : i32 to index
        %get3A_758 = tpu.vector_load %arg5[%get3A_757] {strides = array<i32>} : memref<41920xf32, #tpu.memory_space<vmem>>, vector<16xf32>,
        %bitcast3A_759 = vector.bitcast %get3A_758 : vector<16xf32> to vector<32xbf16>
        %add3A_760 = arith.addf %add3A_748, %bitcast3A_754 : vector<32xbf16>
        %add3A_761 = arith.addf %add3A_749, %bitcast3A_759 : vector<32xbf16>
        %add3A_762 = arith.constant 33536 : i32
        %add3A_763 = arith.addi %mul3A_179, %add3A_762 : i32
        %get3A_764 = arith.index_cast %add3A_763 : i32 to index
        %get3A_765 = tpu.vector_load %arg5[%get3A_764] {strides = array<i32>} : memref<41920xf32, #tpu.memory_space<vmem>>, vector<16xf32>,
        %bitcast3A_766 = vector.bitcast %get3A_765 : vector<16xf32> to vector<32xbf16>
        %add3A_767 = arith.constant 16 : i32
        %add3A_768 = arith.addi %add3A_763, %add3A_767 : i32
        %get3A_769 = arith.index_cast %add3A_768 : i32 to index
        %get3A_770 = tpu.vector_load %arg5[%get3A_769] {strides = array<i32>} : memref<41920xf32, #tpu.memory_space<vmem>>, vector<16xf32>,
        %bitcast3A_771 = vector.bitcast %get3A_770 : vector<16xf32> to vector<32xbf16>
        %add3A_772 = arith.addf %add3A_760, %bitcast3A_766 : vector<32xbf16>
        %add3A_773 = arith.addf %add3A_761, %bitcast3A_771 : vector<32xbf16>
        %max3A_774 = arith.constant 0.000000e+00 : bf16
        %max3A_775 = vector.broadcast %max3A_774 : bf16 to vector<32xbf16>
        %max3A_776 = arith.maximumf %add3A_772, %max3A_775 : vector<32xbf16>
        %max3A_777 = arith.constant 0.000000e+00 : bf16
        %max3A_778 = vector.broadcast %max3A_777 : bf16 to vector<32xbf16>
        %max3A_779 = arith.maximumf %add3A_773, %max3A_778 : vector<32xbf16>
        %max3A_780 = arith.maximumf %max3A_714, %max3A_776 : vector<32xbf16>
        %max3A_781 = arith.maximumf %max3A_715, %max3A_779 : vector<32xbf16>
        %add3A_782 = arith.constant 0 : i32
        %add3A_783 = arith.addi %mul3A_167, %add3A_782 : i32
        %get3A_784 = arith.index_cast %add3A_783 : i32 to index
        %get3A_785 = tpu.vector_load %arg5[%get3A_784] {strides = array<i32>} : memref<41920xf32, #tpu.memory_space<vmem>>, vector<16xf32>,
        %bitcast3A_786 = vector.bitcast %get3A_785 : vector<16xf32> to vector<32xbf16>
        %add3A_787 = arith.constant 16 : i32
        %add3A_788 = arith.addi %add3A_783, %add3A_787 : i32
        %get3A_789 = arith.index_cast %add3A_788 : i32 to index
        %get3A_790 = tpu.vector_load %arg5[%get3A_789] {strides = array<i32>} : memref<41920xf32, #tpu.memory_space<vmem>>, vector<16xf32>,
        %bitcast3A_791 = vector.bitcast %get3A_790 : vector<16xf32> to vector<32xbf16>
        %add3A_792 = arith.constant 8384 : i32
        %add3A_793 = arith.addi %mul3A_171, %add3A_792 : i32
        %get3A_794 = arith.index_cast %add3A_793 : i32 to index
        %get3A_795 = tpu.vector_load %arg5[%get3A_794] {strides = array<i32>} : memref<41920xf32, #tpu.memory_space<vmem>>, vector<16xf32>,
        %bitcast3A_796 = vector.bitcast %get3A_795 : vector<16xf32> to vector<32xbf16>
        %add3A_797 = arith.constant 16 : i32
        %add3A_798 = arith.addi %add3A_793, %add3A_797 : i32
        %get3A_799 = arith.index_cast %add3A_798 : i32 to index
        %get3A_800 = tpu.vector_load %arg5[%get3A_799] {strides = array<i32>} : memref<41920xf32, #tpu.memory_space<vmem>>, vector<16xf32>,
        %bitcast3A_801 = vector.bitcast %get3A_800 : vector<16xf32> to vector<32xbf16>
        %add3A_802 = arith.addf %bitcast3A_786, %bitcast3A_796 : vector<32xbf16>
        %add3A_803 = arith.addf %bitcast3A_791, %bitcast3A_801 : vector<32xbf16>
        %add3A_804 = arith.constant 16768 : i32
        %add3A_805 = arith.addi %mul3A_175, %add3A_804 : i32
        %get3A_806 = arith.index_cast %add3A_805 : i32 to index
        %get3A_807 = tpu.vector_load %arg5[%get3A_806] {strides = array<i32>} : memref<41920xf32, #tpu.memory_space<vmem>>, vector<16xf32>,
        %bitcast3A_808 = vector.bitcast %get3A_807 : vector<16xf32> to vector<32xbf16>
        %add3A_809 = arith.constant 16 : i32
        %add3A_810 = arith.addi %add3A_805, %add3A_809 : i32
        %get3A_811 = arith.index_cast %add3A_810 : i32 to index
        %get3A_812 = tpu.vector_load %arg5[%get3A_811] {strides = array<i32>} : memref<41920xf32, #tpu.memory_space<vmem>>, vector<16xf32>,
        %bitcast3A_813 = vector.bitcast %get3A_812 : vector<16xf32> to vector<32xbf16>
        %add3A_814 = arith.addf %add3A_802, %bitcast3A_808 : vector<32xbf16>
        %add3A_815 = arith.addf %add3A_803, %bitcast3A_813 : vector<32xbf16>
        %add3A_816 = arith.constant 25152 : i32
        %add3A_817 = arith.addi %mul3A_179, %add3A_816 : i32
        %get3A_818 = arith.index_cast %add3A_817 : i32 to index
        %get3A_819 = tpu.vector_load %arg5[%get3A_818] {strides = array<i32>} : memref<41920xf32, #tpu.memory_space<vmem>>, vector<16xf32>,
        %bitcast3A_820 = vector.bitcast %get3A_819 : vector<16xf32> to vector<32xbf16>
        %add3A_821 = arith.constant 16 : i32
        %add3A_822 = arith.addi %add3A_817, %add3A_821 : i32
        %get3A_823 = arith.index_cast %add3A_822 : i32 to index
        %get3A_824 = tpu.vector_load %arg5[%get3A_823] {strides = array<i32>} : memref<41920xf32, #tpu.memory_space<vmem>>, vector<16xf32>,
        %bitcast3A_825 = vector.bitcast %get3A_824 : vector<16xf32> to vector<32xbf16>
        %add3A_826 = arith.addf %add3A_814, %bitcast3A_820 : vector<32xbf16>
        %add3A_827 = arith.addf %add3A_815, %bitcast3A_825 : vector<32xbf16>
        %add3A_828 = arith.constant 33536 : i32
        %add3A_829 = arith.addi %mul3A_183, %add3A_828 : i32
        %get3A_830 = arith.index_cast %add3A_829 : i32 to index
        %get3A_831 = tpu.vector_load %arg5[%get3A_830] {strides = array<i32>} : memref<41920xf32, #tpu.memory_space<vmem>>, vector<16xf32>,
        %bitcast3A_832 = vector.bitcast %get3A_831 : vector<16xf32> to vector<32xbf16>
        %add3A_833 = arith.constant 16 : i32
        %add3A_834 = arith.addi %add3A_829, %add3A_833 : i32
        %get3A_835 = arith.index_cast %add3A_834 : i32 to index
        %get3A_836 = tpu.vector_load %arg5[%get3A_835] {strides = array<i32>} : memref<41920xf32, #tpu.memory_space<vmem>>, vector<16xf32>,
        %bitcast3A_837 = vector.bitcast %get3A_836 : vector<16xf32> to vector<32xbf16>
        %add3A_838 = arith.addf %add3A_826, %bitcast3A_832 : vector<32xbf16>
        %add3A_839 = arith.addf %add3A_827, %bitcast3A_837 : vector<32xbf16>
        %max3A_840 = arith.constant 0.000000e+00 : bf16
        %max3A_841 = vector.broadcast %max3A_840 : bf16 to vector<32xbf16>
        %max3A_842 = arith.maximumf %add3A_838, %max3A_841 : vector<32xbf16>
        %max3A_843 = arith.constant 0.000000e+00 : bf16
        %max3A_844 = vector.broadcast %max3A_843 : bf16 to vector<32xbf16>
        %max3A_845 = arith.maximumf %add3A_839, %max3A_844 : vector<32xbf16>
        %max3A_846 = arith.maximumf %max3A_780, %max3A_842 : vector<32xbf16>
        %max3A_847 = arith.maximumf %max3A_781, %max3A_845 : vector<32xbf16>
        %add3A_848 = arith.constant 0 : i32
        %add3A_849 = arith.addi %mul3A_171, %add3A_848 : i32
        %get3A_850 = arith.index_cast %add3A_849 : i32 to index
        %get3A_851 = tpu.vector_load %arg5[%get3A_850] {strides = array<i32>} : memref<41920xf32, #tpu.memory_space<vmem>>, vector<16xf32>,
        %bitcast3A_852 = vector.bitcast %get3A_851 : vector<16xf32> to vector<32xbf16>
        %add3A_853 = arith.constant 16 : i32
        %add3A_854 = arith.addi %add3A_849, %add3A_853 : i32
        %get3A_855 = arith.index_cast %add3A_854 : i32 to index
        %get3A_856 = tpu.vector_load %arg5[%get3A_855] {strides = array<i32>} : memref<41920xf32, #tpu.memory_space<vmem>>, vector<16xf32>,
        %bitcast3A_857 = vector.bitcast %get3A_856 : vector<16xf32> to vector<32xbf16>
        %add3A_858 = arith.constant 8384 : i32
        %add3A_859 = arith.addi %mul3A_175, %add3A_858 : i32
        %get3A_860 = arith.index_cast %add3A_859 : i32 to index
        %get3A_861 = tpu.vector_load %arg5[%get3A_860] {strides = array<i32>} : memref<41920xf32, #tpu.memory_space<vmem>>, vector<16xf32>,
        %bitcast3A_862 = vector.bitcast %get3A_861 : vector<16xf32> to vector<32xbf16>
        %add3A_863 = arith.constant 16 : i32
        %add3A_864 = arith.addi %add3A_859, %add3A_863 : i32
        %get3A_865 = arith.index_cast %add3A_864 : i32 to index
        %get3A_866 = tpu.vector_load %arg5[%get3A_865] {strides = array<i32>} : memref<41920xf32, #tpu.memory_space<vmem>>, vector<16xf32>,
        %bitcast3A_867 = vector.bitcast %get3A_866 : vector<16xf32> to vector<32xbf16>
        %add3A_868 = arith.addf %bitcast3A_852, %bitcast3A_862 : vector<32xbf16>
        %add3A_869 = arith.addf %bitcast3A_857, %bitcast3A_867 : vector<32xbf16>
        %add3A_870 = arith.constant 16768 : i32
        %add3A_871 = arith.addi %mul3A_179, %add3A_870 : i32
        %get3A_872 = arith.index_cast %add3A_871 : i32 to index
        %get3A_873 = tpu.vector_load %arg5[%get3A_872] {strides = array<i32>} : memref<41920xf32, #tpu.memory_space<vmem>>, vector<16xf32>,
        %bitcast3A_874 = vector.bitcast %get3A_873 : vector<16xf32> to vector<32xbf16>
        %add3A_875 = arith.constant 16 : i32
        %add3A_876 = arith.addi %add3A_871, %add3A_875 : i32
        %get3A_877 = arith.index_cast %add3A_876 : i32 to index
        %get3A_878 = tpu.vector_load %arg5[%get3A_877] {strides = array<i32>} : memref<41920xf32, #tpu.memory_space<vmem>>, vector<16xf32>,
        %bitcast3A_879 = vector.bitcast %get3A_878 : vector<16xf32> to vector<32xbf16>
        %add3A_880 = arith.addf %add3A_868, %bitcast3A_874 : vector<32xbf16>
        %add3A_881 = arith.addf %add3A_869, %bitcast3A_879 : vector<32xbf16>
        %add3A_882 = arith.constant 25152 : i32
        %add3A_883 = arith.addi %mul3A_183, %add3A_882 : i32
        %get3A_884 = arith.index_cast %add3A_883 : i32 to index
        %get3A_885 = tpu.vector_load %arg5[%get3A_884] {strides = array<i32>} : memref<41920xf32, #tpu.memory_space<vmem>>, vector<16xf32>,
        %bitcast3A_886 = vector.bitcast %get3A_885 : vector<16xf32> to vector<32xbf16>
        %add3A_887 = arith.constant 16 : i32
        %add3A_888 = arith.addi %add3A_883, %add3A_887 : i32
        %get3A_889 = arith.index_cast %add3A_888 : i32 to index
        %get3A_890 = tpu.vector_load %arg5[%get3A_889] {strides = array<i32>} : memref<41920xf32, #tpu.memory_space<vmem>>, vector<16xf32>,
        %bitcast3A_891 = vector.bitcast %get3A_890 : vector<16xf32> to vector<32xbf16>
        %add3A_892 = arith.addf %add3A_880, %bitcast3A_886 : vector<32xbf16>
        %add3A_893 = arith.addf %add3A_881, %bitcast3A_891 : vector<32xbf16>
        %add3A_894 = arith.constant 33536 : i32
        %add3A_895 = arith.addi %mul3A_187, %add3A_894 : i32
        %get3A_896 = arith.index_cast %add3A_895 : i32 to index
        %get3A_897 = tpu.vector_load %arg5[%get3A_896] {strides = array<i32>} : memref<41920xf32, #tpu.memory_space<vmem>>, vector<16xf32>,
        %bitcast3A_898 = vector.bitcast %get3A_897 : vector<16xf32> to vector<32xbf16>
        %add3A_899 = arith.constant 16 : i32
        %add3A_900 = arith.addi %add3A_895, %add3A_899 : i32
        %get3A_901 = arith.index_cast %add3A_900 : i32 to index
        %get3A_902 = tpu.vector_load %arg5[%get3A_901] {strides = array<i32>} : memref<41920xf32, #tpu.memory_space<vmem>>, vector<16xf32>,
        %bitcast3A_903 = vector.bitcast %get3A_902 : vector<16xf32> to vector<32xbf16>
        %add3A_904 = arith.addf %add3A_892, %bitcast3A_898 : vector<32xbf16>
        %add3A_905 = arith.addf %add3A_893, %bitcast3A_903 : vector<32xbf16>
        %max3A_906 = arith.constant 0.000000e+00 : bf16
        %max3A_907 = vector.broadcast %max3A_906 : bf16 to vector<32xbf16>
        %max3A_908 = arith.maximumf %add3A_904, %max3A_907 : vector<32xbf16>
        %max3A_909 = arith.constant 0.000000e+00 : bf16
        %max3A_910 = vector.broadcast %max3A_909 : bf16 to vector<32xbf16>
        %max3A_911 = arith.maximumf %add3A_905, %max3A_910 : vector<32xbf16>
        %max3A_912 = arith.maximumf %max3A_846, %max3A_908 : vector<32xbf16>
        %max3A_913 = arith.maximumf %max3A_847, %max3A_911 : vector<32xbf16>
        %add3A_914 = arith.constant 0 : i32
        %add3A_915 = arith.addi %mul3A_175, %add3A_914 : i32
        %get3A_916 = arith.index_cast %add3A_915 : i32 to index
        %get3A_917 = tpu.vector_load %arg5[%get3A_916] {strides = array<i32>} : memref<41920xf32, #tpu.memory_space<vmem>>, vector<16xf32>,
        %bitcast3A_918 = vector.bitcast %get3A_917 : vector<16xf32> to vector<32xbf16>
        %add3A_919 = arith.constant 16 : i32
        %add3A_920 = arith.addi %add3A_915, %add3A_919 : i32
        %get3A_921 = arith.index_cast %add3A_920 : i32 to index
        %get3A_922 = tpu.vector_load %arg5[%get3A_921] {strides = array<i32>} : memref<41920xf32, #tpu.memory_space<vmem>>, vector<16xf32>,
        %bitcast3A_923 = vector.bitcast %get3A_922 : vector<16xf32> to vector<32xbf16>
        %add3A_924 = arith.constant 8384 : i32
        %add3A_925 = arith.addi %mul3A_179, %add3A_924 : i32
        %get3A_926 = arith.index_cast %add3A_925 : i32 to index
        %get3A_927 = tpu.vector_load %arg5[%get3A_926] {strides = array<i32>} : memref<41920xf32, #tpu.memory_space<vmem>>, vector<16xf32>,
        %bitcast3A_928 = vector.bitcast %get3A_927 : vector<16xf32> to vector<32xbf16>
        %add3A_929 = arith.constant 16 : i32
        %add3A_930 = arith.addi %add3A_925, %add3A_929 : i32
        %get3A_931 = arith.index_cast %add3A_930 : i32 to index
        %get3A_932 = tpu.vector_load %arg5[%get3A_931] {strides = array<i32>} : memref<41920xf32, #tpu.memory_space<vmem>>, vector<16xf32>,
        %bitcast3A_933 = vector.bitcast %get3A_932 : vector<16xf32> to vector<32xbf16>
        %add3A_934 = arith.addf %bitcast3A_918, %bitcast3A_928 : vector<32xbf16>
        %add3A_935 = arith.addf %bitcast3A_923, %bitcast3A_933 : vector<32xbf16>
        %add3A_936 = arith.constant 16768 : i32
        %add3A_937 = arith.addi %mul3A_183, %add3A_936 : i32
        %get3A_938 = arith.index_cast %add3A_937 : i32 to index
        %get3A_939 = tpu.vector_load %arg5[%get3A_938] {strides = array<i32>} : memref<41920xf32, #tpu.memory_space<vmem>>, vector<16xf32>,
        %bitcast3A_940 = vector.bitcast %get3A_939 : vector<16xf32> to vector<32xbf16>
        %add3A_941 = arith.constant 16 : i32
        %add3A_942 = arith.addi %add3A_937, %add3A_941 : i32
        %get3A_943 = arith.index_cast %add3A_942 : i32 to index
        %get3A_944 = tpu.vector_load %arg5[%get3A_943] {strides = array<i32>} : memref<41920xf32, #tpu.memory_space<vmem>>, vector<16xf32>,
        %bitcast3A_945 = vector.bitcast %get3A_944 : vector<16xf32> to vector<32xbf16>
        %add3A_946 = arith.addf %add3A_934, %bitcast3A_940 : vector<32xbf16>
        %add3A_947 = arith.addf %add3A_935, %bitcast3A_945 : vector<32xbf16>
        %add3A_948 = arith.constant 25152 : i32
        %add3A_949 = arith.addi %mul3A_187, %add3A_948 : i32
        %get3A_950 = arith.index_cast %add3A_949 : i32 to index
        %get3A_951 = tpu.vector_load %arg5[%get3A_950] {strides = array<i32>} : memref<41920xf32, #tpu.memory_space<vmem>>, vector<16xf32>,
        %bitcast3A_952 = vector.bitcast %get3A_951 : vector<16xf32> to vector<32xbf16>
        %add3A_953 = arith.constant 16 : i32
        %add3A_954 = arith.addi %add3A_949, %add3A_953 : i32
        %get3A_955 = arith.index_cast %add3A_954 : i32 to index
        %get3A_956 = tpu.vector_load %arg5[%get3A_955] {strides = array<i32>} : memref<41920xf32, #tpu.memory_space<vmem>>, vector<16xf32>,
        %bitcast3A_957 = vector.bitcast %get3A_956 : vector<16xf32> to vector<32xbf16>
        %add3A_958 = arith.addf %add3A_946, %bitcast3A_952 : vector<32xbf16>
        %add3A_959 = arith.addf %add3A_947, %bitcast3A_957 : vector<32xbf16>
        %add3A_960 = arith.constant 33536 : i32
        %add3A_961 = arith.addi %mul3A_191, %add3A_960 : i32
        %get3A_962 = arith.index_cast %add3A_961 : i32 to index
        %get3A_963 = tpu.vector_load %arg5[%get3A_962] {strides = array<i32>} : memref<41920xf32, #tpu.memory_space<vmem>>, vector<16xf32>,
        %bitcast3A_964 = vector.bitcast %get3A_963 : vector<16xf32> to vector<32xbf16>
        %add3A_965 = arith.constant 16 : i32
        %add3A_966 = arith.addi %add3A_961, %add3A_965 : i32
        %get3A_967 = arith.index_cast %add3A_966 : i32 to index
        %get3A_968 = tpu.vector_load %arg5[%get3A_967] {strides = array<i32>} : memref<41920xf32, #tpu.memory_space<vmem>>, vector<16xf32>,
        %bitcast3A_969 = vector.bitcast %get3A_968 : vector<16xf32> to vector<32xbf16>
        %add3A_970 = arith.addf %add3A_958, %bitcast3A_964 : vector<32xbf16>
        %add3A_971 = arith.addf %add3A_959, %bitcast3A_969 : vector<32xbf16>
        %max3A_972 = arith.constant 0.000000e+00 : bf16
        %max3A_973 = vector.broadcast %max3A_972 : bf16 to vector<32xbf16>
        %max3A_974 = arith.maximumf %add3A_970, %max3A_973 : vector<32xbf16>
        %max3A_975 = arith.constant 0.000000e+00 : bf16
        %max3A_976 = vector.broadcast %max3A_975 : bf16 to vector<32xbf16>
        %max3A_977 = arith.maximumf %add3A_971, %max3A_976 : vector<32xbf16>
        %max3A_978 = arith.maximumf %max3A_912, %max3A_974 : vector<32xbf16>
        %max3A_979 = arith.maximumf %max3A_913, %max3A_977 : vector<32xbf16>
        %unpack3A = tpu.unpack_subelements %max3A_978, 0 {pack_format = #tpu.pack_format<interleaved>} : vector<32xbf16> -> vector<16xf32>
        %unpack3A_980 = tpu.unpack_subelements %max3A_978, 1 {pack_format = #tpu.pack_format<interleaved>} : vector<32xbf16> -> vector<16xf32>
        %unpack3A_981 = tpu.unpack_subelements %max3A_979, 0 {pack_format = #tpu.pack_format<interleaved>} : vector<32xbf16> -> vector<16xf32>
        %unpack3A_982 = tpu.unpack_subelements %max3A_979, 1 {pack_format = #tpu.pack_format<interleaved>} : vector<32xbf16> -> vector<16xf32>
        %swap3A = arith.index_cast %select_n3A_83 : i32 to index
        %swap3A_983 = arith.index_cast %scan3A_123 : i32 to index
        %swap3A_984 = arith.constant 0 : index
        %swap3A_985 = tpu.vector_load %arg7[%swap3A, %swap3A_983, %swap3A_984] {strides = array<i32>} : memref<2x128x64xf32, #tpu.memory_space<vmem>>, vector<16xf32>,
        tpu.vector_store %arg7[%swap3A, %swap3A_983, %swap3A_984], %unpack3A {strides = array<i32>} : memref<2x128x64xf32, #tpu.memory_space<vmem>>, vector<16xf32>,
        %swap3A_986 = arith.index_cast %select_n3A_83 : i32 to index
        %swap3A_987 = arith.index_cast %scan3A_123 : i32 to index
        %swap3A_988 = arith.constant 16 : index
        %swap3A_989 = tpu.vector_load %arg7[%swap3A_986, %swap3A_987, %swap3A_988] {strides = array<i32>} : memref<2x128x64xf32, #tpu.memory_space<vmem>>, vector<16xf32>,
        tpu.vector_store %arg7[%swap3A_986, %swap3A_987, %swap3A_988], %unpack3A_981 {strides = array<i32>} : memref<2x128x64xf32, #tpu.memory_space<vmem>>, vector<16xf32>,
        %swap3A_990 = arith.index_cast %select_n3A_83 : i32 to index
        %swap3A_991 = arith.index_cast %scan3A_123 : i32 to index
        %swap3A_992 = arith.constant 32 : index
        %swap3A_993 = tpu.vector_load %arg7[%swap3A_990, %swap3A_991, %swap3A_992] {strides = array<i32>} : memref<2x128x64xf32, #tpu.memory_space<vmem>>, vector<16xf32>,
        tpu.vector_store %arg7[%swap3A_990, %swap3A_991, %swap3A_992], %unpack3A_980 {strides = array<i32>} : memref<2x128x64xf32, #tpu.memory_space<vmem>>, vector<16xf32>,
        %swap3A_994 = arith.index_cast %select_n3A_83 : i32 to index
        %swap3A_995 = arith.index_cast %scan3A_123 : i32 to index
        %swap3A_996 = arith.constant 48 : index
        %swap3A_997 = tpu.vector_load %arg7[%swap3A_994, %swap3A_995, %swap3A_996] {strides = array<i32>} : memref<2x128x64xf32, #tpu.memory_space<vmem>>, vector<16xf32>,
        tpu.vector_store %arg7[%swap3A_994, %swap3A_995, %swap3A_996], %unpack3A_982 {strides = array<i32>} : memref<2x128x64xf32, #tpu.memory_space<vmem>>, vector<16xf32>,
        %scan3A_998 = arith.constant 1 : i32
        %scan3A_999 = arith.addi %scan3A_123, %scan3A_998 : i32
        %mul3A_1000 = arith.constant 128 : i32
        %mul3A_1001 = arith.muli %select_n3A_83, %mul3A_1000 : i32
        %add3A_1002 = arith.addi %mul3A_1001, %scan3A_999 : i32
        %mul3A_1003 = arith.constant 16 : i32
        %mul3A_1004 = arith.muli %add3A_1002, %mul3A_1003 : i32
        %get3A_1005 = arith.index_cast %mul3A_1004 : i32 to index
        %get3A_1006 = tpu.vector_load %arg6[%get3A_1005] {strides = array<i32>} : memref<4096xi32, #tpu.memory_space<vmem>>, vector<16xi32>,
        %slice3A_1007 = vector.extract_strided_slice %get3A_1006 {offsets = [0], sizes = [1], strides = [1]} : vector<16xi32> to vector<1xi32>
        %squeeze3A_1008 = vector.extract %slice3A_1007[0] : i32 from vector<1xi32>
        %mul3A_1009 = arith.constant 32 : i32
        %mul3A_1010 = arith.muli %squeeze3A_1008, %mul3A_1009 : i32
        %slice3A_1011 = vector.extract_strided_slice %get3A_1006 {offsets = [1], sizes = [1], strides = [1]} : vector<16xi32> to vector<1xi32>
        %squeeze3A_1012 = vector.extract %slice3A_1011[0] : i32 from vector<1xi32>
        %mul3A_1013 = arith.constant 32 : i32
        %mul3A_1014 = arith.muli %squeeze3A_1012, %mul3A_1013 : i32
        %slice3A_1015 = vector.extract_strided_slice %get3A_1006 {offsets = [2], sizes = [1], strides = [1]} : vector<16xi32> to vector<1xi32>
        %squeeze3A_1016 = vector.extract %slice3A_1015[0] : i32 from vector<1xi32>
        %mul3A_1017 = arith.constant 32 : i32
        %mul3A_1018 = arith.muli %squeeze3A_1016, %mul3A_1017 : i32
        %slice3A_1019 = vector.extract_strided_slice %get3A_1006 {offsets = [3], sizes = [1], strides = [1]} : vector<16xi32> to vector<1xi32>
        %squeeze3A_1020 = vector.extract %slice3A_1019[0] : i32 from vector<1xi32>
        %mul3A_1021 = arith.constant 32 : i32
        %mul3A_1022 = arith.muli %squeeze3A_1020, %mul3A_1021 : i32
        %slice3A_1023 = vector.extract_strided_slice %get3A_1006 {offsets = [4], sizes = [1], strides = [1]} : vector<16xi32> to vector<1xi32>
        %squeeze3A_1024 = vector.extract %slice3A_1023[0] : i32 from vector<1xi32>
        %mul3A_1025 = arith.constant 32 : i32
        %mul3A_1026 = arith.muli %squeeze3A_1024, %mul3A_1025 : i32
        %slice3A_1027 = vector.extract_strided_slice %get3A_1006 {offsets = [5], sizes = [1], strides = [1]} : vector<16xi32> to vector<1xi32>
        %squeeze3A_1028 = vector.extract %slice3A_1027[0] : i32 from vector<1xi32>
        %mul3A_1029 = arith.constant 32 : i32
        %mul3A_1030 = arith.muli %squeeze3A_1028, %mul3A_1029 : i32
        %slice3A_1031 = vector.extract_strided_slice %get3A_1006 {offsets = [6], sizes = [1], strides = [1]} : vector<16xi32> to vector<1xi32>
        %squeeze3A_1032 = vector.extract %slice3A_1031[0] : i32 from vector<1xi32>
        %mul3A_1033 = arith.constant 32 : i32
        %mul3A_1034 = arith.muli %squeeze3A_1032, %mul3A_1033 : i32
        %slice3A_1035 = vector.extract_strided_slice %get3A_1006 {offsets = [7], sizes = [1], strides = [1]} : vector<16xi32> to vector<1xi32>
        %squeeze3A_1036 = vector.extract %slice3A_1035[0] : i32 from vector<1xi32>
        %mul3A_1037 = arith.constant 32 : i32
        %mul3A_1038 = arith.muli %squeeze3A_1036, %mul3A_1037 : i32
        %slice3A_1039 = vector.extract_strided_slice %get3A_1006 {offsets = [8], sizes = [1], strides = [1]} : vector<16xi32> to vector<1xi32>
        %squeeze3A_1040 = vector.extract %slice3A_1039[0] : i32 from vector<1xi32>
        %mul3A_1041 = arith.constant 32 : i32
        %mul3A_1042 = arith.muli %squeeze3A_1040, %mul3A_1041 : i32
        %slice3A_1043 = vector.extract_strided_slice %get3A_1006 {offsets = [9], sizes = [1], strides = [1]} : vector<16xi32> to vector<1xi32>
        %squeeze3A_1044 = vector.extract %slice3A_1043[0] : i32 from vector<1xi32>
        %mul3A_1045 = arith.constant 32 : i32
        %mul3A_1046 = arith.muli %squeeze3A_1044, %mul3A_1045 : i32
        %slice3A_1047 = vector.extract_strided_slice %get3A_1006 {offsets = [10], sizes = [1], strides = [1]} : vector<16xi32> to vector<1xi32>
        %squeeze3A_1048 = vector.extract %slice3A_1047[0] : i32 from vector<1xi32>
        %mul3A_1049 = arith.constant 32 : i32
        %mul3A_1050 = arith.muli %squeeze3A_1048, %mul3A_1049 : i32
        %slice3A_1051 = vector.extract_strided_slice %get3A_1006 {offsets = [11], sizes = [1], strides = [1]} : vector<16xi32> to vector<1xi32>
        %squeeze3A_1052 = vector.extract %slice3A_1051[0] : i32 from vector<1xi32>
        %mul3A_1053 = arith.constant 32 : i32
        %mul3A_1054 = arith.muli %squeeze3A_1052, %mul3A_1053 : i32
        %slice3A_1055 = vector.extract_strided_slice %get3A_1006 {offsets = [12], sizes = [1], strides = [1]} : vector<16xi32> to vector<1xi32>
        %squeeze3A_1056 = vector.extract %slice3A_1055[0] : i32 from vector<1xi32>
        %mul3A_1057 = arith.constant 32 : i32
        %mul3A_1058 = arith.muli %squeeze3A_1056, %mul3A_1057 : i32
        %slice3A_1059 = vector.extract_strided_slice %get3A_1006 {offsets = [13], sizes = [1], strides = [1]} : vector<16xi32> to vector<1xi32>
        %squeeze3A_1060 = vector.extract %slice3A_1059[0] : i32 from vector<1xi32>
        %mul3A_1061 = arith.constant 32 : i32
        %mul3A_1062 = arith.muli %squeeze3A_1060, %mul3A_1061 : i32
        %slice3A_1063 = vector.extract_strided_slice %get3A_1006 {offsets = [14], sizes = [1], strides = [1]} : vector<16xi32> to vector<1xi32>
        %squeeze3A_1064 = vector.extract %slice3A_1063[0] : i32 from vector<1xi32>
        %mul3A_1065 = arith.constant 32 : i32
        %mul3A_1066 = arith.muli %squeeze3A_1064, %mul3A_1065 : i32
        %slice3A_1067 = vector.extract_strided_slice %get3A_1006 {offsets = [15], sizes = [1], strides = [1]} : vector<16xi32> to vector<1xi32>
        %squeeze3A_1068 = vector.extract %slice3A_1067[0] : i32 from vector<1xi32>
        %mul3A_1069 = arith.constant 32 : i32
        %mul3A_1070 = arith.muli %squeeze3A_1068, %mul3A_1069 : i32
        %add3A_1071 = arith.constant 0 : i32
        %add3A_1072 = arith.addi %mul3A_1010, %add3A_1071 : i32
        %get3A_1073 = arith.index_cast %add3A_1072 : i32 to index
        %get3A_1074 = tpu.vector_load %arg5[%get3A_1073] {strides = array<i32>} : memref<41920xf32, #tpu.memory_space<vmem>>, vector<16xf32>,
        %bitcast3A_1075 = vector.bitcast %get3A_1074 : vector<16xf32> to vector<32xbf16>
        %add3A_1076 = arith.constant 16 : i32
        %add3A_1077 = arith.addi %add3A_1072, %add3A_1076 : i32
        %get3A_1078 = arith.index_cast %add3A_1077 : i32 to index
        %get3A_1079 = tpu.vector_load %arg5[%get3A_1078] {strides = array<i32>} : memref<41920xf32, #tpu.memory_space<vmem>>, vector<16xf32>,
        %bitcast3A_1080 = vector.bitcast %get3A_1079 : vector<16xf32> to vector<32xbf16>
        %add3A_1081 = arith.constant 8384 : i32
        %add3A_1082 = arith.addi %mul3A_1014, %add3A_1081 : i32
        %get3A_1083 = arith.index_cast %add3A_1082 : i32 to index
        %get3A_1084 = tpu.vector_load %arg5[%get3A_1083] {strides = array<i32>} : memref<41920xf32, #tpu.memory_space<vmem>>, vector<16xf32>,
        %bitcast3A_1085 = vector.bitcast %get3A_1084 : vector<16xf32> to vector<32xbf16>
        %add3A_1086 = arith.constant 16 : i32
        %add3A_1087 = arith.addi %add3A_1082, %add3A_1086 : i32
        %get3A_1088 = arith.index_cast %add3A_1087 : i32 to index
        %get3A_1089 = tpu.vector_load %arg5[%get3A_1088] {strides = array<i32>} : memref<41920xf32, #tpu.memory_space<vmem>>, vector<16xf32>,
        %bitcast3A_1090 = vector.bitcast %get3A_1089 : vector<16xf32> to vector<32xbf16>
        %add3A_1091 = arith.addf %bitcast3A_1075, %bitcast3A_1085 : vector<32xbf16>
        %add3A_1092 = arith.addf %bitcast3A_1080, %bitcast3A_1090 : vector<32xbf16>
        %add3A_1093 = arith.constant 16768 : i32
        %add3A_1094 = arith.addi %mul3A_1018, %add3A_1093 : i32
        %get3A_1095 = arith.index_cast %add3A_1094 : i32 to index
        %get3A_1096 = tpu.vector_load %arg5[%get3A_1095] {strides = array<i32>} : memref<41920xf32, #tpu.memory_space<vmem>>, vector<16xf32>,
        %bitcast3A_1097 = vector.bitcast %get3A_1096 : vector<16xf32> to vector<32xbf16>
        %add3A_1098 = arith.constant 16 : i32
        %add3A_1099 = arith.addi %add3A_1094, %add3A_1098 : i32
        %get3A_1100 = arith.index_cast %add3A_1099 : i32 to index
        %get3A_1101 = tpu.vector_load %arg5[%get3A_1100] {strides = array<i32>} : memref<41920xf32, #tpu.memory_space<vmem>>, vector<16xf32>,
        %bitcast3A_1102 = vector.bitcast %get3A_1101 : vector<16xf32> to vector<32xbf16>
        %add3A_1103 = arith.addf %add3A_1091, %bitcast3A_1097 : vector<32xbf16>
        %add3A_1104 = arith.addf %add3A_1092, %bitcast3A_1102 : vector<32xbf16>
        %add3A_1105 = arith.constant 25152 : i32
        %add3A_1106 = arith.addi %mul3A_1022, %add3A_1105 : i32
        %get3A_1107 = arith.index_cast %add3A_1106 : i32 to index
        %get3A_1108 = tpu.vector_load %arg5[%get3A_1107] {strides = array<i32>} : memref<41920xf32, #tpu.memory_space<vmem>>, vector<16xf32>,
        %bitcast3A_1109 = vector.bitcast %get3A_1108 : vector<16xf32> to vector<32xbf16>
        %add3A_1110 = arith.constant 16 : i32
        %add3A_1111 = arith.addi %add3A_1106, %add3A_1110 : i32
        %get3A_1112 = arith.index_cast %add3A_1111 : i32 to index
        %get3A_1113 = tpu.vector_load %arg5[%get3A_1112] {strides = array<i32>} : memref<41920xf32, #tpu.memory_space<vmem>>, vector<16xf32>,
        %bitcast3A_1114 = vector.bitcast %get3A_1113 : vector<16xf32> to vector<32xbf16>
        %add3A_1115 = arith.addf %add3A_1103, %bitcast3A_1109 : vector<32xbf16>
        %add3A_1116 = arith.addf %add3A_1104, %bitcast3A_1114 : vector<32xbf16>
        %add3A_1117 = arith.constant 33536 : i32
        %add3A_1118 = arith.addi %mul3A_1026, %add3A_1117 : i32
        %get3A_1119 = arith.index_cast %add3A_1118 : i32 to index
        %get3A_1120 = tpu.vector_load %arg5[%get3A_1119] {strides = array<i32>} : memref<41920xf32, #tpu.memory_space<vmem>>, vector<16xf32>,
        %bitcast3A_1121 = vector.bitcast %get3A_1120 : vector<16xf32> to vector<32xbf16>
        %add3A_1122 = arith.constant 16 : i32
        %add3A_1123 = arith.addi %add3A_1118, %add3A_1122 : i32
        %get3A_1124 = arith.index_cast %add3A_1123 : i32 to index
        %get3A_1125 = tpu.vector_load %arg5[%get3A_1124] {strides = array<i32>} : memref<41920xf32, #tpu.memory_space<vmem>>, vector<16xf32>,
        %bitcast3A_1126 = vector.bitcast %get3A_1125 : vector<16xf32> to vector<32xbf16>
        %add3A_1127 = arith.addf %add3A_1115, %bitcast3A_1121 : vector<32xbf16>
        %add3A_1128 = arith.addf %add3A_1116, %bitcast3A_1126 : vector<32xbf16>
        %max3A_1129 = arith.constant 0.000000e+00 : bf16
        %max3A_1130 = vector.broadcast %max3A_1129 : bf16 to vector<32xbf16>
        %max3A_1131 = arith.maximumf %add3A_1127, %max3A_1130 : vector<32xbf16>
        %max3A_1132 = arith.constant 0.000000e+00 : bf16
        %max3A_1133 = vector.broadcast %max3A_1132 : bf16 to vector<32xbf16>
        %max3A_1134 = arith.maximumf %add3A_1128, %max3A_1133 : vector<32xbf16>
        %add3A_1135 = arith.constant 0 : i32
        %add3A_1136 = arith.addi %mul3A_1014, %add3A_1135 : i32
        %get3A_1137 = arith.index_cast %add3A_1136 : i32 to index
        %get3A_1138 = tpu.vector_load %arg5[%get3A_1137] {strides = array<i32>} : memref<41920xf32, #tpu.memory_space<vmem>>, vector<16xf32>,
        %bitcast3A_1139 = vector.bitcast %get3A_1138 : vector<16xf32> to vector<32xbf16>
        %add3A_1140 = arith.constant 16 : i32
        %add3A_1141 = arith.addi %add3A_1136, %add3A_1140 : i32
        %get3A_1142 = arith.index_cast %add3A_1141 : i32 to index
        %get3A_1143 = tpu.vector_load %arg5[%get3A_1142] {strides = array<i32>} : memref<41920xf32, #tpu.memory_space<vmem>>, vector<16xf32>,
        %bitcast3A_1144 = vector.bitcast %get3A_1143 : vector<16xf32> to vector<32xbf16>
        %add3A_1145 = arith.constant 8384 : i32
        %add3A_1146 = arith.addi %mul3A_1018, %add3A_1145 : i32
        %get3A_1147 = arith.index_cast %add3A_1146 : i32 to index
        %get3A_1148 = tpu.vector_load %arg5[%get3A_1147] {strides = array<i32>} : memref<41920xf32, #tpu.memory_space<vmem>>, vector<16xf32>,
        %bitcast3A_1149 = vector.bitcast %get3A_1148 : vector<16xf32> to vector<32xbf16>
        %add3A_1150 = arith.constant 16 : i32
        %add3A_1151 = arith.addi %add3A_1146, %add3A_1150 : i32
        %get3A_1152 = arith.index_cast %add3A_1151 : i32 to index
        %get3A_1153 = tpu.vector_load %arg5[%get3A_1152] {strides = array<i32>} : memref<41920xf32, #tpu.memory_space<vmem>>, vector<16xf32>,
        %bitcast3A_1154 = vector.bitcast %get3A_1153 : vector<16xf32> to vector<32xbf16>
        %add3A_1155 = arith.addf %bitcast3A_1139, %bitcast3A_1149 : vector<32xbf16>
        %add3A_1156 = arith.addf %bitcast3A_1144, %bitcast3A_1154 : vector<32xbf16>
        %add3A_1157 = arith.constant 16768 : i32
        %add3A_1158 = arith.addi %mul3A_1022, %add3A_1157 : i32
        %get3A_1159 = arith.index_cast %add3A_1158 : i32 to index
        %get3A_1160 = tpu.vector_load %arg5[%get3A_1159] {strides = array<i32>} : memref<41920xf32, #tpu.memory_space<vmem>>, vector<16xf32>,
        %bitcast3A_1161 = vector.bitcast %get3A_1160 : vector<16xf32> to vector<32xbf16>
        %add3A_1162 = arith.constant 16 : i32
        %add3A_1163 = arith.addi %add3A_1158, %add3A_1162 : i32
        %get3A_1164 = arith.index_cast %add3A_1163 : i32 to index
        %get3A_1165 = tpu.vector_load %arg5[%get3A_1164] {strides = array<i32>} : memref<41920xf32, #tpu.memory_space<vmem>>, vector<16xf32>,
        %bitcast3A_1166 = vector.bitcast %get3A_1165 : vector<16xf32> to vector<32xbf16>
        %add3A_1167 = arith.addf %add3A_1155, %bitcast3A_1161 : vector<32xbf16>
        %add3A_1168 = arith.addf %add3A_1156, %bitcast3A_1166 : vector<32xbf16>
        %add3A_1169 = arith.constant 25152 : i32
        %add3A_1170 = arith.addi %mul3A_1026, %add3A_1169 : i32
        %get3A_1171 = arith.index_cast %add3A_1170 : i32 to index
        %get3A_1172 = tpu.vector_load %arg5[%get3A_1171] {strides = array<i32>} : memref<41920xf32, #tpu.memory_space<vmem>>, vector<16xf32>,
        %bitcast3A_1173 = vector.bitcast %get3A_1172 : vector<16xf32> to vector<32xbf16>
        %add3A_1174 = arith.constant 16 : i32
        %add3A_1175 = arith.addi %add3A_1170, %add3A_1174 : i32
        %get3A_1176 = arith.index_cast %add3A_1175 : i32 to index
        %get3A_1177 = tpu.vector_load %arg5[%get3A_1176] {strides = array<i32>} : memref<41920xf32, #tpu.memory_space<vmem>>, vector<16xf32>,
        %bitcast3A_1178 = vector.bitcast %get3A_1177 : vector<16xf32> to vector<32xbf16>
        %add3A_1179 = arith.addf %add3A_1167, %bitcast3A_1173 : vector<32xbf16>
        %add3A_1180 = arith.addf %add3A_1168, %bitcast3A_1178 : vector<32xbf16>
        %add3A_1181 = arith.constant 33536 : i32
        %add3A_1182 = arith.addi %mul3A_1030, %add3A_1181 : i32
        %get3A_1183 = arith.index_cast %add3A_1182 : i32 to index
        %get3A_1184 = tpu.vector_load %arg5[%get3A_1183] {strides = array<i32>} : memref<41920xf32, #tpu.memory_space<vmem>>, vector<16xf32>,
        %bitcast3A_1185 = vector.bitcast %get3A_1184 : vector<16xf32> to vector<32xbf16>
        %add3A_1186 = arith.constant 16 : i32
        %add3A_1187 = arith.addi %add3A_1182, %add3A_1186 : i32
        %get3A_1188 = arith.index_cast %add3A_1187 : i32 to index
        %get3A_1189 = tpu.vector_load %arg5[%get3A_1188] {strides = array<i32>} : memref<41920xf32, #tpu.memory_space<vmem>>, vector<16xf32>,
        %bitcast3A_1190 = vector.bitcast %get3A_1189 : vector<16xf32> to vector<32xbf16>
        %add3A_1191 = arith.addf %add3A_1179, %bitcast3A_1185 : vector<32xbf16>
        %add3A_1192 = arith.addf %add3A_1180, %bitcast3A_1190 : vector<32xbf16>
        %max3A_1193 = arith.constant 0.000000e+00 : bf16
        %max3A_1194 = vector.broadcast %max3A_1193 : bf16 to vector<32xbf16>
        %max3A_1195 = arith.maximumf %add3A_1191, %max3A_1194 : vector<32xbf16>
        %max3A_1196 = arith.constant 0.000000e+00 : bf16
        %max3A_1197 = vector.broadcast %max3A_1196 : bf16 to vector<32xbf16>
        %max3A_1198 = arith.maximumf %add3A_1192, %max3A_1197 : vector<32xbf16>
        %max3A_1199 = arith.maximumf %max3A_1131, %max3A_1195 : vector<32xbf16>
        %max3A_1200 = arith.maximumf %max3A_1134, %max3A_1198 : vector<32xbf16>
        %add3A_1201 = arith.constant 0 : i32
        %add3A_1202 = arith.addi %mul3A_1018, %add3A_1201 : i32
        %get3A_1203 = arith.index_cast %add3A_1202 : i32 to index
        %get3A_1204 = tpu.vector_load %arg5[%get3A_1203] {strides = array<i32>} : memref<41920xf32, #tpu.memory_space<vmem>>, vector<16xf32>,
        %bitcast3A_1205 = vector.bitcast %get3A_1204 : vector<16xf32> to vector<32xbf16>
        %add3A_1206 = arith.constant 16 : i32
        %add3A_1207 = arith.addi %add3A_1202, %add3A_1206 : i32
        %get3A_1208 = arith.index_cast %add3A_1207 : i32 to index
        %get3A_1209 = tpu.vector_load %arg5[%get3A_1208] {strides = array<i32>} : memref<41920xf32, #tpu.memory_space<vmem>>, vector<16xf32>,
        %bitcast3A_1210 = vector.bitcast %get3A_1209 : vector<16xf32> to vector<32xbf16>
        %add3A_1211 = arith.constant 8384 : i32
        %add3A_1212 = arith.addi %mul3A_1022, %add3A_1211 : i32
        %get3A_1213 = arith.index_cast %add3A_1212 : i32 to index
        %get3A_1214 = tpu.vector_load %arg5[%get3A_1213] {strides = array<i32>} : memref<41920xf32, #tpu.memory_space<vmem>>, vector<16xf32>,
        %bitcast3A_1215 = vector.bitcast %get3A_1214 : vector<16xf32> to vector<32xbf16>
        %add3A_1216 = arith.constant 16 : i32
        %add3A_1217 = arith.addi %add3A_1212, %add3A_1216 : i32
        %get3A_1218 = arith.index_cast %add3A_1217 : i32 to index
        %get3A_1219 = tpu.vector_load %arg5[%get3A_1218] {strides = array<i32>} : memref<41920xf32, #tpu.memory_space<vmem>>, vector<16xf32>,
        %bitcast3A_1220 = vector.bitcast %get3A_1219 : vector<16xf32> to vector<32xbf16>
        %add3A_1221 = arith.addf %bitcast3A_1205, %bitcast3A_1215 : vector<32xbf16>
        %add3A_1222 = arith.addf %bitcast3A_1210, %bitcast3A_1220 : vector<32xbf16>
        %add3A_1223 = arith.constant 16768 : i32
        %add3A_1224 = arith.addi %mul3A_1026, %add3A_1223 : i32
        %get3A_1225 = arith.index_cast %add3A_1224 : i32 to index
        %get3A_1226 = tpu.vector_load %arg5[%get3A_1225] {strides = array<i32>} : memref<41920xf32, #tpu.memory_space<vmem>>, vector<16xf32>,
        %bitcast3A_1227 = vector.bitcast %get3A_1226 : vector<16xf32> to vector<32xbf16>
        %add3A_1228 = arith.constant 16 : i32
        %add3A_1229 = arith.addi %add3A_1224, %add3A_1228 : i32
        %get3A_1230 = arith.index_cast %add3A_1229 : i32 to index
        %get3A_1231 = tpu.vector_load %arg5[%get3A_1230] {strides = array<i32>} : memref<41920xf32, #tpu.memory_space<vmem>>, vector<16xf32>,
        %bitcast3A_1232 = vector.bitcast %get3A_1231 : vector<16xf32> to vector<32xbf16>
        %add3A_1233 = arith.addf %add3A_1221, %bitcast3A_1227 : vector<32xbf16>
        %add3A_1234 = arith.addf %add3A_1222, %bitcast3A_1232 : vector<32xbf16>
        %add3A_1235 = arith.constant 25152 : i32
        %add3A_1236 = arith.addi %mul3A_1030, %add3A_1235 : i32
        %get3A_1237 = arith.index_cast %add3A_1236 : i32 to index
        %get3A_1238 = tpu.vector_load %arg5[%get3A_1237] {strides = array<i32>} : memref<41920xf32, #tpu.memory_space<vmem>>, vector<16xf32>,
        %bitcast3A_1239 = vector.bitcast %get3A_1238 : vector<16xf32> to vector<32xbf16>
        %add3A_1240 = arith.constant 16 : i32
        %add3A_1241 = arith.addi %add3A_1236, %add3A_1240 : i32
        %get3A_1242 = arith.index_cast %add3A_1241 : i32 to index
        %get3A_1243 = tpu.vector_load %arg5[%get3A_1242] {strides = array<i32>} : memref<41920xf32, #tpu.memory_space<vmem>>, vector<16xf32>,
        %bitcast3A_1244 = vector.bitcast %get3A_1243 : vector<16xf32> to vector<32xbf16>
        %add3A_1245 = arith.addf %add3A_1233, %bitcast3A_1239 : vector<32xbf16>
        %add3A_1246 = arith.addf %add3A_1234, %bitcast3A_1244 : vector<32xbf16>
        %add3A_1247 = arith.constant 33536 : i32
        %add3A_1248 = arith.addi %mul3A_1034, %add3A_1247 : i32
        %get3A_1249 = arith.index_cast %add3A_1248 : i32 to index
        %get3A_1250 = tpu.vector_load %arg5[%get3A_1249] {strides = array<i32>} : memref<41920xf32, #tpu.memory_space<vmem>>, vector<16xf32>,
        %bitcast3A_1251 = vector.bitcast %get3A_1250 : vector<16xf32> to vector<32xbf16>
        %add3A_1252 = arith.constant 16 : i32
        %add3A_1253 = arith.addi %add3A_1248, %add3A_1252 : i32
        %get3A_1254 = arith.index_cast %add3A_1253 : i32 to index
        %get3A_1255 = tpu.vector_load %arg5[%get3A_1254] {strides = array<i32>} : memref<41920xf32, #tpu.memory_space<vmem>>, vector<16xf32>,
        %bitcast3A_1256 = vector.bitcast %get3A_1255 : vector<16xf32> to vector<32xbf16>
        %add3A_1257 = arith.addf %add3A_1245, %bitcast3A_1251 : vector<32xbf16>
        %add3A_1258 = arith.addf %add3A_1246, %bitcast3A_1256 : vector<32xbf16>
        %max3A_1259 = arith.constant 0.000000e+00 : bf16
        %max3A_1260 = vector.broadcast %max3A_1259 : bf16 to vector<32xbf16>
        %max3A_1261 = arith.maximumf %add3A_1257, %max3A_1260 : vector<32xbf16>
        %max3A_1262 = arith.constant 0.000000e+00 : bf16
        %max3A_1263 = vector.broadcast %max3A_1262 : bf16 to vector<32xbf16>
        %max3A_1264 = arith.maximumf %add3A_1258, %max3A_1263 : vector<32xbf16>
        %max3A_1265 = arith.maximumf %max3A_1199, %max3A_1261 : vector<32xbf16>
        %max3A_1266 = arith.maximumf %max3A_1200, %max3A_1264 : vector<32xbf16>
        %add3A_1267 = arith.constant 0 : i32
        %add3A_1268 = arith.addi %mul3A_1022, %add3A_1267 : i32
        %get3A_1269 = arith.index_cast %add3A_1268 : i32 to index
        %get3A_1270 = tpu.vector_load %arg5[%get3A_1269] {strides = array<i32>} : memref<41920xf32, #tpu.memory_space<vmem>>, vector<16xf32>,
        %bitcast3A_1271 = vector.bitcast %get3A_1270 : vector<16xf32> to vector<32xbf16>
        %add3A_1272 = arith.constant 16 : i32
        %add3A_1273 = arith.addi %add3A_1268, %add3A_1272 : i32
        %get3A_1274 = arith.index_cast %add3A_1273 : i32 to index
        %get3A_1275 = tpu.vector_load %arg5[%get3A_1274] {strides = array<i32>} : memref<41920xf32, #tpu.memory_space<vmem>>, vector<16xf32>,
        %bitcast3A_1276 = vector.bitcast %get3A_1275 : vector<16xf32> to vector<32xbf16>
        %add3A_1277 = arith.constant 8384 : i32
        %add3A_1278 = arith.addi %mul3A_1026, %add3A_1277 : i32
        %get3A_1279 = arith.index_cast %add3A_1278 : i32 to index
        %get3A_1280 = tpu.vector_load %arg5[%get3A_1279] {strides = array<i32>} : memref<41920xf32, #tpu.memory_space<vmem>>, vector<16xf32>,
        %bitcast3A_1281 = vector.bitcast %get3A_1280 : vector<16xf32> to vector<32xbf16>
        %add3A_1282 = arith.constant 16 : i32
        %add3A_1283 = arith.addi %add3A_1278, %add3A_1282 : i32
        %get3A_1284 = arith.index_cast %add3A_1283 : i32 to index
        %get3A_1285 = tpu.vector_load %arg5[%get3A_1284] {strides = array<i32>} : memref<41920xf32, #tpu.memory_space<vmem>>, vector<16xf32>,
        %bitcast3A_1286 = vector.bitcast %get3A_1285 : vector<16xf32> to vector<32xbf16>
        %add3A_1287 = arith.addf %bitcast3A_1271, %bitcast3A_1281 : vector<32xbf16>
        %add3A_1288 = arith.addf %bitcast3A_1276, %bitcast3A_1286 : vector<32xbf16>
        %add3A_1289 = arith.constant 16768 : i32
        %add3A_1290 = arith.addi %mul3A_1030, %add3A_1289 : i32
        %get3A_1291 = arith.index_cast %add3A_1290 : i32 to index
        %get3A_1292 = tpu.vector_load %arg5[%get3A_1291] {strides = array<i32>} : memref<41920xf32, #tpu.memory_space<vmem>>, vector<16xf32>,
        %bitcast3A_1293 = vector.bitcast %get3A_1292 : vector<16xf32> to vector<32xbf16>
        %add3A_1294 = arith.constant 16 : i32
        %add3A_1295 = arith.addi %add3A_1290, %add3A_1294 : i32
        %get3A_1296 = arith.index_cast %add3A_1295 : i32 to index
        %get3A_1297 = tpu.vector_load %arg5[%get3A_1296] {strides = array<i32>} : memref<41920xf32, #tpu.memory_space<vmem>>, vector<16xf32>,
        %bitcast3A_1298 = vector.bitcast %get3A_1297 : vector<16xf32> to vector<32xbf16>
        %add3A_1299 = arith.addf %add3A_1287, %bitcast3A_1293 : vector<32xbf16>
        %add3A_1300 = arith.addf %add3A_1288, %bitcast3A_1298 : vector<32xbf16>
        %add3A_1301 = arith.constant 25152 : i32
        %add3A_1302 = arith.addi %mul3A_1034, %add3A_1301 : i32
        %get3A_1303 = arith.index_cast %add3A_1302 : i32 to index
        %get3A_1304 = tpu.vector_load %arg5[%get3A_1303] {strides = array<i32>} : memref<41920xf32, #tpu.memory_space<vmem>>, vector<16xf32>,
        %bitcast3A_1305 = vector.bitcast %get3A_1304 : vector<16xf32> to vector<32xbf16>
        %add3A_1306 = arith.constant 16 : i32
        %add3A_1307 = arith.addi %add3A_1302, %add3A_1306 : i32
        %get3A_1308 = arith.index_cast %add3A_1307 : i32 to index
        %get3A_1309 = tpu.vector_load %arg5[%get3A_1308] {strides = array<i32>} : memref<41920xf32, #tpu.memory_space<vmem>>, vector<16xf32>,
        %bitcast3A_1310 = vector.bitcast %get3A_1309 : vector<16xf32> to vector<32xbf16>
        %add3A_1311 = arith.addf %add3A_1299, %bitcast3A_1305 : vector<32xbf16>
        %add3A_1312 = arith.addf %add3A_1300, %bitcast3A_1310 : vector<32xbf16>
        %add3A_1313 = arith.constant 33536 : i32
        %add3A_1314 = arith.addi %mul3A_1038, %add3A_1313 : i32
        %get3A_1315 = arith.index_cast %add3A_1314 : i32 to index
        %get3A_1316 = tpu.vector_load %arg5[%get3A_1315] {strides = array<i32>} : memref<41920xf32, #tpu.memory_space<vmem>>, vector<16xf32>,
        %bitcast3A_1317 = vector.bitcast %get3A_1316 : vector<16xf32> to vector<32xbf16>
        %add3A_1318 = arith.constant 16 : i32
        %add3A_1319 = arith.addi %add3A_1314, %add3A_1318 : i32
        %get3A_1320 = arith.index_cast %add3A_1319 : i32 to index
        %get3A_1321 = tpu.vector_load %arg5[%get3A_1320] {strides = array<i32>} : memref<41920xf32, #tpu.memory_space<vmem>>, vector<16xf32>,
        %bitcast3A_1322 = vector.bitcast %get3A_1321 : vector<16xf32> to vector<32xbf16>
        %add3A_1323 = arith.addf %add3A_1311, %bitcast3A_1317 : vector<32xbf16>
        %add3A_1324 = arith.addf %add3A_1312, %bitcast3A_1322 : vector<32xbf16>
        %max3A_1325 = arith.constant 0.000000e+00 : bf16
        %max3A_1326 = vector.broadcast %max3A_1325 : bf16 to vector<32xbf16>
        %max3A_1327 = arith.maximumf %add3A_1323, %max3A_1326 : vector<32xbf16>
        %max3A_1328 = arith.constant 0.000000e+00 : bf16
        %max3A_1329 = vector.broadcast %max3A_1328 : bf16 to vector<32xbf16>
        %max3A_1330 = arith.maximumf %add3A_1324, %max3A_1329 : vector<32xbf16>
        %max3A_1331 = arith.maximumf %max3A_1265, %max3A_1327 : vector<32xbf16>
        %max3A_1332 = arith.maximumf %max3A_1266, %max3A_1330 : vector<32xbf16>
        %add3A_1333 = arith.constant 0 : i32
        %add3A_1334 = arith.addi %mul3A_1026, %add3A_1333 : i32
        %get3A_1335 = arith.index_cast %add3A_1334 : i32 to index
        %get3A_1336 = tpu.vector_load %arg5[%get3A_1335] {strides = array<i32>} : memref<41920xf32, #tpu.memory_space<vmem>>, vector<16xf32>,
        %bitcast3A_1337 = vector.bitcast %get3A_1336 : vector<16xf32> to vector<32xbf16>
        %add3A_1338 = arith.constant 16 : i32
        %add3A_1339 = arith.addi %add3A_1334, %add3A_1338 : i32
        %get3A_1340 = arith.index_cast %add3A_1339 : i32 to index
        %get3A_1341 = tpu.vector_load %arg5[%get3A_1340] {strides = array<i32>} : memref<41920xf32, #tpu.memory_space<vmem>>, vector<16xf32>,
        %bitcast3A_1342 = vector.bitcast %get3A_1341 : vector<16xf32> to vector<32xbf16>
        %add3A_1343 = arith.constant 8384 : i32
        %add3A_1344 = arith.addi %mul3A_1030, %add3A_1343 : i32
        %get3A_1345 = arith.index_cast %add3A_1344 : i32 to index
        %get3A_1346 = tpu.vector_load %arg5[%get3A_1345] {strides = array<i32>} : memref<41920xf32, #tpu.memory_space<vmem>>, vector<16xf32>,
        %bitcast3A_1347 = vector.bitcast %get3A_1346 : vector<16xf32> to vector<32xbf16>
        %add3A_1348 = arith.constant 16 : i32
        %add3A_1349 = arith.addi %add3A_1344, %add3A_1348 : i32
        %get3A_1350 = arith.index_cast %add3A_1349 : i32 to index
        %get3A_1351 = tpu.vector_load %arg5[%get3A_1350] {strides = array<i32>} : memref<41920xf32, #tpu.memory_space<vmem>>, vector<16xf32>,
        %bitcast3A_1352 = vector.bitcast %get3A_1351 : vector<16xf32> to vector<32xbf16>
        %add3A_1353 = arith.addf %bitcast3A_1337, %bitcast3A_1347 : vector<32xbf16>
        %add3A_1354 = arith.addf %bitcast3A_1342, %bitcast3A_1352 : vector<32xbf16>
        %add3A_1355 = arith.constant 16768 : i32
        %add3A_1356 = arith.addi %mul3A_1034, %add3A_1355 : i32
        %get3A_1357 = arith.index_cast %add3A_1356 : i32 to index
        %get3A_1358 = tpu.vector_load %arg5[%get3A_1357] {strides = array<i32>} : memref<41920xf32, #tpu.memory_space<vmem>>, vector<16xf32>,
        %bitcast3A_1359 = vector.bitcast %get3A_1358 : vector<16xf32> to vector<32xbf16>
        %add3A_1360 = arith.constant 16 : i32
        %add3A_1361 = arith.addi %add3A_1356, %add3A_1360 : i32
        %get3A_1362 = arith.index_cast %add3A_1361 : i32 to index
        %get3A_1363 = tpu.vector_load %arg5[%get3A_1362] {strides = array<i32>} : memref<41920xf32, #tpu.memory_space<vmem>>, vector<16xf32>,
        %bitcast3A_1364 = vector.bitcast %get3A_1363 : vector<16xf32> to vector<32xbf16>
        %add3A_1365 = arith.addf %add3A_1353, %bitcast3A_1359 : vector<32xbf16>
        %add3A_1366 = arith.addf %add3A_1354, %bitcast3A_1364 : vector<32xbf16>
        %add3A_1367 = arith.constant 25152 : i32
        %add3A_1368 = arith.addi %mul3A_1038, %add3A_1367 : i32
        %get3A_1369 = arith.index_cast %add3A_1368 : i32 to index
        %get3A_1370 = tpu.vector_load %arg5[%get3A_1369] {strides = array<i32>} : memref<41920xf32, #tpu.memory_space<vmem>>, vector<16xf32>,
        %bitcast3A_1371 = vector.bitcast %get3A_1370 : vector<16xf32> to vector<32xbf16>
        %add3A_1372 = arith.constant 16 : i32
        %add3A_1373 = arith.addi %add3A_1368, %add3A_1372 : i32
        %get3A_1374 = arith.index_cast %add3A_1373 : i32 to index
        %get3A_1375 = tpu.vector_load %arg5[%get3A_1374] {strides = array<i32>} : memref<41920xf32, #tpu.memory_space<vmem>>, vector<16xf32>,
        %bitcast3A_1376 = vector.bitcast %get3A_1375 : vector<16xf32> to vector<32xbf16>
        %add3A_1377 = arith.addf %add3A_1365, %bitcast3A_1371 : vector<32xbf16>
        %add3A_1378 = arith.addf %add3A_1366, %bitcast3A_1376 : vector<32xbf16>
        %add3A_1379 = arith.constant 33536 : i32
        %add3A_1380 = arith.addi %mul3A_1042, %add3A_1379 : i32
        %get3A_1381 = arith.index_cast %add3A_1380 : i32 to index
        %get3A_1382 = tpu.vector_load %arg5[%get3A_1381] {strides = array<i32>} : memref<41920xf32, #tpu.memory_space<vmem>>, vector<16xf32>,
        %bitcast3A_1383 = vector.bitcast %get3A_1382 : vector<16xf32> to vector<32xbf16>
        %add3A_1384 = arith.constant 16 : i32
        %add3A_1385 = arith.addi %add3A_1380, %add3A_1384 : i32
        %get3A_1386 = arith.index_cast %add3A_1385 : i32 to index
        %get3A_1387 = tpu.vector_load %arg5[%get3A_1386] {strides = array<i32>} : memref<41920xf32, #tpu.memory_space<vmem>>, vector<16xf32>,
        %bitcast3A_1388 = vector.bitcast %get3A_1387 : vector<16xf32> to vector<32xbf16>
        %add3A_1389 = arith.addf %add3A_1377, %bitcast3A_1383 : vector<32xbf16>
        %add3A_1390 = arith.addf %add3A_1378, %bitcast3A_1388 : vector<32xbf16>
        %max3A_1391 = arith.constant 0.000000e+00 : bf16
        %max3A_1392 = vector.broadcast %max3A_1391 : bf16 to vector<32xbf16>
        %max3A_1393 = arith.maximumf %add3A_1389, %max3A_1392 : vector<32xbf16>
        %max3A_1394 = arith.constant 0.000000e+00 : bf16
        %max3A_1395 = vector.broadcast %max3A_1394 : bf16 to vector<32xbf16>
        %max3A_1396 = arith.maximumf %add3A_1390, %max3A_1395 : vector<32xbf16>
        %max3A_1397 = arith.maximumf %max3A_1331, %max3A_1393 : vector<32xbf16>
        %max3A_1398 = arith.maximumf %max3A_1332, %max3A_1396 : vector<32xbf16>
        %add3A_1399 = arith.constant 0 : i32
        %add3A_1400 = arith.addi %mul3A_1030, %add3A_1399 : i32
        %get3A_1401 = arith.index_cast %add3A_1400 : i32 to index
        %get3A_1402 = tpu.vector_load %arg5[%get3A_1401] {strides = array<i32>} : memref<41920xf32, #tpu.memory_space<vmem>>, vector<16xf32>,
        %bitcast3A_1403 = vector.bitcast %get3A_1402 : vector<16xf32> to vector<32xbf16>
        %add3A_1404 = arith.constant 16 : i32
        %add3A_1405 = arith.addi %add3A_1400, %add3A_1404 : i32
        %get3A_1406 = arith.index_cast %add3A_1405 : i32 to index
        %get3A_1407 = tpu.vector_load %arg5[%get3A_1406] {strides = array<i32>} : memref<41920xf32, #tpu.memory_space<vmem>>, vector<16xf32>,
        %bitcast3A_1408 = vector.bitcast %get3A_1407 : vector<16xf32> to vector<32xbf16>
        %add3A_1409 = arith.constant 8384 : i32
        %add3A_1410 = arith.addi %mul3A_1034, %add3A_1409 : i32
        %get3A_1411 = arith.index_cast %add3A_1410 : i32 to index
        %get3A_1412 = tpu.vector_load %arg5[%get3A_1411] {strides = array<i32>} : memref<41920xf32, #tpu.memory_space<vmem>>, vector<16xf32>,
        %bitcast3A_1413 = vector.bitcast %get3A_1412 : vector<16xf32> to vector<32xbf16>
        %add3A_1414 = arith.constant 16 : i32
        %add3A_1415 = arith.addi %add3A_1410, %add3A_1414 : i32
        %get3A_1416 = arith.index_cast %add3A_1415 : i32 to index
        %get3A_1417 = tpu.vector_load %arg5[%get3A_1416] {strides = array<i32>} : memref<41920xf32, #tpu.memory_space<vmem>>, vector<16xf32>,
        %bitcast3A_1418 = vector.bitcast %get3A_1417 : vector<16xf32> to vector<32xbf16>
        %add3A_1419 = arith.addf %bitcast3A_1403, %bitcast3A_1413 : vector<32xbf16>
        %add3A_1420 = arith.addf %bitcast3A_1408, %bitcast3A_1418 : vector<32xbf16>
        %add3A_1421 = arith.constant 16768 : i32
        %add3A_1422 = arith.addi %mul3A_1038, %add3A_1421 : i32
        %get3A_1423 = arith.index_cast %add3A_1422 : i32 to index
        %get3A_1424 = tpu.vector_load %arg5[%get3A_1423] {strides = array<i32>} : memref<41920xf32, #tpu.memory_space<vmem>>, vector<16xf32>,
        %bitcast3A_1425 = vector.bitcast %get3A_1424 : vector<16xf32> to vector<32xbf16>
        %add3A_1426 = arith.constant 16 : i32
        %add3A_1427 = arith.addi %add3A_1422, %add3A_1426 : i32
        %get3A_1428 = arith.index_cast %add3A_1427 : i32 to index
        %get3A_1429 = tpu.vector_load %arg5[%get3A_1428] {strides = array<i32>} : memref<41920xf32, #tpu.memory_space<vmem>>, vector<16xf32>,
        %bitcast3A_1430 = vector.bitcast %get3A_1429 : vector<16xf32> to vector<32xbf16>
        %add3A_1431 = arith.addf %add3A_1419, %bitcast3A_1425 : vector<32xbf16>
        %add3A_1432 = arith.addf %add3A_1420, %bitcast3A_1430 : vector<32xbf16>
        %add3A_1433 = arith.constant 25152 : i32
        %add3A_1434 = arith.addi %mul3A_1042, %add3A_1433 : i32
        %get3A_1435 = arith.index_cast %add3A_1434 : i32 to index
        %get3A_1436 = tpu.vector_load %arg5[%get3A_1435] {strides = array<i32>} : memref<41920xf32, #tpu.memory_space<vmem>>, vector<16xf32>,
        %bitcast3A_1437 = vector.bitcast %get3A_1436 : vector<16xf32> to vector<32xbf16>
        %add3A_1438 = arith.constant 16 : i32
        %add3A_1439 = arith.addi %add3A_1434, %add3A_1438 : i32
        %get3A_1440 = arith.index_cast %add3A_1439 : i32 to index
        %get3A_1441 = tpu.vector_load %arg5[%get3A_1440] {strides = array<i32>} : memref<41920xf32, #tpu.memory_space<vmem>>, vector<16xf32>,
        %bitcast3A_1442 = vector.bitcast %get3A_1441 : vector<16xf32> to vector<32xbf16>
        %add3A_1443 = arith.addf %add3A_1431, %bitcast3A_1437 : vector<32xbf16>
        %add3A_1444 = arith.addf %add3A_1432, %bitcast3A_1442 : vector<32xbf16>
        %add3A_1445 = arith.constant 33536 : i32
        %add3A_1446 = arith.addi %mul3A_1046, %add3A_1445 : i32
        %get3A_1447 = arith.index_cast %add3A_1446 : i32 to index
        %get3A_1448 = tpu.vector_load %arg5[%get3A_1447] {strides = array<i32>} : memref<41920xf32, #tpu.memory_space<vmem>>, vector<16xf32>,
        %bitcast3A_1449 = vector.bitcast %get3A_1448 : vector<16xf32> to vector<32xbf16>
        %add3A_1450 = arith.constant 16 : i32
        %add3A_1451 = arith.addi %add3A_1446, %add3A_1450 : i32
        %get3A_1452 = arith.index_cast %add3A_1451 : i32 to index
        %get3A_1453 = tpu.vector_load %arg5[%get3A_1452] {strides = array<i32>} : memref<41920xf32, #tpu.memory_space<vmem>>, vector<16xf32>,
        %bitcast3A_1454 = vector.bitcast %get3A_1453 : vector<16xf32> to vector<32xbf16>
        %add3A_1455 = arith.addf %add3A_1443, %bitcast3A_1449 : vector<32xbf16>
        %add3A_1456 = arith.addf %add3A_1444, %bitcast3A_1454 : vector<32xbf16>
        %max3A_1457 = arith.constant 0.000000e+00 : bf16
        %max3A_1458 = vector.broadcast %max3A_1457 : bf16 to vector<32xbf16>
        %max3A_1459 = arith.maximumf %add3A_1455, %max3A_1458 : vector<32xbf16>
        %max3A_1460 = arith.constant 0.000000e+00 : bf16
        %max3A_1461 = vector.broadcast %max3A_1460 : bf16 to vector<32xbf16>
        %max3A_1462 = arith.maximumf %add3A_1456, %max3A_1461 : vector<32xbf16>
        %max3A_1463 = arith.maximumf %max3A_1397, %max3A_1459 : vector<32xbf16>
        %max3A_1464 = arith.maximumf %max3A_1398, %max3A_1462 : vector<32xbf16>
        %add3A_1465 = arith.constant 0 : i32
        %add3A_1466 = arith.addi %mul3A_1034, %add3A_1465 : i32
        %get3A_1467 = arith.index_cast %add3A_1466 : i32 to index
        %get3A_1468 = tpu.vector_load %arg5[%get3A_1467] {strides = array<i32>} : memref<41920xf32, #tpu.memory_space<vmem>>, vector<16xf32>,
        %bitcast3A_1469 = vector.bitcast %get3A_1468 : vector<16xf32> to vector<32xbf16>
        %add3A_1470 = arith.constant 16 : i32
        %add3A_1471 = arith.addi %add3A_1466, %add3A_1470 : i32
        %get3A_1472 = arith.index_cast %add3A_1471 : i32 to index
        %get3A_1473 = tpu.vector_load %arg5[%get3A_1472] {strides = array<i32>} : memref<41920xf32, #tpu.memory_space<vmem>>, vector<16xf32>,
        %bitcast3A_1474 = vector.bitcast %get3A_1473 : vector<16xf32> to vector<32xbf16>
        %add3A_1475 = arith.constant 8384 : i32
        %add3A_1476 = arith.addi %mul3A_1038, %add3A_1475 : i32
        %get3A_1477 = arith.index_cast %add3A_1476 : i32 to index
        %get3A_1478 = tpu.vector_load %arg5[%get3A_1477] {strides = array<i32>} : memref<41920xf32, #tpu.memory_space<vmem>>, vector<16xf32>,
        %bitcast3A_1479 = vector.bitcast %get3A_1478 : vector<16xf32> to vector<32xbf16>
        %add3A_1480 = arith.constant 16 : i32
        %add3A_1481 = arith.addi %add3A_1476, %add3A_1480 : i32
        %get3A_1482 = arith.index_cast %add3A_1481 : i32 to index
        %get3A_1483 = tpu.vector_load %arg5[%get3A_1482] {strides = array<i32>} : memref<41920xf32, #tpu.memory_space<vmem>>, vector<16xf32>,
        %bitcast3A_1484 = vector.bitcast %get3A_1483 : vector<16xf32> to vector<32xbf16>
        %add3A_1485 = arith.addf %bitcast3A_1469, %bitcast3A_1479 : vector<32xbf16>
        %add3A_1486 = arith.addf %bitcast3A_1474, %bitcast3A_1484 : vector<32xbf16>
        %add3A_1487 = arith.constant 16768 : i32
        %add3A_1488 = arith.addi %mul3A_1042, %add3A_1487 : i32
        %get3A_1489 = arith.index_cast %add3A_1488 : i32 to index
        %get3A_1490 = tpu.vector_load %arg5[%get3A_1489] {strides = array<i32>} : memref<41920xf32, #tpu.memory_space<vmem>>, vector<16xf32>,
        %bitcast3A_1491 = vector.bitcast %get3A_1490 : vector<16xf32> to vector<32xbf16>
        %add3A_1492 = arith.constant 16 : i32
        %add3A_1493 = arith.addi %add3A_1488, %add3A_1492 : i32
        %get3A_1494 = arith.index_cast %add3A_1493 : i32 to index
        %get3A_1495 = tpu.vector_load %arg5[%get3A_1494] {strides = array<i32>} : memref<41920xf32, #tpu.memory_space<vmem>>, vector<16xf32>,
        %bitcast3A_1496 = vector.bitcast %get3A_1495 : vector<16xf32> to vector<32xbf16>
        %add3A_1497 = arith.addf %add3A_1485, %bitcast3A_1491 : vector<32xbf16>
        %add3A_1498 = arith.addf %add3A_1486, %bitcast3A_1496 : vector<32xbf16>
        %add3A_1499 = arith.constant 25152 : i32
        %add3A_1500 = arith.addi %mul3A_1046, %add3A_1499 : i32
        %get3A_1501 = arith.index_cast %add3A_1500 : i32 to index
        %get3A_1502 = tpu.vector_load %arg5[%get3A_1501] {strides = array<i32>} : memref<41920xf32, #tpu.memory_space<vmem>>, vector<16xf32>,
        %bitcast3A_1503 = vector.bitcast %get3A_1502 : vector<16xf32> to vector<32xbf16>
        %add3A_1504 = arith.constant 16 : i32
        %add3A_1505 = arith.addi %add3A_1500, %add3A_1504 : i32
        %get3A_1506 = arith.index_cast %add3A_1505 : i32 to index
        %get3A_1507 = tpu.vector_load %arg5[%get3A_1506] {strides = array<i32>} : memref<41920xf32, #tpu.memory_space<vmem>>, vector<16xf32>,
        %bitcast3A_1508 = vector.bitcast %get3A_1507 : vector<16xf32> to vector<32xbf16>
        %add3A_1509 = arith.addf %add3A_1497, %bitcast3A_1503 : vector<32xbf16>
        %add3A_1510 = arith.addf %add3A_1498, %bitcast3A_1508 : vector<32xbf16>
        %add3A_1511 = arith.constant 33536 : i32
        %add3A_1512 = arith.addi %mul3A_1050, %add3A_1511 : i32
        %get3A_1513 = arith.index_cast %add3A_1512 : i32 to index
        %get3A_1514 = tpu.vector_load %arg5[%get3A_1513] {strides = array<i32>} : memref<41920xf32, #tpu.memory_space<vmem>>, vector<16xf32>,
        %bitcast3A_1515 = vector.bitcast %get3A_1514 : vector<16xf32> to vector<32xbf16>
        %add3A_1516 = arith.constant 16 : i32
        %add3A_1517 = arith.addi %add3A_1512, %add3A_1516 : i32
        %get3A_1518 = arith.index_cast %add3A_1517 : i32 to index
        %get3A_1519 = tpu.vector_load %arg5[%get3A_1518] {strides = array<i32>} : memref<41920xf32, #tpu.memory_space<vmem>>, vector<16xf32>,
        %bitcast3A_1520 = vector.bitcast %get3A_1519 : vector<16xf32> to vector<32xbf16>
        %add3A_1521 = arith.addf %add3A_1509, %bitcast3A_1515 : vector<32xbf16>
        %add3A_1522 = arith.addf %add3A_1510, %bitcast3A_1520 : vector<32xbf16>
        %max3A_1523 = arith.constant 0.000000e+00 : bf16
        %max3A_1524 = vector.broadcast %max3A_1523 : bf16 to vector<32xbf16>
        %max3A_1525 = arith.maximumf %add3A_1521, %max3A_1524 : vector<32xbf16>
        %max3A_1526 = arith.constant 0.000000e+00 : bf16
        %max3A_1527 = vector.broadcast %max3A_1526 : bf16 to vector<32xbf16>
        %max3A_1528 = arith.maximumf %add3A_1522, %max3A_1527 : vector<32xbf16>
        %max3A_1529 = arith.maximumf %max3A_1463, %max3A_1525 : vector<32xbf16>
        %max3A_1530 = arith.maximumf %max3A_1464, %max3A_1528 : vector<32xbf16>
        %add3A_1531 = arith.constant 0 : i32
        %add3A_1532 = arith.addi %mul3A_1038, %add3A_1531 : i32
        %get3A_1533 = arith.index_cast %add3A_1532 : i32 to index
        %get3A_1534 = tpu.vector_load %arg5[%get3A_1533] {strides = array<i32>} : memref<41920xf32, #tpu.memory_space<vmem>>, vector<16xf32>,
        %bitcast3A_1535 = vector.bitcast %get3A_1534 : vector<16xf32> to vector<32xbf16>
        %add3A_1536 = arith.constant 16 : i32
        %add3A_1537 = arith.addi %add3A_1532, %add3A_1536 : i32
        %get3A_1538 = arith.index_cast %add3A_1537 : i32 to index
        %get3A_1539 = tpu.vector_load %arg5[%get3A_1538] {strides = array<i32>} : memref<41920xf32, #tpu.memory_space<vmem>>, vector<16xf32>,
        %bitcast3A_1540 = vector.bitcast %get3A_1539 : vector<16xf32> to vector<32xbf16>
        %add3A_1541 = arith.constant 8384 : i32
        %add3A_1542 = arith.addi %mul3A_1042, %add3A_1541 : i32
        %get3A_1543 = arith.index_cast %add3A_1542 : i32 to index
        %get3A_1544 = tpu.vector_load %arg5[%get3A_1543] {strides = array<i32>} : memref<41920xf32, #tpu.memory_space<vmem>>, vector<16xf32>,
        %bitcast3A_1545 = vector.bitcast %get3A_1544 : vector<16xf32> to vector<32xbf16>
        %add3A_1546 = arith.constant 16 : i32
        %add3A_1547 = arith.addi %add3A_1542, %add3A_1546 : i32
        %get3A_1548 = arith.index_cast %add3A_1547 : i32 to index
        %get3A_1549 = tpu.vector_load %arg5[%get3A_1548] {strides = array<i32>} : memref<41920xf32, #tpu.memory_space<vmem>>, vector<16xf32>,
        %bitcast3A_1550 = vector.bitcast %get3A_1549 : vector<16xf32> to vector<32xbf16>
        %add3A_1551 = arith.addf %bitcast3A_1535, %bitcast3A_1545 : vector<32xbf16>
        %add3A_1552 = arith.addf %bitcast3A_1540, %bitcast3A_1550 : vector<32xbf16>
        %add3A_1553 = arith.constant 16768 : i32
        %add3A_1554 = arith.addi %mul3A_1046, %add3A_1553 : i32
        %get3A_1555 = arith.index_cast %add3A_1554 : i32 to index
        %get3A_1556 = tpu.vector_load %arg5[%get3A_1555] {strides = array<i32>} : memref<41920xf32, #tpu.memory_space<vmem>>, vector<16xf32>,
        %bitcast3A_1557 = vector.bitcast %get3A_1556 : vector<16xf32> to vector<32xbf16>
        %add3A_1558 = arith.constant 16 : i32
        %add3A_1559 = arith.addi %add3A_1554, %add3A_1558 : i32
        %get3A_1560 = arith.index_cast %add3A_1559 : i32 to index
        %get3A_1561 = tpu.vector_load %arg5[%get3A_1560] {strides = array<i32>} : memref<41920xf32, #tpu.memory_space<vmem>>, vector<16xf32>,
        %bitcast3A_1562 = vector.bitcast %get3A_1561 : vector<16xf32> to vector<32xbf16>
        %add3A_1563 = arith.addf %add3A_1551, %bitcast3A_1557 : vector<32xbf16>
        %add3A_1564 = arith.addf %add3A_1552, %bitcast3A_1562 : vector<32xbf16>
        %add3A_1565 = arith.constant 25152 : i32
        %add3A_1566 = arith.addi %mul3A_1050, %add3A_1565 : i32
        %get3A_1567 = arith.index_cast %add3A_1566 : i32 to index
        %get3A_1568 = tpu.vector_load %arg5[%get3A_1567] {strides = array<i32>} : memref<41920xf32, #tpu.memory_space<vmem>>, vector<16xf32>,
        %bitcast3A_1569 = vector.bitcast %get3A_1568 : vector<16xf32> to vector<32xbf16>
        %add3A_1570 = arith.constant 16 : i32
        %add3A_1571 = arith.addi %add3A_1566, %add3A_1570 : i32
        %get3A_1572 = arith.index_cast %add3A_1571 : i32 to index
        %get3A_1573 = tpu.vector_load %arg5[%get3A_1572] {strides = array<i32>} : memref<41920xf32, #tpu.memory_space<vmem>>, vector<16xf32>,
        %bitcast3A_1574 = vector.bitcast %get3A_1573 : vector<16xf32> to vector<32xbf16>
        %add3A_1575 = arith.addf %add3A_1563, %bitcast3A_1569 : vector<32xbf16>
        %add3A_1576 = arith.addf %add3A_1564, %bitcast3A_1574 : vector<32xbf16>
        %add3A_1577 = arith.constant 33536 : i32
        %add3A_1578 = arith.addi %mul3A_1054, %add3A_1577 : i32
        %get3A_1579 = arith.index_cast %add3A_1578 : i32 to index
        %get3A_1580 = tpu.vector_load %arg5[%get3A_1579] {strides = array<i32>} : memref<41920xf32, #tpu.memory_space<vmem>>, vector<16xf32>,
        %bitcast3A_1581 = vector.bitcast %get3A_1580 : vector<16xf32> to vector<32xbf16>
        %add3A_1582 = arith.constant 16 : i32
        %add3A_1583 = arith.addi %add3A_1578, %add3A_1582 : i32
        %get3A_1584 = arith.index_cast %add3A_1583 : i32 to index
        %get3A_1585 = tpu.vector_load %arg5[%get3A_1584] {strides = array<i32>} : memref<41920xf32, #tpu.memory_space<vmem>>, vector<16xf32>,
        %bitcast3A_1586 = vector.bitcast %get3A_1585 : vector<16xf32> to vector<32xbf16>
        %add3A_1587 = arith.addf %add3A_1575, %bitcast3A_1581 : vector<32xbf16>
        %add3A_1588 = arith.addf %add3A_1576, %bitcast3A_1586 : vector<32xbf16>
        %max3A_1589 = arith.constant 0.000000e+00 : bf16
        %max3A_1590 = vector.broadcast %max3A_1589 : bf16 to vector<32xbf16>
        %max3A_1591 = arith.maximumf %add3A_1587, %max3A_1590 : vector<32xbf16>
        %max3A_1592 = arith.constant 0.000000e+00 : bf16
        %max3A_1593 = vector.broadcast %max3A_1592 : bf16 to vector<32xbf16>
        %max3A_1594 = arith.maximumf %add3A_1588, %max3A_1593 : vector<32xbf16>
        %max3A_1595 = arith.maximumf %max3A_1529, %max3A_1591 : vector<32xbf16>
        %max3A_1596 = arith.maximumf %max3A_1530, %max3A_1594 : vector<32xbf16>
        %add3A_1597 = arith.constant 0 : i32
        %add3A_1598 = arith.addi %mul3A_1042, %add3A_1597 : i32
        %get3A_1599 = arith.index_cast %add3A_1598 : i32 to index
        %get3A_1600 = tpu.vector_load %arg5[%get3A_1599] {strides = array<i32>} : memref<41920xf32, #tpu.memory_space<vmem>>, vector<16xf32>,
        %bitcast3A_1601 = vector.bitcast %get3A_1600 : vector<16xf32> to vector<32xbf16>
        %add3A_1602 = arith.constant 16 : i32
        %add3A_1603 = arith.addi %add3A_1598, %add3A_1602 : i32
        %get3A_1604 = arith.index_cast %add3A_1603 : i32 to index
        %get3A_1605 = tpu.vector_load %arg5[%get3A_1604] {strides = array<i32>} : memref<41920xf32, #tpu.memory_space<vmem>>, vector<16xf32>,
        %bitcast3A_1606 = vector.bitcast %get3A_1605 : vector<16xf32> to vector<32xbf16>
        %add3A_1607 = arith.constant 8384 : i32
        %add3A_1608 = arith.addi %mul3A_1046, %add3A_1607 : i32
        %get3A_1609 = arith.index_cast %add3A_1608 : i32 to index
        %get3A_1610 = tpu.vector_load %arg5[%get3A_1609] {strides = array<i32>} : memref<41920xf32, #tpu.memory_space<vmem>>, vector<16xf32>,
        %bitcast3A_1611 = vector.bitcast %get3A_1610 : vector<16xf32> to vector<32xbf16>
        %add3A_1612 = arith.constant 16 : i32
        %add3A_1613 = arith.addi %add3A_1608, %add3A_1612 : i32
        %get3A_1614 = arith.index_cast %add3A_1613 : i32 to index
        %get3A_1615 = tpu.vector_load %arg5[%get3A_1614] {strides = array<i32>} : memref<41920xf32, #tpu.memory_space<vmem>>, vector<16xf32>,
        %bitcast3A_1616 = vector.bitcast %get3A_1615 : vector<16xf32> to vector<32xbf16>
        %add3A_1617 = arith.addf %bitcast3A_1601, %bitcast3A_1611 : vector<32xbf16>
        %add3A_1618 = arith.addf %bitcast3A_1606, %bitcast3A_1616 : vector<32xbf16>
        %add3A_1619 = arith.constant 16768 : i32
        %add3A_1620 = arith.addi %mul3A_1050, %add3A_1619 : i32
        %get3A_1621 = arith.index_cast %add3A_1620 : i32 to index
        %get3A_1622 = tpu.vector_load %arg5[%get3A_1621] {strides = array<i32>} : memref<41920xf32, #tpu.memory_space<vmem>>, vector<16xf32>,
        %bitcast3A_1623 = vector.bitcast %get3A_1622 : vector<16xf32> to vector<32xbf16>
        %add3A_1624 = arith.constant 16 : i32
        %add3A_1625 = arith.addi %add3A_1620, %add3A_1624 : i32
        %get3A_1626 = arith.index_cast %add3A_1625 : i32 to index
        %get3A_1627 = tpu.vector_load %arg5[%get3A_1626] {strides = array<i32>} : memref<41920xf32, #tpu.memory_space<vmem>>, vector<16xf32>,
        %bitcast3A_1628 = vector.bitcast %get3A_1627 : vector<16xf32> to vector<32xbf16>
        %add3A_1629 = arith.addf %add3A_1617, %bitcast3A_1623 : vector<32xbf16>
        %add3A_1630 = arith.addf %add3A_1618, %bitcast3A_1628 : vector<32xbf16>
        %add3A_1631 = arith.constant 25152 : i32
        %add3A_1632 = arith.addi %mul3A_1054, %add3A_1631 : i32
        %get3A_1633 = arith.index_cast %add3A_1632 : i32 to index
        %get3A_1634 = tpu.vector_load %arg5[%get3A_1633] {strides = array<i32>} : memref<41920xf32, #tpu.memory_space<vmem>>, vector<16xf32>,
        %bitcast3A_1635 = vector.bitcast %get3A_1634 : vector<16xf32> to vector<32xbf16>
        %add3A_1636 = arith.constant 16 : i32
        %add3A_1637 = arith.addi %add3A_1632, %add3A_1636 : i32
        %get3A_1638 = arith.index_cast %add3A_1637 : i32 to index
        %get3A_1639 = tpu.vector_load %arg5[%get3A_1638] {strides = array<i32>} : memref<41920xf32, #tpu.memory_space<vmem>>, vector<16xf32>,
        %bitcast3A_1640 = vector.bitcast %get3A_1639 : vector<16xf32> to vector<32xbf16>
        %add3A_1641 = arith.addf %add3A_1629, %bitcast3A_1635 : vector<32xbf16>
        %add3A_1642 = arith.addf %add3A_1630, %bitcast3A_1640 : vector<32xbf16>
        %add3A_1643 = arith.constant 33536 : i32
        %add3A_1644 = arith.addi %mul3A_1058, %add3A_1643 : i32
        %get3A_1645 = arith.index_cast %add3A_1644 : i32 to index
        %get3A_1646 = tpu.vector_load %arg5[%get3A_1645] {strides = array<i32>} : memref<41920xf32, #tpu.memory_space<vmem>>, vector<16xf32>,
        %bitcast3A_1647 = vector.bitcast %get3A_1646 : vector<16xf32> to vector<32xbf16>
        %add3A_1648 = arith.constant 16 : i32
        %add3A_1649 = arith.addi %add3A_1644, %add3A_1648 : i32
        %get3A_1650 = arith.index_cast %add3A_1649 : i32 to index
        %get3A_1651 = tpu.vector_load %arg5[%get3A_1650] {strides = array<i32>} : memref<41920xf32, #tpu.memory_space<vmem>>, vector<16xf32>,
        %bitcast3A_1652 = vector.bitcast %get3A_1651 : vector<16xf32> to vector<32xbf16>
        %add3A_1653 = arith.addf %add3A_1641, %bitcast3A_1647 : vector<32xbf16>
        %add3A_1654 = arith.addf %add3A_1642, %bitcast3A_1652 : vector<32xbf16>
        %max3A_1655 = arith.constant 0.000000e+00 : bf16
        %max3A_1656 = vector.broadcast %max3A_1655 : bf16 to vector<32xbf16>
        %max3A_1657 = arith.maximumf %add3A_1653, %max3A_1656 : vector<32xbf16>
        %max3A_1658 = arith.constant 0.000000e+00 : bf16
        %max3A_1659 = vector.broadcast %max3A_1658 : bf16 to vector<32xbf16>
        %max3A_1660 = arith.maximumf %add3A_1654, %max3A_1659 : vector<32xbf16>
        %max3A_1661 = arith.maximumf %max3A_1595, %max3A_1657 : vector<32xbf16>
        %max3A_1662 = arith.maximumf %max3A_1596, %max3A_1660 : vector<32xbf16>
        %add3A_1663 = arith.constant 0 : i32
        %add3A_1664 = arith.addi %mul3A_1046, %add3A_1663 : i32
        %get3A_1665 = arith.index_cast %add3A_1664 : i32 to index
        %get3A_1666 = tpu.vector_load %arg5[%get3A_1665] {strides = array<i32>} : memref<41920xf32, #tpu.memory_space<vmem>>, vector<16xf32>,
        %bitcast3A_1667 = vector.bitcast %get3A_1666 : vector<16xf32> to vector<32xbf16>
        %add3A_1668 = arith.constant 16 : i32
        %add3A_1669 = arith.addi %add3A_1664, %add3A_1668 : i32
        %get3A_1670 = arith.index_cast %add3A_1669 : i32 to index
        %get3A_1671 = tpu.vector_load %arg5[%get3A_1670] {strides = array<i32>} : memref<41920xf32, #tpu.memory_space<vmem>>, vector<16xf32>,
        %bitcast3A_1672 = vector.bitcast %get3A_1671 : vector<16xf32> to vector<32xbf16>
        %add3A_1673 = arith.constant 8384 : i32
        %add3A_1674 = arith.addi %mul3A_1050, %add3A_1673 : i32
        %get3A_1675 = arith.index_cast %add3A_1674 : i32 to index
        %get3A_1676 = tpu.vector_load %arg5[%get3A_1675] {strides = array<i32>} : memref<41920xf32, #tpu.memory_space<vmem>>, vector<16xf32>,
        %bitcast3A_1677 = vector.bitcast %get3A_1676 : vector<16xf32> to vector<32xbf16>
        %add3A_1678 = arith.constant 16 : i32
        %add3A_1679 = arith.addi %add3A_1674, %add3A_1678 : i32
        %get3A_1680 = arith.index_cast %add3A_1679 : i32 to index
        %get3A_1681 = tpu.vector_load %arg5[%get3A_1680] {strides = array<i32>} : memref<41920xf32, #tpu.memory_space<vmem>>, vector<16xf32>,
        %bitcast3A_1682 = vector.bitcast %get3A_1681 : vector<16xf32> to vector<32xbf16>
        %add3A_1683 = arith.addf %bitcast3A_1667, %bitcast3A_1677 : vector<32xbf16>
        %add3A_1684 = arith.addf %bitcast3A_1672, %bitcast3A_1682 : vector<32xbf16>
        %add3A_1685 = arith.constant 16768 : i32
        %add3A_1686 = arith.addi %mul3A_1054, %add3A_1685 : i32
        %get3A_1687 = arith.index_cast %add3A_1686 : i32 to index
        %get3A_1688 = tpu.vector_load %arg5[%get3A_1687] {strides = array<i32>} : memref<41920xf32, #tpu.memory_space<vmem>>, vector<16xf32>,
        %bitcast3A_1689 = vector.bitcast %get3A_1688 : vector<16xf32> to vector<32xbf16>
        %add3A_1690 = arith.constant 16 : i32
        %add3A_1691 = arith.addi %add3A_1686, %add3A_1690 : i32
        %get3A_1692 = arith.index_cast %add3A_1691 : i32 to index
        %get3A_1693 = tpu.vector_load %arg5[%get3A_1692] {strides = array<i32>} : memref<41920xf32, #tpu.memory_space<vmem>>, vector<16xf32>,
        %bitcast3A_1694 = vector.bitcast %get3A_1693 : vector<16xf32> to vector<32xbf16>
        %add3A_1695 = arith.addf %add3A_1683, %bitcast3A_1689 : vector<32xbf16>
        %add3A_1696 = arith.addf %add3A_1684, %bitcast3A_1694 : vector<32xbf16>
        %add3A_1697 = arith.constant 25152 : i32
        %add3A_1698 = arith.addi %mul3A_1058, %add3A_1697 : i32
        %get3A_1699 = arith.index_cast %add3A_1698 : i32 to index
        %get3A_1700 = tpu.vector_load %arg5[%get3A_1699] {strides = array<i32>} : memref<41920xf32, #tpu.memory_space<vmem>>, vector<16xf32>,
        %bitcast3A_1701 = vector.bitcast %get3A_1700 : vector<16xf32> to vector<32xbf16>
        %add3A_1702 = arith.constant 16 : i32
        %add3A_1703 = arith.addi %add3A_1698, %add3A_1702 : i32
        %get3A_1704 = arith.index_cast %add3A_1703 : i32 to index
        %get3A_1705 = tpu.vector_load %arg5[%get3A_1704] {strides = array<i32>} : memref<41920xf32, #tpu.memory_space<vmem>>, vector<16xf32>,
        %bitcast3A_1706 = vector.bitcast %get3A_1705 : vector<16xf32> to vector<32xbf16>
        %add3A_1707 = arith.addf %add3A_1695, %bitcast3A_1701 : vector<32xbf16>
        %add3A_1708 = arith.addf %add3A_1696, %bitcast3A_1706 : vector<32xbf16>
        %add3A_1709 = arith.constant 33536 : i32
        %add3A_1710 = arith.addi %mul3A_1062, %add3A_1709 : i32
        %get3A_1711 = arith.index_cast %add3A_1710 : i32 to index
        %get3A_1712 = tpu.vector_load %arg5[%get3A_1711] {strides = array<i32>} : memref<41920xf32, #tpu.memory_space<vmem>>, vector<16xf32>,
        %bitcast3A_1713 = vector.bitcast %get3A_1712 : vector<16xf32> to vector<32xbf16>
        %add3A_1714 = arith.constant 16 : i32
        %add3A_1715 = arith.addi %add3A_1710, %add3A_1714 : i32
        %get3A_1716 = arith.index_cast %add3A_1715 : i32 to index
        %get3A_1717 = tpu.vector_load %arg5[%get3A_1716] {strides = array<i32>} : memref<41920xf32, #tpu.memory_space<vmem>>, vector<16xf32>,
        %bitcast3A_1718 = vector.bitcast %get3A_1717 : vector<16xf32> to vector<32xbf16>
        %add3A_1719 = arith.addf %add3A_1707, %bitcast3A_1713 : vector<32xbf16>
        %add3A_1720 = arith.addf %add3A_1708, %bitcast3A_1718 : vector<32xbf16>
        %max3A_1721 = arith.constant 0.000000e+00 : bf16
        %max3A_1722 = vector.broadcast %max3A_1721 : bf16 to vector<32xbf16>
        %max3A_1723 = arith.maximumf %add3A_1719, %max3A_1722 : vector<32xbf16>
        %max3A_1724 = arith.constant 0.000000e+00 : bf16
        %max3A_1725 = vector.broadcast %max3A_1724 : bf16 to vector<32xbf16>
        %max3A_1726 = arith.maximumf %add3A_1720, %max3A_1725 : vector<32xbf16>
        %max3A_1727 = arith.maximumf %max3A_1661, %max3A_1723 : vector<32xbf16>
        %max3A_1728 = arith.maximumf %max3A_1662, %max3A_1726 : vector<32xbf16>
        %add3A_1729 = arith.constant 0 : i32
        %add3A_1730 = arith.addi %mul3A_1050, %add3A_1729 : i32
        %get3A_1731 = arith.index_cast %add3A_1730 : i32 to index
        %get3A_1732 = tpu.vector_load %arg5[%get3A_1731] {strides = array<i32>} : memref<41920xf32, #tpu.memory_space<vmem>>, vector<16xf32>,
        %bitcast3A_1733 = vector.bitcast %get3A_1732 : vector<16xf32> to vector<32xbf16>
        %add3A_1734 = arith.constant 16 : i32
        %add3A_1735 = arith.addi %add3A_1730, %add3A_1734 : i32
        %get3A_1736 = arith.index_cast %add3A_1735 : i32 to index
        %get3A_1737 = tpu.vector_load %arg5[%get3A_1736] {strides = array<i32>} : memref<41920xf32, #tpu.memory_space<vmem>>, vector<16xf32>,
        %bitcast3A_1738 = vector.bitcast %get3A_1737 : vector<16xf32> to vector<32xbf16>
        %add3A_1739 = arith.constant 8384 : i32
        %add3A_1740 = arith.addi %mul3A_1054, %add3A_1739 : i32
        %get3A_1741 = arith.index_cast %add3A_1740 : i32 to index
        %get3A_1742 = tpu.vector_load %arg5[%get3A_1741] {strides = array<i32>} : memref<41920xf32, #tpu.memory_space<vmem>>, vector<16xf32>,
        %bitcast3A_1743 = vector.bitcast %get3A_1742 : vector<16xf32> to vector<32xbf16>
        %add3A_1744 = arith.constant 16 : i32
        %add3A_1745 = arith.addi %add3A_1740, %add3A_1744 : i32
        %get3A_1746 = arith.index_cast %add3A_1745 : i32 to index
        %get3A_1747 = tpu.vector_load %arg5[%get3A_1746] {strides = array<i32>} : memref<41920xf32, #tpu.memory_space<vmem>>, vector<16xf32>,
        %bitcast3A_1748 = vector.bitcast %get3A_1747 : vector<16xf32> to vector<32xbf16>
        %add3A_1749 = arith.addf %bitcast3A_1733, %bitcast3A_1743 : vector<32xbf16>
        %add3A_1750 = arith.addf %bitcast3A_1738, %bitcast3A_1748 : vector<32xbf16>
        %add3A_1751 = arith.constant 16768 : i32
        %add3A_1752 = arith.addi %mul3A_1058, %add3A_1751 : i32
        %get3A_1753 = arith.index_cast %add3A_1752 : i32 to index
        %get3A_1754 = tpu.vector_load %arg5[%get3A_1753] {strides = array<i32>} : memref<41920xf32, #tpu.memory_space<vmem>>, vector<16xf32>,
        %bitcast3A_1755 = vector.bitcast %get3A_1754 : vector<16xf32> to vector<32xbf16>
        %add3A_1756 = arith.constant 16 : i32
        %add3A_1757 = arith.addi %add3A_1752, %add3A_1756 : i32
        %get3A_1758 = arith.index_cast %add3A_1757 : i32 to index
        %get3A_1759 = tpu.vector_load %arg5[%get3A_1758] {strides = array<i32>} : memref<41920xf32, #tpu.memory_space<vmem>>, vector<16xf32>,
        %bitcast3A_1760 = vector.bitcast %get3A_1759 : vector<16xf32> to vector<32xbf16>
        %add3A_1761 = arith.addf %add3A_1749, %bitcast3A_1755 : vector<32xbf16>
        %add3A_1762 = arith.addf %add3A_1750, %bitcast3A_1760 : vector<32xbf16>
        %add3A_1763 = arith.constant 25152 : i32
        %add3A_1764 = arith.addi %mul3A_1062, %add3A_1763 : i32
        %get3A_1765 = arith.index_cast %add3A_1764 : i32 to index
        %get3A_1766 = tpu.vector_load %arg5[%get3A_1765] {strides = array<i32>} : memref<41920xf32, #tpu.memory_space<vmem>>, vector<16xf32>,
        %bitcast3A_1767 = vector.bitcast %get3A_1766 : vector<16xf32> to vector<32xbf16>
        %add3A_1768 = arith.constant 16 : i32
        %add3A_1769 = arith.addi %add3A_1764, %add3A_1768 : i32
        %get3A_1770 = arith.index_cast %add3A_1769 : i32 to index
        %get3A_1771 = tpu.vector_load %arg5[%get3A_1770] {strides = array<i32>} : memref<41920xf32, #tpu.memory_space<vmem>>, vector<16xf32>,
        %bitcast3A_1772 = vector.bitcast %get3A_1771 : vector<16xf32> to vector<32xbf16>
        %add3A_1773 = arith.addf %add3A_1761, %bitcast3A_1767 : vector<32xbf16>
        %add3A_1774 = arith.addf %add3A_1762, %bitcast3A_1772 : vector<32xbf16>
        %add3A_1775 = arith.constant 33536 : i32
        %add3A_1776 = arith.addi %mul3A_1066, %add3A_1775 : i32
        %get3A_1777 = arith.index_cast %add3A_1776 : i32 to index
        %get3A_1778 = tpu.vector_load %arg5[%get3A_1777] {strides = array<i32>} : memref<41920xf32, #tpu.memory_space<vmem>>, vector<16xf32>,
        %bitcast3A_1779 = vector.bitcast %get3A_1778 : vector<16xf32> to vector<32xbf16>
        %add3A_1780 = arith.constant 16 : i32
        %add3A_1781 = arith.addi %add3A_1776, %add3A_1780 : i32
        %get3A_1782 = arith.index_cast %add3A_1781 : i32 to index
        %get3A_1783 = tpu.vector_load %arg5[%get3A_1782] {strides = array<i32>} : memref<41920xf32, #tpu.memory_space<vmem>>, vector<16xf32>,
        %bitcast3A_1784 = vector.bitcast %get3A_1783 : vector<16xf32> to vector<32xbf16>
        %add3A_1785 = arith.addf %add3A_1773, %bitcast3A_1779 : vector<32xbf16>
        %add3A_1786 = arith.addf %add3A_1774, %bitcast3A_1784 : vector<32xbf16>
        %max3A_1787 = arith.constant 0.000000e+00 : bf16
        %max3A_1788 = vector.broadcast %max3A_1787 : bf16 to vector<32xbf16>
        %max3A_1789 = arith.maximumf %add3A_1785, %max3A_1788 : vector<32xbf16>
        %max3A_1790 = arith.constant 0.000000e+00 : bf16
        %max3A_1791 = vector.broadcast %max3A_1790 : bf16 to vector<32xbf16>
        %max3A_1792 = arith.maximumf %add3A_1786, %max3A_1791 : vector<32xbf16>
        %max3A_1793 = arith.maximumf %max3A_1727, %max3A_1789 : vector<32xbf16>
        %max3A_1794 = arith.maximumf %max3A_1728, %max3A_1792 : vector<32xbf16>
        %add3A_1795 = arith.constant 0 : i32
        %add3A_1796 = arith.addi %mul3A_1054, %add3A_1795 : i32
        %get3A_1797 = arith.index_cast %add3A_1796 : i32 to index
        %get3A_1798 = tpu.vector_load %arg5[%get3A_1797] {strides = array<i32>} : memref<41920xf32, #tpu.memory_space<vmem>>, vector<16xf32>,
        %bitcast3A_1799 = vector.bitcast %get3A_1798 : vector<16xf32> to vector<32xbf16>
        %add3A_1800 = arith.constant 16 : i32
        %add3A_1801 = arith.addi %add3A_1796, %add3A_1800 : i32
        %get3A_1802 = arith.index_cast %add3A_1801 : i32 to index
        %get3A_1803 = tpu.vector_load %arg5[%get3A_1802] {strides = array<i32>} : memref<41920xf32, #tpu.memory_space<vmem>>, vector<16xf32>,
        %bitcast3A_1804 = vector.bitcast %get3A_1803 : vector<16xf32> to vector<32xbf16>
        %add3A_1805 = arith.constant 8384 : i32
        %add3A_1806 = arith.addi %mul3A_1058, %add3A_1805 : i32
        %get3A_1807 = arith.index_cast %add3A_1806 : i32 to index
        %get3A_1808 = tpu.vector_load %arg5[%get3A_1807] {strides = array<i32>} : memref<41920xf32, #tpu.memory_space<vmem>>, vector<16xf32>,
        %bitcast3A_1809 = vector.bitcast %get3A_1808 : vector<16xf32> to vector<32xbf16>
        %add3A_1810 = arith.constant 16 : i32
        %add3A_1811 = arith.addi %add3A_1806, %add3A_1810 : i32
        %get3A_1812 = arith.index_cast %add3A_1811 : i32 to index
        %get3A_1813 = tpu.vector_load %arg5[%get3A_1812] {strides = array<i32>} : memref<41920xf32, #tpu.memory_space<vmem>>, vector<16xf32>,
        %bitcast3A_1814 = vector.bitcast %get3A_1813 : vector<16xf32> to vector<32xbf16>
        %add3A_1815 = arith.addf %bitcast3A_1799, %bitcast3A_1809 : vector<32xbf16>
        %add3A_1816 = arith.addf %bitcast3A_1804, %bitcast3A_1814 : vector<32xbf16>
        %add3A_1817 = arith.constant 16768 : i32
        %add3A_1818 = arith.addi %mul3A_1062, %add3A_1817 : i32
        %get3A_1819 = arith.index_cast %add3A_1818 : i32 to index
        %get3A_1820 = tpu.vector_load %arg5[%get3A_1819] {strides = array<i32>} : memref<41920xf32, #tpu.memory_space<vmem>>, vector<16xf32>,
        %bitcast3A_1821 = vector.bitcast %get3A_1820 : vector<16xf32> to vector<32xbf16>
        %add3A_1822 = arith.constant 16 : i32
        %add3A_1823 = arith.addi %add3A_1818, %add3A_1822 : i32
        %get3A_1824 = arith.index_cast %add3A_1823 : i32 to index
        %get3A_1825 = tpu.vector_load %arg5[%get3A_1824] {strides = array<i32>} : memref<41920xf32, #tpu.memory_space<vmem>>, vector<16xf32>,
        %bitcast3A_1826 = vector.bitcast %get3A_1825 : vector<16xf32> to vector<32xbf16>
        %add3A_1827 = arith.addf %add3A_1815, %bitcast3A_1821 : vector<32xbf16>
        %add3A_1828 = arith.addf %add3A_1816, %bitcast3A_1826 : vector<32xbf16>
        %add3A_1829 = arith.constant 25152 : i32
        %add3A_1830 = arith.addi %mul3A_1066, %add3A_1829 : i32
        %get3A_1831 = arith.index_cast %add3A_1830 : i32 to index
        %get3A_1832 = tpu.vector_load %arg5[%get3A_1831] {strides = array<i32>} : memref<41920xf32, #tpu.memory_space<vmem>>, vector<16xf32>,
        %bitcast3A_1833 = vector.bitcast %get3A_1832 : vector<16xf32> to vector<32xbf16>
        %add3A_1834 = arith.constant 16 : i32
        %add3A_1835 = arith.addi %add3A_1830, %add3A_1834 : i32
        %get3A_1836 = arith.index_cast %add3A_1835 : i32 to index
        %get3A_1837 = tpu.vector_load %arg5[%get3A_1836] {strides = array<i32>} : memref<41920xf32, #tpu.memory_space<vmem>>, vector<16xf32>,
        %bitcast3A_1838 = vector.bitcast %get3A_1837 : vector<16xf32> to vector<32xbf16>
        %add3A_1839 = arith.addf %add3A_1827, %bitcast3A_1833 : vector<32xbf16>
        %add3A_1840 = arith.addf %add3A_1828, %bitcast3A_1838 : vector<32xbf16>
        %add3A_1841 = arith.constant 33536 : i32
        %add3A_1842 = arith.addi %mul3A_1070, %add3A_1841 : i32
        %get3A_1843 = arith.index_cast %add3A_1842 : i32 to index
        %get3A_1844 = tpu.vector_load %arg5[%get3A_1843] {strides = array<i32>} : memref<41920xf32, #tpu.memory_space<vmem>>, vector<16xf32>,
        %bitcast3A_1845 = vector.bitcast %get3A_1844 : vector<16xf32> to vector<32xbf16>
        %add3A_1846 = arith.constant 16 : i32
        %add3A_1847 = arith.addi %add3A_1842, %add3A_1846 : i32
        %get3A_1848 = arith.index_cast %add3A_1847 : i32 to index
        %get3A_1849 = tpu.vector_load %arg5[%get3A_1848] {strides = array<i32>} : memref<41920xf32, #tpu.memory_space<vmem>>, vector<16xf32>,
        %bitcast3A_1850 = vector.bitcast %get3A_1849 : vector<16xf32> to vector<32xbf16>
        %add3A_1851 = arith.addf %add3A_1839, %bitcast3A_1845 : vector<32xbf16>
        %add3A_1852 = arith.addf %add3A_1840, %bitcast3A_1850 : vector<32xbf16>
        %max3A_1853 = arith.constant 0.000000e+00 : bf16
        %max3A_1854 = vector.broadcast %max3A_1853 : bf16 to vector<32xbf16>
        %max3A_1855 = arith.maximumf %add3A_1851, %max3A_1854 : vector<32xbf16>
        %max3A_1856 = arith.constant 0.000000e+00 : bf16
        %max3A_1857 = vector.broadcast %max3A_1856 : bf16 to vector<32xbf16>
        %max3A_1858 = arith.maximumf %add3A_1852, %max3A_1857 : vector<32xbf16>
        %max3A_1859 = arith.maximumf %max3A_1793, %max3A_1855 : vector<32xbf16>
        %max3A_1860 = arith.maximumf %max3A_1794, %max3A_1858 : vector<32xbf16>
        %unpack3A_1861 = tpu.unpack_subelements %max3A_1859, 0 {pack_format = #tpu.pack_format<interleaved>} : vector<32xbf16> -> vector<16xf32>
        %unpack3A_1862 = tpu.unpack_subelements %max3A_1859, 1 {pack_format = #tpu.pack_format<interleaved>} : vector<32xbf16> -> vector<16xf32>
        %unpack3A_1863 = tpu.unpack_subelements %max3A_1860, 0 {pack_format = #tpu.pack_format<interleaved>} : vector<32xbf16> -> vector<16xf32>
        %unpack3A_1864 = tpu.unpack_subelements %max3A_1860, 1 {pack_format = #tpu.pack_format<interleaved>} : vector<32xbf16> -> vector<16xf32>
        %swap3A_1865 = arith.index_cast %select_n3A_83 : i32 to index
        %swap3A_1866 = arith.index_cast %scan3A_999 : i32 to index
        %swap3A_1867 = arith.constant 0 : index
        %swap3A_1868 = tpu.vector_load %arg7[%swap3A_1865, %swap3A_1866, %swap3A_1867] {strides = array<i32>} : memref<2x128x64xf32, #tpu.memory_space<vmem>>, vector<16xf32>,
        tpu.vector_store %arg7[%swap3A_1865, %swap3A_1866, %swap3A_1867], %unpack3A_1861 {strides = array<i32>} : memref<2x128x64xf32, #tpu.memory_space<vmem>>, vector<16xf32>,
        %swap3A_1869 = arith.index_cast %select_n3A_83 : i32 to index
        %swap3A_1870 = arith.index_cast %scan3A_999 : i32 to index
        %swap3A_1871 = arith.constant 16 : index
        %swap3A_1872 = tpu.vector_load %arg7[%swap3A_1869, %swap3A_1870, %swap3A_1871] {strides = array<i32>} : memref<2x128x64xf32, #tpu.memory_space<vmem>>, vector<16xf32>,
        tpu.vector_store %arg7[%swap3A_1869, %swap3A_1870, %swap3A_1871], %unpack3A_1863 {strides = array<i32>} : memref<2x128x64xf32, #tpu.memory_space<vmem>>, vector<16xf32>,
        %swap3A_1873 = arith.index_cast %select_n3A_83 : i32 to index
        %swap3A_1874 = arith.index_cast %scan3A_999 : i32 to index
        %swap3A_1875 = arith.constant 32 : index
        %swap3A_1876 = tpu.vector_load %arg7[%swap3A_1873, %swap3A_1874, %swap3A_1875] {strides = array<i32>} : memref<2x128x64xf32, #tpu.memory_space<vmem>>, vector<16xf32>,
        tpu.vector_store %arg7[%swap3A_1873, %swap3A_1874, %swap3A_1875], %unpack3A_1862 {strides = array<i32>} : memref<2x128x64xf32, #tpu.memory_space<vmem>>, vector<16xf32>,
        %swap3A_1877 = arith.index_cast %select_n3A_83 : i32 to index
        %swap3A_1878 = arith.index_cast %scan3A_999 : i32 to index
        %swap3A_1879 = arith.constant 48 : index
        %swap3A_1880 = tpu.vector_load %arg7[%swap3A_1877, %swap3A_1878, %swap3A_1879] {strides = array<i32>} : memref<2x128x64xf32, #tpu.memory_space<vmem>>, vector<16xf32>,
        tpu.vector_store %arg7[%swap3A_1877, %swap3A_1878, %swap3A_1879], %unpack3A_1864 {strides = array<i32>} : memref<2x128x64xf32, #tpu.memory_space<vmem>>, vector<16xf32>,
      }
      %scan3A_91 = arith.constant 128 : i32
      %mul3A_92 = arith.constant 6400 : i32
      %mul3A_93 = arith.muli %add3A, %mul3A_92 : i32
      %mul3A_94 = arith.constant 128 : i32
      %mul3A_95 = arith.muli %scan3A_74, %mul3A_94 : i32
      %add3A_96 = arith.addi %mul3A_93, %mul3A_95 : i32
      %dma_start3A_97 = arith.constant 0 : i32
      %dma_start3A_98 = arith.constant 0 : i32
      %dma_start3A_99 = tpu.memref_slice %arg7[%select_n3A_83, %dma_start3A_97, %dma_start3A_98] : memref<2x128x64xf32, #tpu.memory_space<vmem>> -> memref<1x128x64xf32, #tpu.memory_space<vmem>>
      %dma_start3A_100 = tpu.memref_squeeze %dma_start3A_99 : memref<1x128x64xf32, #tpu.memory_space<vmem>> -> memref<128x64xf32, #tpu.memory_space<vmem>>
      %dma_start3A_101 = arith.constant 0 : i32
      %dma_start3A_102 = tpu.memref_slice %arg4[%add3A_96, %dma_start3A_101] : memref<204800x64xf32, #tpu.memory_space<hbm>> -> memref<128x64xf32, #tpu.memory_space<hbm>>
      %dma_start3A_103 = arith.constant 0 : i32
      %dma_start3A_104 = tpu.memref_slice %arg4[%add3A_96, %dma_start3A_103] : memref<204800x64xf32, #tpu.memory_space<hbm>> -> memref<128x64xf32, #tpu.memory_space<hbm>>
      %dma_start3A_105 = arith.constant 0 : i32
      %dma_start3A_106 = arith.constant 0 : i32
      %dma_start3A_107 = tpu.memref_slice %arg7[%select_n3A_83, %dma_start3A_105, %dma_start3A_106] : memref<2x128x64xf32, #tpu.memory_space<vmem>> -> memref<1x128x64xf32, #tpu.memory_space<vmem>>
      %dma_start3A_108 = tpu.memref_squeeze %dma_start3A_107 : memref<1x128x64xf32, #tpu.memory_space<vmem>> -> memref<128x64xf32, #tpu.memory_space<vmem>>
      tpu.enqueue_dma source(%dma_start3A_108 : memref<128x64xf32, #tpu.memory_space<vmem>>) target(%dma_start3A_104 : memref<128x64xf32, #tpu.memory_space<hbm>>) target_semaphore(%arg9 : memref<!tpu.dma_semaphore, #tpu.memory_space<semaphore_mem>>)
      %add3A_109 = arith.constant 1 : i32
      %add3A_110 = arith.addi %scan3A_74, %add3A_109 : i32
      %lt3A_111 = arith.constant 50 : i32
      %lt3A_112 = arith.cmpi slt, %add3A_110, %lt3A_111 : i32
      %convert_element_type3A_113 = arith.extui %lt3A_112 : i1 to i32
      %cond3A_114 = arith.constant 0 : i32
      %cond3A_115 = arith.cmpi ne, %convert_element_type3A_113, %cond3A_114 : i32
      scf.if %cond3A_115 {
        %add3A_123 = arith.constant 1 : i32
        %add3A_124 = arith.addi %scan3A_74, %add3A_123 : i32
        %sub3A = arith.constant 1 : i32
        %sub3A_125 = arith.subi %sub3A, %select_n3A_83 : i32
        %mul3A_126 = arith.constant 6400 : i32
        %mul3A_127 = arith.muli %add3A, %mul3A_126 : i32
        %mul3A_128 = arith.constant 128 : i32
        %mul3A_129 = arith.muli %add3A_124, %mul3A_128 : i32
        %add3A_130 = arith.addi %mul3A_127, %mul3A_129 : i32
        %mul3A_131 = arith.constant 16 : i32
        %mul3A_132 = arith.muli %add3A_130, %mul3A_131 : i32
        %mul3A_133 = arith.constant 128 : i32
        %mul3A_134 = arith.muli %sub3A_125, %mul3A_133 : i32
        %mul3A_135 = arith.constant 16 : i32
        %mul3A_136 = arith.muli %mul3A_134, %mul3A_135 : i32
        %dma_wait3A_137 = tpu.memref_slice %arg6[%mul3A_136] : memref<4096xi32, #tpu.memory_space<vmem>> -> memref<2048xi32, #tpu.memory_space<vmem>>
        %dma_wait3A_138 = tpu.memref_slice %arg2[%mul3A_132] : memref<3276800xi32, #tpu.memory_space<hbm>> -> memref<2048xi32, #tpu.memory_space<hbm>>
        %dma_wait3A_139 = tpu.memref_slice %arg6[%mul3A_136] : memref<4096xi32, #tpu.memory_space<vmem>> -> memref<2048xi32, #tpu.memory_space<vmem>>
        %dma_wait3A_140 = tpu.memref_slice %arg2[%mul3A_132] : memref<3276800xi32, #tpu.memory_space<hbm>> -> memref<2048xi32, #tpu.memory_space<hbm>>
        tpu.wait_dma2 semaphore(%arg8 : memref<!tpu.dma_semaphore, #tpu.memory_space<semaphore_mem>>) src(%dma_wait3A_140 : memref<2048xi32, #tpu.memory_space<hbm>>) dst(%dma_wait3A_139 : memref<2048xi32, #tpu.memory_space<vmem>>)
      } else {
      }
      %add3A_116 = arith.constant 2 : i32
      %add3A_117 = arith.addi %scan3A_74, %add3A_116 : i32
      %lt3A_118 = arith.constant 50 : i32
      %lt3A_119 = arith.cmpi slt, %add3A_117, %lt3A_118 : i32
      %convert_element_type3A_120 = arith.extui %lt3A_119 : i1 to i32
      %cond3A_121 = arith.constant 0 : i32
      %cond3A_122 = arith.cmpi ne, %convert_element_type3A_120, %cond3A_121 : i32
      scf.if %cond3A_122 {
        %add3A_123 = arith.constant 2 : i32
        %add3A_124 = arith.addi %scan3A_74, %add3A_123 : i32
        %mul3A_125 = arith.constant 6400 : i32
        %mul3A_126 = arith.muli %add3A, %mul3A_125 : i32
        %mul3A_127 = arith.constant 128 : i32
        %mul3A_128 = arith.muli %add3A_124, %mul3A_127 : i32
        %add3A_129 = arith.addi %mul3A_126, %mul3A_128 : i32
        %mul3A_130 = arith.constant 16 : i32
        %mul3A_131 = arith.muli %add3A_129, %mul3A_130 : i32
        %mul3A_132 = arith.constant 128 : i32
        %mul3A_133 = arith.muli %select_n3A_83, %mul3A_132 : i32
        %mul3A_134 = arith.constant 16 : i32
        %mul3A_135 = arith.muli %mul3A_133, %mul3A_134 : i32
        %dma_start3A_136 = tpu.memref_slice %arg6[%mul3A_135] : memref<4096xi32, #tpu.memory_space<vmem>> -> memref<2048xi32, #tpu.memory_space<vmem>>
        %dma_start3A_137 = tpu.memref_slice %arg2[%mul3A_131] : memref<3276800xi32, #tpu.memory_space<hbm>> -> memref<2048xi32, #tpu.memory_space<hbm>>
        %dma_start3A_138 = tpu.memref_slice %arg6[%mul3A_135] : memref<4096xi32, #tpu.memory_space<vmem>> -> memref<2048xi32, #tpu.memory_space<vmem>>
        %dma_start3A_139 = tpu.memref_slice %arg2[%mul3A_131] : memref<3276800xi32, #tpu.memory_space<hbm>> -> memref<2048xi32, #tpu.memory_space<hbm>>
        tpu.enqueue_dma source(%dma_start3A_139 : memref<2048xi32, #tpu.memory_space<hbm>>) target(%dma_start3A_138 : memref<2048xi32, #tpu.memory_space<vmem>>) target_semaphore(%arg8 : memref<!tpu.dma_semaphore, #tpu.memory_space<semaphore_mem>>)
      } else {
      }
    }
    %scan3A_39 = arith.constant 50 : i32
    %mul3A_40 = arith.constant 6400 : i32
    %mul3A_41 = arith.muli %add3A, %mul3A_40 : i32
    %add3A_42 = arith.constant 6144 : i32
    %add3A_43 = arith.addi %mul3A_41, %add3A_42 : i32
    %dma_wait3A_44 = arith.constant 0 : i32
    %dma_wait3A_45 = arith.constant 0 : i32
    %dma_wait3A_46 = arith.constant 0 : i32
    %dma_wait3A_47 = tpu.memref_slice %arg7[%dma_wait3A_44, %dma_wait3A_45, %dma_wait3A_46] : memref<2x128x64xf32, #tpu.memory_space<vmem>> -> memref<1x128x64xf32, #tpu.memory_space<vmem>>
    %dma_wait3A_48 = tpu.memref_squeeze %dma_wait3A_47 : memref<1x128x64xf32, #tpu.memory_space<vmem>> -> memref<128x64xf32, #tpu.memory_space<vmem>>
    %dma_wait3A_49 = arith.constant 0 : i32
    %dma_wait3A_50 = tpu.memref_slice %arg4[%add3A_43, %dma_wait3A_49] : memref<204800x64xf32, #tpu.memory_space<hbm>> -> memref<128x64xf32, #tpu.memory_space<hbm>>
    %dma_wait3A_51 = arith.constant 0 : i32
    %dma_wait3A_52 = tpu.memref_slice %arg4[%add3A_43, %dma_wait3A_51] : memref<204800x64xf32, #tpu.memory_space<hbm>> -> memref<128x64xf32, #tpu.memory_space<hbm>>
    %dma_wait3A_53 = arith.constant 0 : i32
    %dma_wait3A_54 = arith.constant 0 : i32
    %dma_wait3A_55 = tpu.memref_slice %arg7[%dma_wait3A_44, %dma_wait3A_53, %dma_wait3A_54] : memref<2x128x64xf32, #tpu.memory_space<vmem>> -> memref<1x128x64xf32, #tpu.memory_space<vmem>>
    %dma_wait3A_56 = tpu.memref_squeeze %dma_wait3A_55 : memref<1x128x64xf32, #tpu.memory_space<vmem>> -> memref<128x64xf32, #tpu.memory_space<vmem>>
    tpu.wait_dma2 semaphore(%arg9 : memref<!tpu.dma_semaphore, #tpu.memory_space<semaphore_mem>>) src(%dma_wait3A_56 : memref<128x64xf32, #tpu.memory_space<vmem>>) dst(%dma_wait3A_52 : memref<128x64xf32, #tpu.memory_space<hbm>>)
    %mul3A_57 = arith.constant 6400 : i32
    %mul3A_58 = arith.muli %add3A, %mul3A_57 : i32
    %add3A_59 = arith.constant 6272 : i32
    %add3A_60 = arith.addi %mul3A_58, %add3A_59 : i32
    %dma_wait3A_61 = arith.constant 1 : i32
    %dma_wait3A_62 = arith.constant 0 : i32
    %dma_wait3A_63 = arith.constant 0 : i32
    %dma_wait3A_64 = tpu.memref_slice %arg7[%dma_wait3A_61, %dma_wait3A_62, %dma_wait3A_63] : memref<2x128x64xf32, #tpu.memory_space<vmem>> -> memref<1x128x64xf32, #tpu.memory_space<vmem>>
    %dma_wait3A_65 = tpu.memref_squeeze %dma_wait3A_64 : memref<1x128x64xf32, #tpu.memory_space<vmem>> -> memref<128x64xf32, #tpu.memory_space<vmem>>
    %dma_wait3A_66 = arith.constant 0 : i32
    %dma_wait3A_67 = tpu.memref_slice %arg4[%add3A_60, %dma_wait3A_66] : memref<204800x64xf32, #tpu.memory_space<hbm>> -> memref<128x64xf32, #tpu.memory_space<hbm>>
    %dma_wait3A_68 = arith.constant 0 : i32
    %dma_wait3A_69 = tpu.memref_slice %arg4[%add3A_60, %dma_wait3A_68] : memref<204800x64xf32, #tpu.memory_space<hbm>> -> memref<128x64xf32, #tpu.memory_space<hbm>>
    %dma_wait3A_70 = arith.constant 0 : i32
    %dma_wait3A_71 = arith.constant 0 : i32
    %dma_wait3A_72 = tpu.memref_slice %arg7[%dma_wait3A_61, %dma_wait3A_70, %dma_wait3A_71] : memref<2x128x64xf32, #tpu.memory_space<vmem>> -> memref<1x128x64xf32, #tpu.memory_space<vmem>>
    %dma_wait3A_73 = tpu.memref_squeeze %dma_wait3A_72 : memref<1x128x64xf32, #tpu.memory_space<vmem>> -> memref<128x64xf32, #tpu.memory_space<vmem>>
    tpu.wait_dma2 semaphore(%arg9 : memref<!tpu.dma_semaphore, #tpu.memory_space<semaphore_mem>>) src(%dma_wait3A_73 : memref<128x64xf32, #tpu.memory_space<vmem>>) dst(%dma_wait3A_69 : memref<128x64xf32, #tpu.memory_space<hbm>>)
    return
  }
}

#map = affine_map<(d0, d1) -> (0)>
#map1 = affine_map<(d0, d1) -> (0, 0)>
module attributes {stable_mosaic.version = 14 : i64} {
  func.func @_sc_word_body(%arg0: i32, %arg1: i32, %arg2: memref<204800xi32, #tpu.memory_space<hbm>>, %arg3: memref<100000x64xf32, #tpu.memory_space<hbm>>, %arg4: memref<204800x64xf32, #tpu.memory_space<hbm>>, %arg5: memref<204800x128xf32, #tpu.memory_space<hbm>>, %arg6: memref<256xi32, #tpu.memory_space<vmem>>, %arg7: memref<2x128x64xf32, #tpu.memory_space<vmem>>, %arg8: memref<4x128x64xf32, #tpu.memory_space<vmem>>, %arg9: memref<!tpu.dma_semaphore, #tpu.memory_space<semaphore_mem>>, %arg10: memref<!tpu.dma_semaphore, #tpu.memory_space<semaphore_mem>>, %arg11: memref<!tpu.dma_semaphore, #tpu.memory_space<semaphore_mem>>) attributes {dimension_semantics = [#tpu.dimension_semantics<core_parallel>, #tpu.dimension_semantics<subcore_parallel>], iteration_bounds = array<i64: 2, 16>, scalar_prefetch = 0 : i64, scratch_operands = 6 : i64, tpu.core_type = #tpu.core_type<sc_vector_subcore>, window_params = [{transform_indices = #map}, {transform_indices = #map1}, {transform_indices = #map1}, {transform_indices = #map1}]} {
    %mul3A = arith.constant 2 : i32
    %mul3A_0 = arith.muli %arg1, %mul3A : i32
    %add3A = arith.addi %mul3A_0, %arg0 : i32
    %mul3A_1 = arith.constant 6400 : i32
    %mul3A_2 = arith.muli %add3A, %mul3A_1 : i32
    %add3A_3 = arith.constant 0 : i32
    %add3A_4 = arith.addi %mul3A_2, %add3A_3 : i32
    %dma_start3A = arith.constant 0 : i32
    %dma_start3A_5 = tpu.memref_slice %arg6[%dma_start3A] : memref<256xi32, #tpu.memory_space<vmem>> -> memref<128xi32, #tpu.memory_space<vmem>>
    %dma_start3A_6 = tpu.memref_slice %arg2[%add3A_4] : memref<204800xi32, #tpu.memory_space<hbm>> -> memref<128xi32, #tpu.memory_space<hbm>>
    %dma_start3A_7 = arith.constant 0 : i32
    %dma_start3A_8 = tpu.memref_slice %arg6[%dma_start3A_7] : memref<256xi32, #tpu.memory_space<vmem>> -> memref<128xi32, #tpu.memory_space<vmem>>
    %dma_start3A_9 = tpu.memref_slice %arg2[%add3A_4] : memref<204800xi32, #tpu.memory_space<hbm>> -> memref<128xi32, #tpu.memory_space<hbm>>
    tpu.enqueue_dma source(%dma_start3A_9 : memref<128xi32, #tpu.memory_space<hbm>>) target(%dma_start3A_8 : memref<128xi32, #tpu.memory_space<vmem>>) target_semaphore(%arg9 : memref<!tpu.dma_semaphore, #tpu.memory_space<semaphore_mem>>)
    %dma_start3A_10 = arith.constant 0 : i32
    %dma_start3A_11 = arith.constant 0 : i32
    %dma_start3A_12 = arith.constant 0 : i32
    %dma_start3A_13 = tpu.memref_slice %arg8[%dma_start3A_10, %dma_start3A_11, %dma_start3A_12] : memref<4x128x64xf32, #tpu.memory_space<vmem>> -> memref<1x128x64xf32, #tpu.memory_space<vmem>>
    %dma_start3A_14 = tpu.memref_squeeze %dma_start3A_13 : memref<1x128x64xf32, #tpu.memory_space<vmem>> -> memref<128x64xf32, #tpu.memory_space<vmem>>
    %dma_start3A_15 = arith.constant 0 : i32
    %dma_start3A_16 = tpu.memref_slice %arg4[%add3A_4, %dma_start3A_15] : memref<204800x64xf32, #tpu.memory_space<hbm>> -> memref<128x64xf32, #tpu.memory_space<hbm>>
    %dma_start3A_17 = arith.constant 0 : i32
    %dma_start3A_18 = arith.constant 0 : i32
    %dma_start3A_19 = tpu.memref_slice %arg8[%dma_start3A_10, %dma_start3A_17, %dma_start3A_18] : memref<4x128x64xf32, #tpu.memory_space<vmem>> -> memref<1x128x64xf32, #tpu.memory_space<vmem>>
    %dma_start3A_20 = tpu.memref_squeeze %dma_start3A_19 : memref<1x128x64xf32, #tpu.memory_space<vmem>> -> memref<128x64xf32, #tpu.memory_space<vmem>>
    %dma_start3A_21 = arith.constant 0 : i32
    %dma_start3A_22 = tpu.memref_slice %arg4[%add3A_4, %dma_start3A_21] : memref<204800x64xf32, #tpu.memory_space<hbm>> -> memref<128x64xf32, #tpu.memory_space<hbm>>
    tpu.enqueue_dma source(%dma_start3A_22 : memref<128x64xf32, #tpu.memory_space<hbm>>) target(%dma_start3A_20 : memref<128x64xf32, #tpu.memory_space<vmem>>) target_semaphore(%arg9 : memref<!tpu.dma_semaphore, #tpu.memory_space<semaphore_mem>>)
    %mul3A_23 = arith.constant 6400 : i32
    %mul3A_24 = arith.muli %add3A, %mul3A_23 : i32
    %add3A_25 = arith.constant 0 : i32
    %add3A_26 = arith.addi %mul3A_24, %add3A_25 : i32
    %dma_wait3A = arith.constant 0 : i32
    %dma_wait3A_27 = tpu.memref_slice %arg6[%dma_wait3A] : memref<256xi32, #tpu.memory_space<vmem>> -> memref<128xi32, #tpu.memory_space<vmem>>
    %dma_wait3A_28 = tpu.memref_slice %arg2[%add3A_26] : memref<204800xi32, #tpu.memory_space<hbm>> -> memref<128xi32, #tpu.memory_space<hbm>>
    %dma_wait3A_29 = arith.constant 0 : i32
    %dma_wait3A_30 = tpu.memref_slice %arg6[%dma_wait3A_29] : memref<256xi32, #tpu.memory_space<vmem>> -> memref<128xi32, #tpu.memory_space<vmem>>
    %dma_wait3A_31 = tpu.memref_slice %arg2[%add3A_26] : memref<204800xi32, #tpu.memory_space<hbm>> -> memref<128xi32, #tpu.memory_space<hbm>>
    tpu.wait_dma2 semaphore(%arg9 : memref<!tpu.dma_semaphore, #tpu.memory_space<semaphore_mem>>) src(%dma_wait3A_31 : memref<128xi32, #tpu.memory_space<hbm>>) dst(%dma_wait3A_30 : memref<128xi32, #tpu.memory_space<vmem>>)
    %dma_wait3A_32 = arith.constant 0 : i32
    %dma_wait3A_33 = arith.constant 0 : i32
    %dma_wait3A_34 = arith.constant 0 : i32
    %dma_wait3A_35 = tpu.memref_slice %arg8[%dma_wait3A_32, %dma_wait3A_33, %dma_wait3A_34] : memref<4x128x64xf32, #tpu.memory_space<vmem>> -> memref<1x128x64xf32, #tpu.memory_space<vmem>>
    %dma_wait3A_36 = tpu.memref_squeeze %dma_wait3A_35 : memref<1x128x64xf32, #tpu.memory_space<vmem>> -> memref<128x64xf32, #tpu.memory_space<vmem>>
    %dma_wait3A_37 = arith.constant 0 : i32
    %dma_wait3A_38 = tpu.memref_slice %arg4[%add3A_26, %dma_wait3A_37] : memref<204800x64xf32, #tpu.memory_space<hbm>> -> memref<128x64xf32, #tpu.memory_space<hbm>>
    %dma_wait3A_39 = arith.constant 0 : i32
    %dma_wait3A_40 = arith.constant 0 : i32
    %dma_wait3A_41 = tpu.memref_slice %arg8[%dma_wait3A_32, %dma_wait3A_39, %dma_wait3A_40] : memref<4x128x64xf32, #tpu.memory_space<vmem>> -> memref<1x128x64xf32, #tpu.memory_space<vmem>>
    %dma_wait3A_42 = tpu.memref_squeeze %dma_wait3A_41 : memref<1x128x64xf32, #tpu.memory_space<vmem>> -> memref<128x64xf32, #tpu.memory_space<vmem>>
    %dma_wait3A_43 = arith.constant 0 : i32
    %dma_wait3A_44 = tpu.memref_slice %arg4[%add3A_26, %dma_wait3A_43] : memref<204800x64xf32, #tpu.memory_space<hbm>> -> memref<128x64xf32, #tpu.memory_space<hbm>>
    tpu.wait_dma2 semaphore(%arg9 : memref<!tpu.dma_semaphore, #tpu.memory_space<semaphore_mem>>) src(%dma_wait3A_44 : memref<128x64xf32, #tpu.memory_space<hbm>>) dst(%dma_wait3A_42 : memref<128x64xf32, #tpu.memory_space<vmem>>)
    %dma_start3A_45 = arith.constant 0 : i32
    %dma_start3A_46 = arith.constant 0 : i32
    %dma_start3A_47 = arith.constant 0 : i32
    %dma_start3A_48 = tpu.memref_slice %arg7[%dma_start3A_45, %dma_start3A_46, %dma_start3A_47] : memref<2x128x64xf32, #tpu.memory_space<vmem>> -> memref<1x128x64xf32, #tpu.memory_space<vmem>>
    %dma_start3A_49 = tpu.memref_squeeze %dma_start3A_48 : memref<1x128x64xf32, #tpu.memory_space<vmem>> -> memref<128x64xf32, #tpu.memory_space<vmem>>
    %dma_start3A_50 = arith.constant 0 : i32
    %dma_start3A_51 = tpu.memref_slice %arg6[%dma_start3A_50] : memref<256xi32, #tpu.memory_space<vmem>> -> memref<128xi32, #tpu.memory_space<vmem>>
    %dma_start3A_52 = arith.constant 0 : i32
    %dma_start3A_53 = arith.constant 0 : i32
    %dma_start3A_54 = tpu.memref_slice %arg3[%dma_start3A_52, %dma_start3A_53] : memref<100000x64xf32, #tpu.memory_space<hbm>> -> memref<100000x64xf32, #tpu.memory_space<hbm>>
    tpu.enqueue_indirect_dma source(%dma_start3A_54 : memref<100000x64xf32, #tpu.memory_space<hbm>>) target(%dma_start3A_49 : memref<128x64xf32, #tpu.memory_space<vmem>>) offsets(%dma_start3A_51 : memref<128xi32, #tpu.memory_space<vmem>>) semaphore(%arg10 : memref<!tpu.dma_semaphore, #tpu.memory_space<semaphore_mem>>)
    %mul3A_55 = arith.constant 6400 : i32
    %mul3A_56 = arith.muli %add3A, %mul3A_55 : i32
    %add3A_57 = arith.constant 128 : i32
    %add3A_58 = arith.addi %mul3A_56, %add3A_57 : i32
    %dma_start3A_59 = arith.constant 128 : i32
    %dma_start3A_60 = tpu.memref_slice %arg6[%dma_start3A_59] : memref<256xi32, #tpu.memory_space<vmem>> -> memref<128xi32, #tpu.memory_space<vmem>>
    %dma_start3A_61 = tpu.memref_slice %arg2[%add3A_58] : memref<204800xi32, #tpu.memory_space<hbm>> -> memref<128xi32, #tpu.memory_space<hbm>>
    %dma_start3A_62 = arith.constant 128 : i32
    %dma_start3A_63 = tpu.memref_slice %arg6[%dma_start3A_62] : memref<256xi32, #tpu.memory_space<vmem>> -> memref<128xi32, #tpu.memory_space<vmem>>
    %dma_start3A_64 = tpu.memref_slice %arg2[%add3A_58] : memref<204800xi32, #tpu.memory_space<hbm>> -> memref<128xi32, #tpu.memory_space<hbm>>
    tpu.enqueue_dma source(%dma_start3A_64 : memref<128xi32, #tpu.memory_space<hbm>>) target(%dma_start3A_63 : memref<128xi32, #tpu.memory_space<vmem>>) target_semaphore(%arg9 : memref<!tpu.dma_semaphore, #tpu.memory_space<semaphore_mem>>)
    %dma_start3A_65 = arith.constant 1 : i32
    %dma_start3A_66 = arith.constant 0 : i32
    %dma_start3A_67 = arith.constant 0 : i32
    %dma_start3A_68 = tpu.memref_slice %arg8[%dma_start3A_65, %dma_start3A_66, %dma_start3A_67] : memref<4x128x64xf32, #tpu.memory_space<vmem>> -> memref<1x128x64xf32, #tpu.memory_space<vmem>>
    %dma_start3A_69 = tpu.memref_squeeze %dma_start3A_68 : memref<1x128x64xf32, #tpu.memory_space<vmem>> -> memref<128x64xf32, #tpu.memory_space<vmem>>
    %dma_start3A_70 = arith.constant 0 : i32
    %dma_start3A_71 = tpu.memref_slice %arg4[%add3A_58, %dma_start3A_70] : memref<204800x64xf32, #tpu.memory_space<hbm>> -> memref<128x64xf32, #tpu.memory_space<hbm>>
    %dma_start3A_72 = arith.constant 0 : i32
    %dma_start3A_73 = arith.constant 0 : i32
    %dma_start3A_74 = tpu.memref_slice %arg8[%dma_start3A_65, %dma_start3A_72, %dma_start3A_73] : memref<4x128x64xf32, #tpu.memory_space<vmem>> -> memref<1x128x64xf32, #tpu.memory_space<vmem>>
    %dma_start3A_75 = tpu.memref_squeeze %dma_start3A_74 : memref<1x128x64xf32, #tpu.memory_space<vmem>> -> memref<128x64xf32, #tpu.memory_space<vmem>>
    %dma_start3A_76 = arith.constant 0 : i32
    %dma_start3A_77 = tpu.memref_slice %arg4[%add3A_58, %dma_start3A_76] : memref<204800x64xf32, #tpu.memory_space<hbm>> -> memref<128x64xf32, #tpu.memory_space<hbm>>
    tpu.enqueue_dma source(%dma_start3A_77 : memref<128x64xf32, #tpu.memory_space<hbm>>) target(%dma_start3A_75 : memref<128x64xf32, #tpu.memory_space<vmem>>) target_semaphore(%arg9 : memref<!tpu.dma_semaphore, #tpu.memory_space<semaphore_mem>>)
    %scan3A = arith.constant 0 : i32
    %scan3A_78 = arith.constant 0 : i32
    %scan3A_79 = arith.constant 50 : i32
    %scan3A_80 = arith.addi %scan3A_78, %scan3A_79 : i32
    %scan3A_81 = arith.constant 1 : i32
    scf.for %scan3A_143 = %scan3A_78 to %scan3A_80 step %scan3A_81  : i32 {
      %jit3A = arith.constant 2 : i32
      %eq3A = arith.constant 0 : i32
      %eq3A_144 = arith.cmpi eq, %jit3A, %eq3A : i32
      %jit3A_145 = arith.constant 1 : i32
      %select_n3A = arith.select %eq3A_144, %jit3A_145, %jit3A : i32
      %rem3A = arith.remsi %scan3A_143, %select_n3A : i32
      %ne3A = arith.constant 0 : i32
      %ne3A_146 = arith.cmpi ne, %rem3A, %ne3A : i32
      %lt3A = arith.constant 0 : i32
      %lt3A_147 = arith.cmpi slt, %rem3A, %lt3A : i32
      %lt3A_148 = arith.constant 0 : i32
      %lt3A_149 = arith.cmpi slt, %select_n3A, %lt3A_148 : i32
      %ne3A_150 = arith.xori %lt3A_147, %lt3A_149 : i1
      %and3A = arith.andi %ne3A_150, %ne3A_146 : i1
      %add3A_151 = arith.addi %rem3A, %select_n3A : i32
      %select_n3A_152 = arith.select %and3A, %add3A_151, %rem3A : i32
      %jit3A_153 = arith.constant 4 : i32
      %eq3A_154 = arith.constant 0 : i32
      %eq3A_155 = arith.cmpi eq, %jit3A_153, %eq3A_154 : i32
      %jit3A_156 = arith.constant 1 : i32
      %select_n3A_157 = arith.select %eq3A_155, %jit3A_156, %jit3A_153 : i32
      %rem3A_158 = arith.remsi %scan3A_143, %select_n3A_157 : i32
      %ne3A_159 = arith.constant 0 : i32
      %ne3A_160 = arith.cmpi ne, %rem3A_158, %ne3A_159 : i32
      %lt3A_161 = arith.constant 0 : i32
      %lt3A_162 = arith.cmpi slt, %rem3A_158, %lt3A_161 : i32
      %lt3A_163 = arith.constant 0 : i32
      %lt3A_164 = arith.cmpi slt, %select_n3A_157, %lt3A_163 : i32
      %ne3A_165 = arith.xori %lt3A_162, %lt3A_164 : i1
      %and3A_166 = arith.andi %ne3A_165, %ne3A_160 : i1
      %add3A_167 = arith.addi %rem3A_158, %select_n3A_157 : i32
      %select_n3A_168 = arith.select %and3A_166, %add3A_167, %rem3A_158 : i32
      %mul3A_169 = arith.constant 128 : i32
      %mul3A_170 = arith.muli %select_n3A_152, %mul3A_169 : i32
      %dma_wait3A_171 = arith.constant 0 : i32
      %dma_wait3A_172 = arith.constant 0 : i32
      %dma_wait3A_173 = tpu.memref_slice %arg7[%select_n3A_152, %dma_wait3A_171, %dma_wait3A_172] : memref<2x128x64xf32, #tpu.memory_space<vmem>> -> memref<1x128x64xf32, #tpu.memory_space<vmem>>
      %dma_wait3A_174 = tpu.memref_squeeze %dma_wait3A_173 : memref<1x128x64xf32, #tpu.memory_space<vmem>> -> memref<128x64xf32, #tpu.memory_space<vmem>>
      %dma_wait3A_175 = tpu.memref_slice %arg6[%mul3A_170] : memref<256xi32, #tpu.memory_space<vmem>> -> memref<128xi32, #tpu.memory_space<vmem>>
      %dma_wait3A_176 = arith.constant 0 : i32
      %dma_wait3A_177 = arith.constant 0 : i32
      %dma_wait3A_178 = tpu.memref_slice %arg3[%dma_wait3A_176, %dma_wait3A_177] : memref<100000x64xf32, #tpu.memory_space<hbm>> -> memref<100000x64xf32, #tpu.memory_space<hbm>>
      tpu.wait_indirect_dma semaphore(%arg10 : memref<!tpu.dma_semaphore, #tpu.memory_space<semaphore_mem>>) src(%dma_wait3A_178 : memref<100000x64xf32, #tpu.memory_space<hbm>>) dst(%dma_wait3A_174 : memref<128x64xf32, #tpu.memory_space<vmem>>)
      %mul3A_179 = arith.constant 6400 : i32
      %mul3A_180 = arith.muli %add3A, %mul3A_179 : i32
      %mul3A_181 = arith.constant 128 : i32
      %mul3A_182 = arith.muli %scan3A_143, %mul3A_181 : i32
      %add3A_183 = arith.addi %mul3A_180, %mul3A_182 : i32
      %dma_start3A_184 = arith.constant 0 : i32
      %dma_start3A_185 = arith.constant 0 : i32
      %dma_start3A_186 = tpu.memref_slice %arg7[%select_n3A_152, %dma_start3A_184, %dma_start3A_185] : memref<2x128x64xf32, #tpu.memory_space<vmem>> -> memref<1x128x64xf32, #tpu.memory_space<vmem>>
      %dma_start3A_187 = tpu.memref_squeeze %dma_start3A_186 : memref<1x128x64xf32, #tpu.memory_space<vmem>> -> memref<128x64xf32, #tpu.memory_space<vmem>>
      %dma_start3A_188 = arith.constant 0 : i32
      %dma_start3A_189 = tpu.memref_slice %arg5[%add3A_183, %dma_start3A_188] : memref<204800x128xf32, #tpu.memory_space<hbm>> -> memref<128x64xf32, #tpu.memory_space<hbm>>
      %dma_start3A_190 = arith.constant 0 : i32
      %dma_start3A_191 = tpu.memref_slice %arg5[%add3A_183, %dma_start3A_190] : memref<204800x128xf32, #tpu.memory_space<hbm>> -> memref<128x64xf32, #tpu.memory_space<hbm>>
      %dma_start3A_192 = arith.constant 0 : i32
      %dma_start3A_193 = arith.constant 0 : i32
      %dma_start3A_194 = tpu.memref_slice %arg7[%select_n3A_152, %dma_start3A_192, %dma_start3A_193] : memref<2x128x64xf32, #tpu.memory_space<vmem>> -> memref<1x128x64xf32, #tpu.memory_space<vmem>>
      %dma_start3A_195 = tpu.memref_squeeze %dma_start3A_194 : memref<1x128x64xf32, #tpu.memory_space<vmem>> -> memref<128x64xf32, #tpu.memory_space<vmem>>
      tpu.enqueue_dma source(%dma_start3A_195 : memref<128x64xf32, #tpu.memory_space<vmem>>) target(%dma_start3A_191 : memref<128x64xf32, #tpu.memory_space<hbm>>) target_semaphore(%arg11 : memref<!tpu.dma_semaphore, #tpu.memory_space<semaphore_mem>>)
      %dma_start3A_196 = arith.constant 0 : i32
      %dma_start3A_197 = arith.constant 0 : i32
      %dma_start3A_198 = tpu.memref_slice %arg8[%select_n3A_168, %dma_start3A_196, %dma_start3A_197] : memref<4x128x64xf32, #tpu.memory_space<vmem>> -> memref<1x128x64xf32, #tpu.memory_space<vmem>>
      %dma_start3A_199 = tpu.memref_squeeze %dma_start3A_198 : memref<1x128x64xf32, #tpu.memory_space<vmem>> -> memref<128x64xf32, #tpu.memory_space<vmem>>
      %dma_start3A_200 = arith.constant 64 : i32
      %dma_start3A_201 = tpu.memref_slice %arg5[%add3A_183, %dma_start3A_200] : memref<204800x128xf32, #tpu.memory_space<hbm>> -> memref<128x64xf32, #tpu.memory_space<hbm>>
      %dma_start3A_202 = arith.constant 64 : i32
      %dma_start3A_203 = tpu.memref_slice %arg5[%add3A_183, %dma_start3A_202] : memref<204800x128xf32, #tpu.memory_space<hbm>> -> memref<128x64xf32, #tpu.memory_space<hbm>>
      %dma_start3A_204 = arith.constant 0 : i32
      %dma_start3A_205 = arith.constant 0 : i32
      %dma_start3A_206 = tpu.memref_slice %arg8[%select_n3A_168, %dma_start3A_204, %dma_start3A_205] : memref<4x128x64xf32, #tpu.memory_space<vmem>> -> memref<1x128x64xf32, #tpu.memory_space<vmem>>
      %dma_start3A_207 = tpu.memref_squeeze %dma_start3A_206 : memref<1x128x64xf32, #tpu.memory_space<vmem>> -> memref<128x64xf32, #tpu.memory_space<vmem>>
      tpu.enqueue_dma source(%dma_start3A_207 : memref<128x64xf32, #tpu.memory_space<vmem>>) target(%dma_start3A_203 : memref<128x64xf32, #tpu.memory_space<hbm>>) target_semaphore(%arg11 : memref<!tpu.dma_semaphore, #tpu.memory_space<semaphore_mem>>)
      %add3A_208 = arith.constant 1 : i32
      %add3A_209 = arith.addi %scan3A_143, %add3A_208 : i32
      %lt3A_210 = arith.constant 50 : i32
      %lt3A_211 = arith.cmpi slt, %add3A_209, %lt3A_210 : i32
      %convert_element_type3A = arith.extui %lt3A_211 : i1 to i32
      %cond3A = arith.constant 0 : i32
      %cond3A_212 = arith.cmpi ne, %convert_element_type3A, %cond3A : i32
      scf.if %cond3A_212 {
        %add3A_220 = arith.constant 1 : i32
        %add3A_221 = arith.addi %scan3A_143, %add3A_220 : i32
        %sub3A = arith.constant 1 : i32
        %sub3A_222 = arith.subi %sub3A, %select_n3A_152 : i32
        %add3A_223 = arith.constant 1 : i32
        %add3A_224 = arith.addi %scan3A_143, %add3A_223 : i32
        %jit3A_225 = arith.constant 4 : i32
        %eq3A_226 = arith.constant 0 : i32
        %eq3A_227 = arith.cmpi eq, %jit3A_225, %eq3A_226 : i32
        %jit3A_228 = arith.constant 1 : i32
        %select_n3A_229 = arith.select %eq3A_227, %jit3A_228, %jit3A_225 : i32
        %rem3A_230 = arith.remsi %add3A_224, %select_n3A_229 : i32
        %ne3A_231 = arith.constant 0 : i32
        %ne3A_232 = arith.cmpi ne, %rem3A_230, %ne3A_231 : i32
        %lt3A_233 = arith.constant 0 : i32
        %lt3A_234 = arith.cmpi slt, %rem3A_230, %lt3A_233 : i32
        %lt3A_235 = arith.constant 0 : i32
        %lt3A_236 = arith.cmpi slt, %select_n3A_229, %lt3A_235 : i32
        %ne3A_237 = arith.xori %lt3A_234, %lt3A_236 : i1
        %and3A_238 = arith.andi %ne3A_237, %ne3A_232 : i1
        %add3A_239 = arith.addi %rem3A_230, %select_n3A_229 : i32
        %select_n3A_240 = arith.select %and3A_238, %add3A_239, %rem3A_230 : i32
        %mul3A_241 = arith.constant 6400 : i32
        %mul3A_242 = arith.muli %add3A, %mul3A_241 : i32
        %mul3A_243 = arith.constant 128 : i32
        %mul3A_244 = arith.muli %add3A_221, %mul3A_243 : i32
        %add3A_245 = arith.addi %mul3A_242, %mul3A_244 : i32
        %mul3A_246 = arith.constant 128 : i32
        %mul3A_247 = arith.muli %sub3A_222, %mul3A_246 : i32
        %dma_wait3A_248 = tpu.memref_slice %arg6[%mul3A_247] : memref<256xi32, #tpu.memory_space<vmem>> -> memref<128xi32, #tpu.memory_space<vmem>>
        %dma_wait3A_249 = tpu.memref_slice %arg2[%add3A_245] : memref<204800xi32, #tpu.memory_space<hbm>> -> memref<128xi32, #tpu.memory_space<hbm>>
        %dma_wait3A_250 = tpu.memref_slice %arg6[%mul3A_247] : memref<256xi32, #tpu.memory_space<vmem>> -> memref<128xi32, #tpu.memory_space<vmem>>
        %dma_wait3A_251 = tpu.memref_slice %arg2[%add3A_245] : memref<204800xi32, #tpu.memory_space<hbm>> -> memref<128xi32, #tpu.memory_space<hbm>>
        tpu.wait_dma2 semaphore(%arg9 : memref<!tpu.dma_semaphore, #tpu.memory_space<semaphore_mem>>) src(%dma_wait3A_251 : memref<128xi32, #tpu.memory_space<hbm>>) dst(%dma_wait3A_250 : memref<128xi32, #tpu.memory_space<vmem>>)
        %dma_wait3A_252 = arith.constant 0 : i32
        %dma_wait3A_253 = arith.constant 0 : i32
        %dma_wait3A_254 = tpu.memref_slice %arg8[%select_n3A_240, %dma_wait3A_252, %dma_wait3A_253] : memref<4x128x64xf32, #tpu.memory_space<vmem>> -> memref<1x128x64xf32, #tpu.memory_space<vmem>>
        %dma_wait3A_255 = tpu.memref_squeeze %dma_wait3A_254 : memref<1x128x64xf32, #tpu.memory_space<vmem>> -> memref<128x64xf32, #tpu.memory_space<vmem>>
        %dma_wait3A_256 = arith.constant 0 : i32
        %dma_wait3A_257 = tpu.memref_slice %arg4[%add3A_245, %dma_wait3A_256] : memref<204800x64xf32, #tpu.memory_space<hbm>> -> memref<128x64xf32, #tpu.memory_space<hbm>>
        %dma_wait3A_258 = arith.constant 0 : i32
        %dma_wait3A_259 = arith.constant 0 : i32
        %dma_wait3A_260 = tpu.memref_slice %arg8[%select_n3A_240, %dma_wait3A_258, %dma_wait3A_259] : memref<4x128x64xf32, #tpu.memory_space<vmem>> -> memref<1x128x64xf32, #tpu.memory_space<vmem>>
        %dma_wait3A_261 = tpu.memref_squeeze %dma_wait3A_260 : memref<1x128x64xf32, #tpu.memory_space<vmem>> -> memref<128x64xf32, #tpu.memory_space<vmem>>
        %dma_wait3A_262 = arith.constant 0 : i32
        %dma_wait3A_263 = tpu.memref_slice %arg4[%add3A_245, %dma_wait3A_262] : memref<204800x64xf32, #tpu.memory_space<hbm>> -> memref<128x64xf32, #tpu.memory_space<hbm>>
        tpu.wait_dma2 semaphore(%arg9 : memref<!tpu.dma_semaphore, #tpu.memory_space<semaphore_mem>>) src(%dma_wait3A_263 : memref<128x64xf32, #tpu.memory_space<hbm>>) dst(%dma_wait3A_261 : memref<128x64xf32, #tpu.memory_space<vmem>>)
        %ge3A = arith.constant 1 : i32
        %ge3A_264 = arith.cmpi sge, %scan3A_143, %ge3A : i32
        %convert_element_type3A_265 = arith.extui %ge3A_264 : i1 to i32
        %cond3A_266 = arith.constant 0 : i32
        %cond3A_267 = arith.cmpi ne, %convert_element_type3A_265, %cond3A_266 : i32
        scf.if %cond3A_267 {
          %sub3A_280 = arith.constant 1 : i32
          %sub3A_281 = arith.subi %scan3A_143, %sub3A_280 : i32
          %sub3A_282 = arith.constant 1 : i32
          %sub3A_283 = arith.subi %sub3A_282, %select_n3A_152 : i32
          %sub3A_284 = arith.constant 1 : i32
          %sub3A_285 = arith.subi %scan3A_143, %sub3A_284 : i32
          %jit3A_286 = arith.constant 4 : i32
          %eq3A_287 = arith.constant 0 : i32
          %eq3A_288 = arith.cmpi eq, %jit3A_286, %eq3A_287 : i32
          %jit3A_289 = arith.constant 1 : i32
          %select_n3A_290 = arith.select %eq3A_288, %jit3A_289, %jit3A_286 : i32
          %rem3A_291 = arith.remsi %sub3A_285, %select_n3A_290 : i32
          %ne3A_292 = arith.constant 0 : i32
          %ne3A_293 = arith.cmpi ne, %rem3A_291, %ne3A_292 : i32
          %lt3A_294 = arith.constant 0 : i32
          %lt3A_295 = arith.cmpi slt, %rem3A_291, %lt3A_294 : i32
          %lt3A_296 = arith.constant 0 : i32
          %lt3A_297 = arith.cmpi slt, %select_n3A_290, %lt3A_296 : i32
          %ne3A_298 = arith.xori %lt3A_295, %lt3A_297 : i1
          %and3A_299 = arith.andi %ne3A_298, %ne3A_293 : i1
          %add3A_300 = arith.addi %rem3A_291, %select_n3A_290 : i32
          %select_n3A_301 = arith.select %and3A_299, %add3A_300, %rem3A_291 : i32
          %mul3A_302 = arith.constant 6400 : i32
          %mul3A_303 = arith.muli %add3A, %mul3A_302 : i32
          %mul3A_304 = arith.constant 128 : i32
          %mul3A_305 = arith.muli %sub3A_281, %mul3A_304 : i32
          %add3A_306 = arith.addi %mul3A_303, %mul3A_305 : i32
          %dma_wait3A_307 = arith.constant 0 : i32
          %dma_wait3A_308 = arith.constant 0 : i32
          %dma_wait3A_309 = tpu.memref_slice %arg7[%sub3A_283, %dma_wait3A_307, %dma_wait3A_308] : memref<2x128x64xf32, #tpu.memory_space<vmem>> -> memref<1x128x64xf32, #tpu.memory_space<vmem>>
          %dma_wait3A_310 = tpu.memref_squeeze %dma_wait3A_309 : memref<1x128x64xf32, #tpu.memory_space<vmem>> -> memref<128x64xf32, #tpu.memory_space<vmem>>
          %dma_wait3A_311 = arith.constant 0 : i32
          %dma_wait3A_312 = tpu.memref_slice %arg5[%add3A_306, %dma_wait3A_311] : memref<204800x128xf32, #tpu.memory_space<hbm>> -> memref<128x64xf32, #tpu.memory_space<hbm>>
          %dma_wait3A_313 = arith.constant 0 : i32
          %dma_wait3A_314 = tpu.memref_slice %arg5[%add3A_306, %dma_wait3A_313] : memref<204800x128xf32, #tpu.memory_space<hbm>> -> memref<128x64xf32, #tpu.memory_space<hbm>>
          %dma_wait3A_315 = arith.constant 0 : i32
          %dma_wait3A_316 = arith.constant 0 : i32
          %dma_wait3A_317 = tpu.memref_slice %arg7[%sub3A_283, %dma_wait3A_315, %dma_wait3A_316] : memref<2x128x64xf32, #tpu.memory_space<vmem>> -> memref<1x128x64xf32, #tpu.memory_space<vmem>>
          %dma_wait3A_318 = tpu.memref_squeeze %dma_wait3A_317 : memref<1x128x64xf32, #tpu.memory_space<vmem>> -> memref<128x64xf32, #tpu.memory_space<vmem>>
          tpu.wait_dma2 semaphore(%arg11 : memref<!tpu.dma_semaphore, #tpu.memory_space<semaphore_mem>>) src(%dma_wait3A_318 : memref<128x64xf32, #tpu.memory_space<vmem>>) dst(%dma_wait3A_314 : memref<128x64xf32, #tpu.memory_space<hbm>>)
          %dma_wait3A_319 = arith.constant 0 : i32
          %dma_wait3A_320 = arith.constant 0 : i32
          %dma_wait3A_321 = tpu.memref_slice %arg8[%select_n3A_301, %dma_wait3A_319, %dma_wait3A_320] : memref<4x128x64xf32, #tpu.memory_space<vmem>> -> memref<1x128x64xf32, #tpu.memory_space<vmem>>
          %dma_wait3A_322 = tpu.memref_squeeze %dma_wait3A_321 : memref<1x128x64xf32, #tpu.memory_space<vmem>> -> memref<128x64xf32, #tpu.memory_space<vmem>>
          %dma_wait3A_323 = arith.constant 64 : i32
          %dma_wait3A_324 = tpu.memref_slice %arg5[%add3A_306, %dma_wait3A_323] : memref<204800x128xf32, #tpu.memory_space<hbm>> -> memref<128x64xf32, #tpu.memory_space<hbm>>
          %dma_wait3A_325 = arith.constant 64 : i32
          %dma_wait3A_326 = tpu.memref_slice %arg5[%add3A_306, %dma_wait3A_325] : memref<204800x128xf32, #tpu.memory_space<hbm>> -> memref<128x64xf32, #tpu.memory_space<hbm>>
          %dma_wait3A_327 = arith.constant 0 : i32
          %dma_wait3A_328 = arith.constant 0 : i32
          %dma_wait3A_329 = tpu.memref_slice %arg8[%select_n3A_301, %dma_wait3A_327, %dma_wait3A_328] : memref<4x128x64xf32, #tpu.memory_space<vmem>> -> memref<1x128x64xf32, #tpu.memory_space<vmem>>
          %dma_wait3A_330 = tpu.memref_squeeze %dma_wait3A_329 : memref<1x128x64xf32, #tpu.memory_space<vmem>> -> memref<128x64xf32, #tpu.memory_space<vmem>>
          tpu.wait_dma2 semaphore(%arg11 : memref<!tpu.dma_semaphore, #tpu.memory_space<semaphore_mem>>) src(%dma_wait3A_330 : memref<128x64xf32, #tpu.memory_space<vmem>>) dst(%dma_wait3A_326 : memref<128x64xf32, #tpu.memory_space<hbm>>)
        } else {
        }
        %sub3A_268 = arith.constant 1 : i32
        %sub3A_269 = arith.subi %sub3A_268, %select_n3A_152 : i32
        %mul3A_270 = arith.constant 128 : i32
        %mul3A_271 = arith.muli %sub3A_269, %mul3A_270 : i32
        %dma_start3A_272 = arith.constant 0 : i32
        %dma_start3A_273 = arith.constant 0 : i32
        %dma_start3A_274 = tpu.memref_slice %arg7[%sub3A_269, %dma_start3A_272, %dma_start3A_273] : memref<2x128x64xf32, #tpu.memory_space<vmem>> -> memref<1x128x64xf32, #tpu.memory_space<vmem>>
        %dma_start3A_275 = tpu.memref_squeeze %dma_start3A_274 : memref<1x128x64xf32, #tpu.memory_space<vmem>> -> memref<128x64xf32, #tpu.memory_space<vmem>>
        %dma_start3A_276 = tpu.memref_slice %arg6[%mul3A_271] : memref<256xi32, #tpu.memory_space<vmem>> -> memref<128xi32, #tpu.memory_space<vmem>>
        %dma_start3A_277 = arith.constant 0 : i32
        %dma_start3A_278 = arith.constant 0 : i32
        %dma_start3A_279 = tpu.memref_slice %arg3[%dma_start3A_277, %dma_start3A_278] : memref<100000x64xf32, #tpu.memory_space<hbm>> -> memref<100000x64xf32, #tpu.memory_space<hbm>>
        tpu.enqueue_indirect_dma source(%dma_start3A_279 : memref<100000x64xf32, #tpu.memory_space<hbm>>) target(%dma_start3A_275 : memref<128x64xf32, #tpu.memory_space<vmem>>) offsets(%dma_start3A_276 : memref<128xi32, #tpu.memory_space<vmem>>) semaphore(%arg10 : memref<!tpu.dma_semaphore, #tpu.memory_space<semaphore_mem>>)
      } else {
      }
      %add3A_213 = arith.constant 2 : i32
      %add3A_214 = arith.addi %scan3A_143, %add3A_213 : i32
      %lt3A_215 = arith.constant 50 : i32
      %lt3A_216 = arith.cmpi slt, %add3A_214, %lt3A_215 : i32
      %convert_element_type3A_217 = arith.extui %lt3A_216 : i1 to i32
      %cond3A_218 = arith.constant 0 : i32
      %cond3A_219 = arith.cmpi ne, %convert_element_type3A_217, %cond3A_218 : i32
      scf.if %cond3A_219 {
        %add3A_220 = arith.constant 2 : i32
        %add3A_221 = arith.addi %scan3A_143, %add3A_220 : i32
        %add3A_222 = arith.constant 2 : i32
        %add3A_223 = arith.addi %scan3A_143, %add3A_222 : i32
        %jit3A_224 = arith.constant 4 : i32
        %eq3A_225 = arith.constant 0 : i32
        %eq3A_226 = arith.cmpi eq, %jit3A_224, %eq3A_225 : i32
        %jit3A_227 = arith.constant 1 : i32
        %select_n3A_228 = arith.select %eq3A_226, %jit3A_227, %jit3A_224 : i32
        %rem3A_229 = arith.remsi %add3A_223, %select_n3A_228 : i32
        %ne3A_230 = arith.constant 0 : i32
        %ne3A_231 = arith.cmpi ne, %rem3A_229, %ne3A_230 : i32
        %lt3A_232 = arith.constant 0 : i32
        %lt3A_233 = arith.cmpi slt, %rem3A_229, %lt3A_232 : i32
        %lt3A_234 = arith.constant 0 : i32
        %lt3A_235 = arith.cmpi slt, %select_n3A_228, %lt3A_234 : i32
        %ne3A_236 = arith.xori %lt3A_233, %lt3A_235 : i1
        %and3A_237 = arith.andi %ne3A_236, %ne3A_231 : i1
        %add3A_238 = arith.addi %rem3A_229, %select_n3A_228 : i32
        %select_n3A_239 = arith.select %and3A_237, %add3A_238, %rem3A_229 : i32
        %mul3A_240 = arith.constant 6400 : i32
        %mul3A_241 = arith.muli %add3A, %mul3A_240 : i32
        %mul3A_242 = arith.constant 128 : i32
        %mul3A_243 = arith.muli %add3A_221, %mul3A_242 : i32
        %add3A_244 = arith.addi %mul3A_241, %mul3A_243 : i32
        %mul3A_245 = arith.constant 128 : i32
        %mul3A_246 = arith.muli %select_n3A_152, %mul3A_245 : i32
        %dma_start3A_247 = tpu.memref_slice %arg6[%mul3A_246] : memref<256xi32, #tpu.memory_space<vmem>> -> memref<128xi32, #tpu.memory_space<vmem>>
        %dma_start3A_248 = tpu.memref_slice %arg2[%add3A_244] : memref<204800xi32, #tpu.memory_space<hbm>> -> memref<128xi32, #tpu.memory_space<hbm>>
        %dma_start3A_249 = tpu.memref_slice %arg6[%mul3A_246] : memref<256xi32, #tpu.memory_space<vmem>> -> memref<128xi32, #tpu.memory_space<vmem>>
        %dma_start3A_250 = tpu.memref_slice %arg2[%add3A_244] : memref<204800xi32, #tpu.memory_space<hbm>> -> memref<128xi32, #tpu.memory_space<hbm>>
        tpu.enqueue_dma source(%dma_start3A_250 : memref<128xi32, #tpu.memory_space<hbm>>) target(%dma_start3A_249 : memref<128xi32, #tpu.memory_space<vmem>>) target_semaphore(%arg9 : memref<!tpu.dma_semaphore, #tpu.memory_space<semaphore_mem>>)
        %dma_start3A_251 = arith.constant 0 : i32
        %dma_start3A_252 = arith.constant 0 : i32
        %dma_start3A_253 = tpu.memref_slice %arg8[%select_n3A_239, %dma_start3A_251, %dma_start3A_252] : memref<4x128x64xf32, #tpu.memory_space<vmem>> -> memref<1x128x64xf32, #tpu.memory_space<vmem>>
        %dma_start3A_254 = tpu.memref_squeeze %dma_start3A_253 : memref<1x128x64xf32, #tpu.memory_space<vmem>> -> memref<128x64xf32, #tpu.memory_space<vmem>>
        %dma_start3A_255 = arith.constant 0 : i32
        %dma_start3A_256 = tpu.memref_slice %arg4[%add3A_244, %dma_start3A_255] : memref<204800x64xf32, #tpu.memory_space<hbm>> -> memref<128x64xf32, #tpu.memory_space<hbm>>
        %dma_start3A_257 = arith.constant 0 : i32
        %dma_start3A_258 = arith.constant 0 : i32
        %dma_start3A_259 = tpu.memref_slice %arg8[%select_n3A_239, %dma_start3A_257, %dma_start3A_258] : memref<4x128x64xf32, #tpu.memory_space<vmem>> -> memref<1x128x64xf32, #tpu.memory_space<vmem>>
        %dma_start3A_260 = tpu.memref_squeeze %dma_start3A_259 : memref<1x128x64xf32, #tpu.memory_space<vmem>> -> memref<128x64xf32, #tpu.memory_space<vmem>>
        %dma_start3A_261 = arith.constant 0 : i32
        %dma_start3A_262 = tpu.memref_slice %arg4[%add3A_244, %dma_start3A_261] : memref<204800x64xf32, #tpu.memory_space<hbm>> -> memref<128x64xf32, #tpu.memory_space<hbm>>
        tpu.enqueue_dma source(%dma_start3A_262 : memref<128x64xf32, #tpu.memory_space<hbm>>) target(%dma_start3A_260 : memref<128x64xf32, #tpu.memory_space<vmem>>) target_semaphore(%arg9 : memref<!tpu.dma_semaphore, #tpu.memory_space<semaphore_mem>>)
      } else {
      }
    }
    %scan3A_82 = arith.constant 50 : i32
    %mul3A_83 = arith.constant 6400 : i32
    %mul3A_84 = arith.muli %add3A, %mul3A_83 : i32
    %add3A_85 = arith.constant 6144 : i32
    %add3A_86 = arith.addi %mul3A_84, %add3A_85 : i32
    %dma_wait3A_87 = arith.constant 0 : i32
    %dma_wait3A_88 = arith.constant 0 : i32
    %dma_wait3A_89 = arith.constant 0 : i32
    %dma_wait3A_90 = tpu.memref_slice %arg7[%dma_wait3A_87, %dma_wait3A_88, %dma_wait3A_89] : memref<2x128x64xf32, #tpu.memory_space<vmem>> -> memref<1x128x64xf32, #tpu.memory_space<vmem>>
    %dma_wait3A_91 = tpu.memref_squeeze %dma_wait3A_90 : memref<1x128x64xf32, #tpu.memory_space<vmem>> -> memref<128x64xf32, #tpu.memory_space<vmem>>
    %dma_wait3A_92 = arith.constant 0 : i32
    %dma_wait3A_93 = tpu.memref_slice %arg5[%add3A_86, %dma_wait3A_92] : memref<204800x128xf32, #tpu.memory_space<hbm>> -> memref<128x64xf32, #tpu.memory_space<hbm>>
    %dma_wait3A_94 = arith.constant 0 : i32
    %dma_wait3A_95 = tpu.memref_slice %arg5[%add3A_86, %dma_wait3A_94] : memref<204800x128xf32, #tpu.memory_space<hbm>> -> memref<128x64xf32, #tpu.memory_space<hbm>>
    %dma_wait3A_96 = arith.constant 0 : i32
    %dma_wait3A_97 = arith.constant 0 : i32
    %dma_wait3A_98 = tpu.memref_slice %arg7[%dma_wait3A_87, %dma_wait3A_96, %dma_wait3A_97] : memref<2x128x64xf32, #tpu.memory_space<vmem>> -> memref<1x128x64xf32, #tpu.memory_space<vmem>>
    %dma_wait3A_99 = tpu.memref_squeeze %dma_wait3A_98 : memref<1x128x64xf32, #tpu.memory_space<vmem>> -> memref<128x64xf32, #tpu.memory_space<vmem>>
    tpu.wait_dma2 semaphore(%arg11 : memref<!tpu.dma_semaphore, #tpu.memory_space<semaphore_mem>>) src(%dma_wait3A_99 : memref<128x64xf32, #tpu.memory_space<vmem>>) dst(%dma_wait3A_95 : memref<128x64xf32, #tpu.memory_space<hbm>>)
    %dma_wait3A_100 = arith.constant 0 : i32
    %dma_wait3A_101 = arith.constant 0 : i32
    %dma_wait3A_102 = arith.constant 0 : i32
    %dma_wait3A_103 = tpu.memref_slice %arg8[%dma_wait3A_100, %dma_wait3A_101, %dma_wait3A_102] : memref<4x128x64xf32, #tpu.memory_space<vmem>> -> memref<1x128x64xf32, #tpu.memory_space<vmem>>
    %dma_wait3A_104 = tpu.memref_squeeze %dma_wait3A_103 : memref<1x128x64xf32, #tpu.memory_space<vmem>> -> memref<128x64xf32, #tpu.memory_space<vmem>>
    %dma_wait3A_105 = arith.constant 64 : i32
    %dma_wait3A_106 = tpu.memref_slice %arg5[%add3A_86, %dma_wait3A_105] : memref<204800x128xf32, #tpu.memory_space<hbm>> -> memref<128x64xf32, #tpu.memory_space<hbm>>
    %dma_wait3A_107 = arith.constant 64 : i32
    %dma_wait3A_108 = tpu.memref_slice %arg5[%add3A_86, %dma_wait3A_107] : memref<204800x128xf32, #tpu.memory_space<hbm>> -> memref<128x64xf32, #tpu.memory_space<hbm>>
    %dma_wait3A_109 = arith.constant 0 : i32
    %dma_wait3A_110 = arith.constant 0 : i32
    %dma_wait3A_111 = tpu.memref_slice %arg8[%dma_wait3A_100, %dma_wait3A_109, %dma_wait3A_110] : memref<4x128x64xf32, #tpu.memory_space<vmem>> -> memref<1x128x64xf32, #tpu.memory_space<vmem>>
    %dma_wait3A_112 = tpu.memref_squeeze %dma_wait3A_111 : memref<1x128x64xf32, #tpu.memory_space<vmem>> -> memref<128x64xf32, #tpu.memory_space<vmem>>
    tpu.wait_dma2 semaphore(%arg11 : memref<!tpu.dma_semaphore, #tpu.memory_space<semaphore_mem>>) src(%dma_wait3A_112 : memref<128x64xf32, #tpu.memory_space<vmem>>) dst(%dma_wait3A_108 : memref<128x64xf32, #tpu.memory_space<hbm>>)
    %mul3A_113 = arith.constant 6400 : i32
    %mul3A_114 = arith.muli %add3A, %mul3A_113 : i32
    %add3A_115 = arith.constant 6272 : i32
    %add3A_116 = arith.addi %mul3A_114, %add3A_115 : i32
    %dma_wait3A_117 = arith.constant 1 : i32
    %dma_wait3A_118 = arith.constant 0 : i32
    %dma_wait3A_119 = arith.constant 0 : i32
    %dma_wait3A_120 = tpu.memref_slice %arg7[%dma_wait3A_117, %dma_wait3A_118, %dma_wait3A_119] : memref<2x128x64xf32, #tpu.memory_space<vmem>> -> memref<1x128x64xf32, #tpu.memory_space<vmem>>
    %dma_wait3A_121 = tpu.memref_squeeze %dma_wait3A_120 : memref<1x128x64xf32, #tpu.memory_space<vmem>> -> memref<128x64xf32, #tpu.memory_space<vmem>>
    %dma_wait3A_122 = arith.constant 0 : i32
    %dma_wait3A_123 = tpu.memref_slice %arg5[%add3A_116, %dma_wait3A_122] : memref<204800x128xf32, #tpu.memory_space<hbm>> -> memref<128x64xf32, #tpu.memory_space<hbm>>
    %dma_wait3A_124 = arith.constant 0 : i32
    %dma_wait3A_125 = tpu.memref_slice %arg5[%add3A_116, %dma_wait3A_124] : memref<204800x128xf32, #tpu.memory_space<hbm>> -> memref<128x64xf32, #tpu.memory_space<hbm>>
    %dma_wait3A_126 = arith.constant 0 : i32
    %dma_wait3A_127 = arith.constant 0 : i32
    %dma_wait3A_128 = tpu.memref_slice %arg7[%dma_wait3A_117, %dma_wait3A_126, %dma_wait3A_127] : memref<2x128x64xf32, #tpu.memory_space<vmem>> -> memref<1x128x64xf32, #tpu.memory_space<vmem>>
    %dma_wait3A_129 = tpu.memref_squeeze %dma_wait3A_128 : memref<1x128x64xf32, #tpu.memory_space<vmem>> -> memref<128x64xf32, #tpu.memory_space<vmem>>
    tpu.wait_dma2 semaphore(%arg11 : memref<!tpu.dma_semaphore, #tpu.memory_space<semaphore_mem>>) src(%dma_wait3A_129 : memref<128x64xf32, #tpu.memory_space<vmem>>) dst(%dma_wait3A_125 : memref<128x64xf32, #tpu.memory_space<hbm>>)
    %dma_wait3A_130 = arith.constant 1 : i32
    %dma_wait3A_131 = arith.constant 0 : i32
    %dma_wait3A_132 = arith.constant 0 : i32
    %dma_wait3A_133 = tpu.memref_slice %arg8[%dma_wait3A_130, %dma_wait3A_131, %dma_wait3A_132] : memref<4x128x64xf32, #tpu.memory_space<vmem>> -> memref<1x128x64xf32, #tpu.memory_space<vmem>>
    %dma_wait3A_134 = tpu.memref_squeeze %dma_wait3A_133 : memref<1x128x64xf32, #tpu.memory_space<vmem>> -> memref<128x64xf32, #tpu.memory_space<vmem>>
    %dma_wait3A_135 = arith.constant 64 : i32
    %dma_wait3A_136 = tpu.memref_slice %arg5[%add3A_116, %dma_wait3A_135] : memref<204800x128xf32, #tpu.memory_space<hbm>> -> memref<128x64xf32, #tpu.memory_space<hbm>>
    %dma_wait3A_137 = arith.constant 64 : i32
    %dma_wait3A_138 = tpu.memref_slice %arg5[%add3A_116, %dma_wait3A_137] : memref<204800x128xf32, #tpu.memory_space<hbm>> -> memref<128x64xf32, #tpu.memory_space<hbm>>
    %dma_wait3A_139 = arith.constant 0 : i32
    %dma_wait3A_140 = arith.constant 0 : i32
    %dma_wait3A_141 = tpu.memref_slice %arg8[%dma_wait3A_130, %dma_wait3A_139, %dma_wait3A_140] : memref<4x128x64xf32, #tpu.memory_space<vmem>> -> memref<1x128x64xf32, #tpu.memory_space<vmem>>
    %dma_wait3A_142 = tpu.memref_squeeze %dma_wait3A_141 : memref<1x128x64xf32, #tpu.memory_space<vmem>> -> memref<128x64xf32, #tpu.memory_space<vmem>>
    tpu.wait_dma2 semaphore(%arg11 : memref<!tpu.dma_semaphore, #tpu.memory_space<semaphore_mem>>) src(%dma_wait3A_142 : memref<128x64xf32, #tpu.memory_space<vmem>>) dst(%dma_wait3A_138 : memref<128x64xf32, #tpu.memory_space<hbm>>)
    return
  }
}

module attributes {stable_mosaic.version = 14 : i64} {
  func.func @_pct_body(%arg0: i32, %arg1: memref<262x64xf32, #tpu.memory_space<vmem>>, %arg2: memref<1x64x64xf32, #tpu.memory_space<vmem>>, %arg3: memref<1x64xf32, #tpu.memory_space<vmem>>, %arg4: memref<1x262x64xf32, #tpu.memory_space<vmem>>) attributes {dimension_semantics = [#tpu.dimension_semantics<arbitrary>], iteration_bounds = array<i64: 5>, scalar_prefetch = 0 : i64, scratch_operands = 0 : i64, tpu.core_type = #tpu.core_type<tc>, window_params = [{pipeline_mode = #tpu.pipeline_mode<synchronous>, transform_indices = @transform_0, window_bounds = array<i64: 262, 64>}, {transform_indices = @transform_1, window_bounds = array<i64: 1, 64, 64>}, {pipeline_mode = #tpu.pipeline_mode<synchronous>, transform_indices = @transform_2, window_bounds = array<i64: 1, 64>}, {transform_indices = @transform_3, window_bounds = array<i64: 1, 262, 64>}]} {
    %get3A = arith.constant 0 : index
    %get3A_0 = arith.constant 0 : index
    %get3A_1 = vector.load %arg1[%get3A, %get3A_0] : memref<262x64xf32, #tpu.memory_space<vmem>>, vector<262x64xf32>
    %get3A_2 = arith.constant 0 : index
    %get3A_3 = arith.constant 0 : index
    %get3A_4 = arith.constant 0 : index
    %get3A_5 = vector.load %arg2[%get3A_2, %get3A_3, %get3A_4] : memref<1x64x64xf32, #tpu.memory_space<vmem>>, vector<1x64x64xf32>
    %get3A_6 = vector.shape_cast %get3A_5 : vector<1x64x64xf32> to vector<64x64xf32>
    %dot_general3A = arith.constant dense<0.000000e+00> : vector<262x64xf32>
    %dot_general3A_7 = tpu.matmul %get3A_1, %get3A_6, %dot_general3A {dimension_numbers = #tpu.dot_dimension_numbers<[1], [0], [0], [1], [0, 0, 1, 1], [], []>, transpose_lhs_hint = false} : vector<262x64xf32>, vector<64x64xf32>, vector<262x64xf32> -> vector<262x64xf32>
    %eq3A = arith.constant 0 : i32
    %eq3A_8 = arith.cmpi eq, %arg0, %eq3A : i32
    %jit3A = arith.constant 1.000000e+00 : f32
    %jit3A_9 = arith.constant 0.000000e+00 : f32
    %select_n3A = arith.select %eq3A_8, %jit3A, %jit3A_9 : f32
    %get3A_10 = arith.constant 0 : index
    %get3A_11 = arith.constant 0 : index
    %get3A_12 = vector.load %arg3[%get3A_10, %get3A_11] : memref<1x64xf32, #tpu.memory_space<vmem>>, vector<1x64xf32>
    %mul3A = vector.broadcast %select_n3A : f32 to vector<1x64xf32>
    %mul3A_13 = arith.mulf %mul3A, %get3A_12 : vector<1x64xf32>
    %add3A = vector.broadcast %mul3A_13 : vector<1x64xf32> to vector<262x64xf32>
    %add3A_14 = arith.addf %dot_general3A_7, %add3A : vector<262x64xf32>
    %swap3A = arith.constant 0 : index
    %swap3A_15 = arith.constant 0 : index
    %swap3A_16 = arith.constant 0 : index
    %swap3A_17 = vector.load %arg4[%swap3A, %swap3A_15, %swap3A_16] : memref<1x262x64xf32, #tpu.memory_space<vmem>>, vector<1x262x64xf32>
    %swap3A_18 = vector.shape_cast %swap3A_17 : vector<1x262x64xf32> to vector<262x64xf32>
    %swap3A_19 = vector.shape_cast %add3A_14 : vector<262x64xf32> to vector<1x262x64xf32>
    tpu.vector_store %arg4[%swap3A, %swap3A_15, %swap3A_16], %swap3A_19 {strides = array<i32>} : memref<1x262x64xf32, #tpu.memory_space<vmem>>, vector<1x262x64xf32>,
    return
  }
  func.func @transform_0(%arg0: i32) -> (i32, i32) {
    %c0_i32 = arith.constant 0 : i32
    %c0_i32_0 = arith.constant 0 : i32
    %c0_i32_1 = arith.constant 0 : i32
    return %c0_i32, %c0_i32_0 : i32, i32
  }
  func.func @transform_1(%arg0: i32) -> (i32, i32, i32) {
    %c0_i32 = arith.constant 0 : i32
    %c0_i32_0 = arith.constant 0 : i32
    %c0_i32_1 = arith.constant 0 : i32
    return %arg0, %c0_i32, %c0_i32_0 : i32, i32, i32
  }
  func.func @transform_2(%arg0: i32) -> (i32, i32) {
    %c0_i32 = arith.constant 0 : i32
    %c0_i32_0 = arith.constant 0 : i32
    %c0_i32_1 = arith.constant 0 : i32
    return %c0_i32, %c0_i32_0 : i32, i32
  }
  func.func @transform_3(%arg0: i32) -> (i32, i32, i32) {
    %c0_i32 = arith.constant 0 : i32
    %c0_i32_0 = arith.constant 0 : i32
    %c0_i32_1 = arith.constant 0 : i32
    return %arg0, %c0_i32, %c0_i32_0 : i32, i32, i32
  }
}

module attributes {stable_mosaic.version = 14 : i64} {
  func.func @_pw_body(%arg0: i32, %arg1: memref<1000x300xf32, #tpu.memory_space<vmem>>, %arg2: memref<300x64xf32, #tpu.memory_space<vmem>>, %arg3: memref<1000x64xf32, #tpu.memory_space<vmem>>) attributes {dimension_semantics = [#tpu.dimension_semantics<arbitrary>], iteration_bounds = array<i64: 100>, scalar_prefetch = 0 : i64, scratch_operands = 0 : i64, tpu.core_type = #tpu.core_type<tc>, window_params = [{transform_indices = @transform_0, window_bounds = array<i64: 1000, 300>}, {pipeline_mode = #tpu.pipeline_mode<synchronous>, transform_indices = @transform_1, window_bounds = array<i64: 300, 64>}, {transform_indices = @transform_2, window_bounds = array<i64: 1000, 64>}]} {
    %get3A = arith.constant 0 : index
    %get3A_0 = arith.constant 0 : index
    %get3A_1 = vector.load %arg1[%get3A, %get3A_0] : memref<1000x300xf32, #tpu.memory_space<vmem>>, vector<1000x300xf32>
    %get3A_2 = arith.constant 0 : index
    %get3A_3 = arith.constant 0 : index
    %get3A_4 = vector.load %arg2[%get3A_2, %get3A_3] : memref<300x64xf32, #tpu.memory_space<vmem>>, vector<300x64xf32>
    %dot_general3A = arith.constant dense<0.000000e+00> : vector<1000x64xf32>
    %dot_general3A_5 = tpu.matmul %get3A_1, %get3A_4, %dot_general3A {dimension_numbers = #tpu.dot_dimension_numbers<[1], [0], [0], [1], [0, 0, 1, 1], [], []>, transpose_lhs_hint = false} : vector<1000x300xf32>, vector<300x64xf32>, vector<1000x64xf32> -> vector<1000x64xf32>
    %swap3A = arith.constant 0 : index
    %swap3A_6 = arith.constant 0 : index
    %swap3A_7 = vector.load %arg3[%swap3A, %swap3A_6] : memref<1000x64xf32, #tpu.memory_space<vmem>>, vector<1000x64xf32>
    tpu.vector_store %arg3[%swap3A, %swap3A_6], %dot_general3A_5 {strides = array<i32>} : memref<1000x64xf32, #tpu.memory_space<vmem>>, vector<1000x64xf32>,
    return
  }
  func.func @transform_0(%arg0: i32) -> (i32, i32) {
    %c0_i32 = arith.constant 0 : i32
    %c0_i32_0 = arith.constant 0 : i32
    return %arg0, %c0_i32 : i32, i32
  }
  func.func @transform_1(%arg0: i32) -> (i32, i32) {
    %c0_i32 = arith.constant 0 : i32
    %c0_i32_0 = arith.constant 0 : i32
    %c0_i32_1 = arith.constant 0 : i32
    return %c0_i32, %c0_i32_0 : i32, i32
  }
  func.func @transform_2(%arg0: i32) -> (i32, i32) {
    %c0_i32 = arith.constant 0 : i32
    %c0_i32_0 = arith.constant 0 : i32
    return %arg0, %c0_i32 : i32, i32
  }
}

</mosaic_0001>

<sc_bundles>
// kernel: kernel.6.cloned.1.call-start
scs
__scs_entry_jumppad:
0x0: {  	(pc) =	sbr.rel $0x88, $3  }
0x1: {  	(tag) =	ssettag $0x0;
	lr =	simm.s32 $0x1  }
0x2: {  	[smem:$0x3F9A] =	sst lr;
	_ =	strace $0xD0000000  }
0x3: {  	_ = 	snop  }
0x4: {  	_ = 	snop  }
0x5: {  	_ = 	snop  }
0x6: {  	_ = 	snop  }
0x7: {  	_ = 	snop  }
__scs_overlays_trampoline_lowered:
0x8: {  	[smem:$0x3FA9] =	sst s0  }
0x9: {  	[smem:$0x3FAA] =	sst s1  }
0xa: {  	[smem:$0x3FAB] =	sst s2  }
0xb: {  	[smem:$0x3FAC] =	sst s3  }
0xc: {  	[smem:$0x3FAD] =	sst s4  }
0xd: {  	[smem:$0x3FAE] =	sst s5  }
0xe: {  	[smem:$0x3FAF] =	sst s6  }
0xf: {  	[smem:$0x3FB0] =	sst s7  }
0x10: {  	[smem:$0x3FB1] =	sst s8  }
0x11: {  	[smem:$0x3FB2] =	sst s9;
	s0 =	simm.s32 @!p0 $0x0  }
0x12: {  	s1 =	sld [smem:$0x3F98];
	s0 =	simm.s32 @p0 $0x1  }
0x13: {  	[smem:$0x3FB3] =	sst s0;
	s0 =	simm.s32 @!p1 $0x0  }
0x14: {  	s2 =	sld [smem:$0x3F97];
	s0 =	simm.s32 @p1 $0x1  }
0x15: {  	[smem:$0x3FB4] =	sst s0;
	s0 =	simm.s32 @!p2 $0x0  }
0x16: {  	s3 =	sld [smem:$0x3FDB];
	s0 =	simm.s32 @p2 $0x1  }
0x17: {  	s4 =	simm.s32 $0x1BF5;
	[smem:$0x3FB6] =	sst s0  }
0x18: {  	s0 =	sld [smem:$0x3F99];
	_ =	swait.ge [sflag:s4], $0x0  }
0x19: {  	s7 =	sld [smem:$0x3F9A]  }
0x1a: {  	s8 =	sadd.s32 $0xFFFFE003, lr  }
0x1b: {  	s9 =	sadd.s32 $0xFFFFFEF7, lr;
	s5 =	simm.s32 $0xFFFFFFFF;
	p2 =	slt.u32 s8, $0xFFFFF086  }
0x1c: {  	p1 =	slt.u32 s9, $0xF7A;
	s5 =	simm.s32 @!p2 $0x0  }
0x1d: {  	s5 =	simm.s32 @p1 $0x1;
	p0 =	seq.s32 s7, s2  }
0x1e: {  	s7 =	smul.u32 @!p0 $0xF7A, s2;
	p2 =	seq.s32 @!p0 s5, $0x0  }
0x1f: {  	s9 =	smul.u32 $0xF7A, s1;
	s8 =	simm.s32 @!p0 $0x1BF5;
	p2 =	por !p2, p0  }
0x20: {  	[sflag:s8] =	ssyncset.s32 @!p0 $0xFFFFF086;
	s6 =	sadd.s32 @!p0 s3, s7;
	s7 =	simm.s32 @!p0 $0x108  }
0x21: {  	s3 =	sadd.s32 s3, s9;
	s6 =	sadd.s32 @!p0 $0x88, s6;
	s7 =	simm.s32 @p2 $0x1082  }
0x22: {  	[simem:s7], [sflag:s8] =	dma.local @!p0 [hbm:s6], $0xF7A  }
0x23: {  	s9 =	sor.u32 $0xD0000000, s2;
	s6 =	simm.s32 $0x108;
	_ =	swait.ge @!p0 [sflag:s8], $0x0  }
0x24: {  	s3 =	sadd.s32 $0x88, s3;
	s6 =	simm.s32 @!p1 $0x1082;
	[sflag:s4] =	ssyncset.s32 $0xFFFFF086  }
0x25: {  	[simem:s6], [sflag:s4] =	dma.local [hbm:s3], $0xF7A  }
0x26: {  	[smem:$0x3F9A] =	sst s1;
	(tag) =	ssettag s2;
	_ =	strace s9  }
0x27: {  	s1 =	sld [smem:$0x3FAA]  }
0x28: {  	s2 =	sld [smem:$0x3FAB]  }
0x29: {  	s4 =	sld [smem:$0x3FAD]  }
0x2a: {  	p0 =	seq.s32 s5, $0x0;
	s5 =	sld [smem:$0x3FAE]  }
0x2b: {  	s6 =	sld [smem:$0x3FAF]  }
0x2c: {  	s7 =	sld [smem:$0x3FB0]  }
0x2d: {  	s3 =	simm.s32 $0x108;
	s8 =	sld [smem:$0x3FB1]  }
0x2e: {  	s3 =	simm.s32 @!p0 $0x1082;
	s9 =	sld [smem:$0x3FB2]  }
0x2f: {  	lr =	sadd.s32 s0, s3;
	s0 =	sld [smem:$0x3FA9]  }
0x30: {  	s3 =	sld [smem:$0x3FAC]  }
0x31: {  	[smem:$0x3FB5] =	sst s10  }
0x32: {  	s10 =	sld [smem:$0x3FB3];
	_ =	sdelay $0x3  }
0x33: {  	p0 =	seq.s32 s10, $0x1;
	s10 =	sld [smem:$0x3FB5];
	_ =	sdelay $0x3  }
0x34: {  	[smem:$0x3FB5] =	sst s10  }
0x35: {  	s10 =	sld [smem:$0x3FB4];
	_ =	sdelay $0x3  }
0x36: {  	p1 =	seq.s32 s10, $0x1;
	s10 =	sld [smem:$0x3FB5];
	_ =	sdelay $0x3  }
0x37: {  	[smem:$0x3FB5] =	sst s10  }
0x38: {  	s10 =	sld [smem:$0x3FB6]  }
0x39: {  	_ = 	snop;
	(pc) =	sbr.ind lr, $3  }
0x3a: {  	_ = 	snop  }
0x3b: {  	_ = 	snop  }
0x3c: {  	p2 =	seq.s32 s10, $0x1;
	s10 =	sld [smem:$0x3FB5]  }
0x3d: {  	_ =	shalt  }
0x3e: {  	_ =	shalt  }
0x3f: {  	_ =	shalt  }
0x40: {  	_ =	shalt  }
0x41: {  	_ =	shalt  }
0x42: {  	_ =	shalt  }
0x43: {  	_ =	shalt  }
0x44: {  	_ =	shalt  }
0x45: {  	_ =	shalt  }
0x46: {  	_ =	shalt  }
0x47: {  	_ =	shalt  }
0x48: {  	_ =	shalt  }
0x49: {  	_ =	shalt  }
0x4a: {  	_ =	shalt  }
0x4b: {  	_ =	shalt  }
0x4c: {  	_ =	shalt  }
0x4d: {  	_ =	shalt  }
0x4e: {  	_ =	shalt  }
0x4f: {  	_ =	shalt  }
0x50: {  	_ =	shalt  }
0x51: {  	_ =	shalt  }
0x52: {  	_ =	shalt  }
0x53: {  	_ =	shalt  }
0x54: {  	_ =	shalt  }
0x55: {  	_ =	shalt  }
0x56: {  	_ =	shalt  }
0x57: {  	_ =	shalt  }
0x58: {  	_ =	shalt  }
0x59: {  	_ =	shalt  }
0x5a: {  	_ =	shalt  }
0x5b: {  	_ =	shalt  }
0x5c: {  	_ =	shalt  }
0x5d: {  	_ =	shalt  }
0x5e: {  	_ =	shalt  }
0x5f: {  	_ =	shalt  }
0x60: {  	_ =	shalt  }
0x61: {  	_ =	shalt  }
0x62: {  	_ =	shalt  }
0x63: {  	_ =	shalt  }
0x64: {  	_ =	shalt  }
0x65: {  	_ =	shalt  }
0x66: {  	_ =	shalt  }
0x67: {  	_ =	shalt  }
0x68: {  	_ =	shalt  }
0x69: {  	_ =	shalt  }
0x6a: {  	_ =	shalt  }
0x6b: {  	_ =	shalt  }
0x6c: {  	_ =	shalt  }
0x6d: {  	_ =	shalt  }
0x6e: {  	_ =	shalt  }
0x6f: {  	_ =	shalt  }
0x70: {  	_ =	shalt  }
0x71: {  	_ =	shalt  }
0x72: {  	_ =	shalt  }
0x73: {  	_ =	shalt  }
0x74: {  	_ =	shalt  }
0x75: {  	_ =	shalt  }
0x76: {  	_ =	shalt  }
0x77: {  	_ =	shalt  }
0x78: {  	_ =	shalt  }
0x79: {  	_ =	shalt  }
0x7a: {  	_ =	shalt  }
0x7b: {  	_ =	shalt  }
0x7c: {  	_ =	shalt  }
0x7d: {  	_ =	shalt  }
0x7e: {  	_ =	shalt  }
0x7f: {  	_ =	shalt  }
0x80: {  	_ =	shalt  }
0x81: {  	_ =	shalt  }
0x82: {  	_ =	shalt  }
0x83: {  	_ =	shalt  }
0x84: {  	_ =	shalt  }
0x85: {  	_ =	shalt  }
0x86: {  	_ =	shalt  }
0x87: {  	_ =	shalt  }
.Lfunc_end0:
.L_simem_size_0:
called_computation_lowered:
.L_overlay_start_0:
0x88: {  	s2 =	sld [smem:$0x3FD9]  }
0x89: {  	s3 =	sld [smem:$0x3FFE];
	_ =	sdelay $0x1  }
0x8a: {  	s1 =	srdreg.scid  }
0x8b: {  	s0 =	sand.u32 $0x1, s1  }
0x8c: {  	s16 =	sshll.u32 s0, $0xA;
	s2 =	sadd.s32 s3, s2  }
0x8d: {  	s2 =	sadd.s32 s2, s16  }
0x8e: {  	[smem:$0x3FC1] =	sst s2  }
0x8f: {  	_ = 	snop  }
0x90: {  	(tm) =	ssettm $0x1  }
0x91: {  	s17 =	sld [smem:$0x3FFB];
	_ =	sdelay $0x3  }
0x92: {  	_ =	strace s17  }
0x93: {  	s2 =	sld [smem:$0x3FFC];
	_ =	sdelay $0x3  }
0x94: {  	_ =	strace s2  }
0x95: {  	s2 =	sld [smem:$0x3FFD];
	_ =	sdelay $0x3  }
0x96: {  	_ =	strace s2  }
0x97: {  	_ =	strace $0x8FFFFFFF  }
0x98: {  	s18 =	sld [smem:$0x3FDB];
	_ =	sdelay $0x1  }
0x99: {  	s19 =	simm.s32 $_scs_section_size  }
0x9a: {  	s4 =	simm.s32 $_size__tile_overlayer_lowered;
	s5 =	simm.s32 $_tile_overlayer_lowered  }
0x9b: {  	s22 =	simm.s32 $0x1BFF;
	s21 =	sshll.u32 s5, $0x1;
	s2 =	sadd.s32 s19, s18  }
0x9c: {  	s6 =	simm.s32 $0x0;
	s20 =	sshll.u32 s4, $0x1;
	s4 =	sadd.s32 s21, s2  }
0x9d: {  	[timem:s6], [sflag:s22] =	dma.local [hbm:s4], s20  }
0x9e: {  	_ =	swait.ge [sflag:s22], s20  }
0x9f: {  	s3 =	ssub.s32 $0x0, s20;
	[sflag:s22] =	ssyncset.done $0x0  }
0xa0: {  	[sflag:s22] =	ssyncadd.s32 s3;
	_ =	sdelay $0x1  }
0xa1: {  	s23 =	simm.s32 $0x1B8B  }
0xa2: {  	_ =	swait.ge [sflag:s23], $0x1  }
0xa3: {  	[sflag:s23] =	ssyncset.done $0x0  }
0xa4: {  	s25 =	simm.s32 $0x1B8E;
	s24 =	sld [smem:$0x3FFE];
	[sflag:s23] =	ssyncadd.s32 $0xFFFFFFFF  }
0xa5: {  	s26 =	simm.s32 $execute0_lowered;
	[smem:$0x3FD2] =	sst s25  }
0xa6: {  	s4 =	sshll.u32 s26, $0x1;
	_ =	strace $0x80000046;
	[dreg:$0x1] =	wrdreg $0xFFFFFFFF  }
0xa7: {  	s28 =	simm.s32 $_size_execute0_lowered;
	s2 =	sadd.s32 s2, s4;
	[dreg:$0x0] =	wrdreg $0x0  }
0xa8: {  	s4 =	sshll.u32 s28, $0x1;
	[dreg:$0x2] =	wrdreg s2  }
0xa9: {  	[dreg:$0x3] =	wrdreg s4  }
0xaa: {  	[dreg:$0x4] =	wrdreg $0xC0  }
0xab: {  	_ =	task [dreg:s6], $0x5FFFF  }
0xac: {  	[dreg:$0x1] =	wrdreg $0xFFFFFFFF  }
0xad: {  	[dreg:$0x0] =	wrdreg $0x60  }
0xae: {  	[dreg:$0x2] =	wrdreg s24  }
0xaf: {  	[dreg:$0x3] =	wrdreg $0x9  }
0xb0: {  	_ =	task.clear_ibuf [dreg:s6], $0x4FFFF;
	_ =	strace $0x90000046  }
0xb1: {  	s29 =	simm.s32 $0x9;
	_ =	strace $0x80000048  }
0xb2: {  	_ =	swait.ge [sflag:s29], $0x1  }
0xb3: {  	[sflag:s29] =	ssyncadd.s32 $0xFFFFFFFF  }
0xb4: {  	_ =	strace $0x90000048  }
0xb5: {  	_ =	sfence  }
0xb6: {  	s30 =	sld [smem:$0x0];
	_ =	sdelay $0x2  }
0xb7: {  	s31 =	sshll.u32 s1, $0xD;
	s1 =	sshrl.u32 s1, $0x2  }
0xb8: {  	s3 =	sand.u32 $0x4000, s31;
	s1 =	sadd.s32 s1, s30  }
0xb9: {  	s0 =	sor.u32 s3, s0;
	s1 =	sshll.u32 s1, $0x11  }
0xba: {  	s0 =	sor.u32 s1, s0  }
0xbb: {  	s0 =	sadd.s32 $0x8F2B, s0  }
0xbc: {  	[sflag:s0] =	ssyncadd.remote.s32 $0x1  }
0xbd: {  	_ =	sfence.sel $0xFFFF  }
0xbe: {  	[dreg:$0x0] =	wrdreg $0xFFFFFFFF;
	(pc) =	sbr.abs _section_cstart, $3  }
0xbf: {  	[dreg:$0x1] =	wrdreg $0xFFFFFFFF  }
0xc0: {  	_ =	task.clear_ibuf [dreg:s6], $0x2FFFF;
	_ =	strace $0x9FFFFFFF  }
0xc1: {  	(tm) =	ssettm $0x7FFFFFFF  }
tec
execute0_lowered:
.L_overlay_start_1:
0x0: {  	(tag) =	ssettag $0x1  }
0x1: {  	s6 =	rddreg [dreg:$0x0]  }
0x2: {  	s0 =	rddreg [dreg:$0x1]  }
0x3: {  	s3 =	srdreg.scid;
	s1 =	stileid.u32;
	s2 =	simm.s32 $0x0  }
0x4: {  	s12 =	simm.s32 $0xA3C0;
	s13 =	simm.s32 $0x1;
	s14 =	simm.s32 $0xABC0  }
0x5: {  	s15 =	simm.s32 $0x2;
	s5 =	sand.u32 $0x1, s3;
	s31 =	sshll.u32 s1, $0x1  }
0x6: {  	s16 =	simm.s32 $0x0;
	[smem:$0x7FF] =	sst s2;
	s8 =	sor.u32 s5, s31  }
0x7: {  	s3 =	sadd.s32 $0xE00, s6;
	s4 =	sadd.s32 $0x64E00, s6;
	s7 =	smul.u32 $0x3200, s8  }
0x8: {  	s6 =	sadd.s32 $0x66400, s6;
	s9 =	ssub.s32 $0x2, s5;
	s11 =	smul.u32 $0x19000, s8  }
0x9: {  	_ =	strace $0x80000047;
	s10 =	sshrl.u32 s9, $0x1;
	s8 =	smul.u32 $0x64000, s8  }
0xa: {  	s10 =	ssub.s32 s9, s10;
	s5 =	sadd.s32 s3, s7;
	s9 =	sadd.s32 $0x1000, s11  }
0xb: {  	v0 =	vimm.bf16 $0.0e+00;
	s10 =	smax.u32 s10, $0x1;
	s11 =	simm.s32 $0x3;
	s7 =	sadd.s32 $0x100, s5  }
.LBB2_1:
0xc: {  	[tilespmem:s2], [sflag:$0x3] =	stream.linear.gather [hbm4b:s4+s2], $0xA3C0, $0x38;
	[tilespmem:$0xF3C0] =	vst v63  }
0xd: {  	_ =	swait.ge [sflag:s11], $0xA3C0  }
0xe: {  	[sflag:s11] =	ssyncset.done $0x0  }
0xf: {  	[sflag:s11] =	ssyncadd.s32 $0xFFFF5C40  }
0x10: {  	[tilespmem:s12], [sflag:$0x1] =	stream.linear.gather [hbm4b:s5+s2], $0x800, $0x38;
	[tilespmem:$0xF3C0] =	vst v63  }
0x11: {  	_ =	swait.ge [sflag:s13], $0x800  }
0x12: {  	[sflag:s13] =	ssyncset.done $0x0  }
0x13: {  	p0 =	por $0x0, $0x0;
	s17 =	simm.s32 $0x0;
	[sflag:s13] =	ssyncadd.s32 $0xFFFFF800  }
0x14: {  	[tilespmem:s14], [sflag:$0x1] =	stream.linear.gather [hbm4b:s7+s2], $0x800, $0x38;
	[tilespmem:$0xF3C0] =	vst v63  }
.LBB2_2:
0x15: {  	s18 =	simm.s32 $0x1  }
0x16: {  	p1 =	slt.u32 s17, $0x2;
	s18 =	simm.s32 @!p0 $0x0  }
0x17: {  	s21 =	simm.s32 @!p1 $0x2;
	s18 =	sshll.u32 s18, $0xD  }
0x18: {  	s31 =	sand.u32 $0x1, s17;
	_ =	swait.ge @!p1 [sflag:s21], $0x2000;
	s19 =	sshrl.u32 s18, $0x2  }
0x19: {  	s20 =	sadd.s32 $0xB400, s18;
	[sflag:s21] =	ssyncset.done @!p1 $0x0;
	s18 =	sshll.u32 s31, $0xD  }
0x1a: {  	s19 =	sor.u32 $0xA3D0, s19;
	[sflag:s21] =	ssyncadd.s32 @!p1 $0xFFFFE000;
	s21 =	simm.s32 $0xFFFFFFFE  }
.LBB2_3:
0x1b: {  	v1 =	vld [tilespmem:s19+$0xFFFFFFF0];
	_ =	sdelay $0x4  }
0x1c: {  	v1 =	vshll.u32 v1, $0x7  }
0x1d: {  	v1 =	vshra.s32 v1, $0x2  }
0x1e: {  	(v2sf) =	vpush v1, $0x0;
	_ =	sdelay $0x1  }
0x1f: {  	(v2sf) =	vpush v1, $0x1;
	_ =	sdelay $0x3  }
0x20: {  	(v2sf) =	vpush v1, $0x2;
	_ =	sdelay $0x5  }
0x21: {  	(v2sf) =	vpush v1, $0x3;
	_ =	sdelay $0x2  }
0x22: {  	s22 =	spop (v2sf)  }
0x23: {  	v2 =	vld [tilespmem:s22+$0x0]  }
0x24: {  	v3 =	vld [tilespmem:s22+$0x10];
	s26 =	spop (v2sf)  }
0x25: {  	v4 =	vld [tilespmem:s26+$0x20C0]  }
0x26: {  	v5 =	vld [tilespmem:s26+$0x20D0]  }
0x27: {  	(v2sf) =	vpush v1, $0x4;
	v12 =	vld [tilespmem:s26+$0x0]  }
0x28: {  	s23 =	spop (v2sf);
	v13 =	vld [tilespmem:s26+$0x10]  }
0x29: {  	v6 =	vld [tilespmem:s23+$0x4180]  }
0x2a: {  	v7 =	vld [tilespmem:s23+$0x4190]  }
0x2b: {  	v14 =	vld [tilespmem:s23+$0x20C0]  }
0x2c: {  	v15 =	vld [tilespmem:s23+$0x20D0]  }
0x2d: {  	v22 =	vld [tilespmem:s23+$0x0]  }
0x2e: {  	s24 =	spop (v2sf);
	v23 =	vld [tilespmem:s23+$0x10]  }
0x2f: {  	v8 =	vld [tilespmem:s24+$0x6240]  }
0x30: {  	v9 =	vld [tilespmem:s24+$0x6250]  }
0x31: {  	(v2sf) =	vpush v1, $0x5;
	v16 =	vld [tilespmem:s24+$0x4180]  }
0x32: {  	v17 =	vld [tilespmem:s24+$0x4190]  }
0x33: {  	v24 =	vld [tilespmem:s24+$0x20C0]  }
0x34: {  	v25 =	vld [tilespmem:s24+$0x20D0]  }
0x35: {  	v32 =	vld [tilespmem:s24+$0x0]  }
0x36: {  	s25 =	spop (v2sf);
	v33 =	vld [tilespmem:s24+$0x10]  }
0x37: {  	v10 =	vld [tilespmem:s25+$0x8300]  }
0x38: {  	v11 =	vld [tilespmem:s25+$0x8310]  }
0x39: {  	v18 =	vld [tilespmem:s25+$0x6240]  }
0x3a: {  	v19 =	vld [tilespmem:s25+$0x6250]  }
0x3b: {  	(v2sf) =	vpush v1, $0x6;
	v26 =	vld [tilespmem:s25+$0x4180]  }
0x3c: {  	v27 =	vld [tilespmem:s25+$0x4190]  }
0x3d: {  	v34 =	vld [tilespmem:s25+$0x20C0]  }
0x3e: {  	v35 =	vld [tilespmem:s25+$0x20D0]  }
0x3f: {  	v42 =	vld [tilespmem:s25+$0x0]  }
0x40: {  	v43 =	vld [tilespmem:s25+$0x10];
	s28 =	spop (v2sf)  }
0x41: {  	v20 =	vld [tilespmem:s28+$0x8300]  }
0x42: {  	v21 =	vld [tilespmem:s28+$0x8310]  }
0x43: {  	v28 =	vld [tilespmem:s28+$0x6240]  }
0x44: {  	(v2sf) =	vpush v1, $0x7;
	v30 =	vld [tilespmem:s28+$0x6250]  }
0x45: {  	v36 =	vld [tilespmem:s28+$0x4180]  }
0x46: {  	v37 =	vld [tilespmem:s28+$0x4190]  }
0x47: {  	v44 =	vld [tilespmem:s28+$0x20C0]  }
0x48: {  	v45 =	vld [tilespmem:s28+$0x20D0]  }
0x49: {  	v52 =	vld [tilespmem:s28+$0x0]  }
0x4a: {  	(v2sf) =	vpush v1, $0x8;
	v53 =	vld [tilespmem:s28+$0x10];
	s29 =	spop (v2sf)  }
0x4b: {  	v48 =	vld [tilespmem:s29+$0x8300]  }
0x4c: {  	v60 =	vld [tilespmem:s29+$0x8310]  }
0x4d: {  	v38 =	vld [tilespmem:s29+$0x6240]  }
0x4e: {  	v39 =	vld [tilespmem:s29+$0x6250]  }
0x4f: {  	v46 =	vld [tilespmem:s29+$0x4180]  }
0x50: {  	v47 =	vld [tilespmem:s29+$0x4190]  }
0x51: {  	v54 =	vld [tilespmem:s29+$0x20C0]  }
0x52: {  	v55 =	vld [tilespmem:s29+$0x20D0]  }
0x53: {  	s30 =	spop (v2sf);
	v63 =	vld [tilespmem:s29+$0x10]  }
0x54: {  	v40 =	vld [tilespmem:s30+$0x8300]  }
0x55: {  	v41 =	vld [tilespmem:s30+$0x8310]  }
0x56: {  	v59 =	vld [tilespmem:s30+$0x6240]  }
0x57: {  	v29 =	vld [tilespmem:s30+$0x6250]  }
0x58: {  	v56 =	vld [tilespmem:s30+$0x4180]  }
0x59: {  	v2 =	vadd.bf16 v4, v2;
	s26 =	spop (v2sf);
	v57 =	vld [tilespmem:s30+$0x4190]  }
0x5a: {  	v3 =	vadd.bf16 v5, v3;
	(v2sf) =	vpush v1, $0x9;
	v49 =	vld [tilespmem:s26+$0x8300]  }
0x5b: {  	v2 =	vadd.bf16 v6, v2;
	v6 =	vadd.bf16 v14, v12;
	v50 =	vld [tilespmem:s26+$0x8310]  }
0x5c: {  	v3 =	vadd.bf16 v7, v3;
	v58 =	vld [tilespmem:s26+$0x6240]  }
0x5d: {  	v2 =	vadd.bf16 v8, v2;
	v6 =	vadd.bf16 v16, v6;
	v61 =	vld [tilespmem:s26+$0x6250]  }
0x5e: {  	v35 =	vadd.bf16 v35, v33;
	v3 =	vadd.bf16 v9, v3;
	v31 =	vld [tilespmem:s26+$0x20D0]  }
0x5f: {  	v2 =	vadd.bf16 v10, v2;
	v6 =	vadd.bf16 v18, v6;
	v10 =	vld [tilespmem:s26+$0x0]  }
0x60: {  	v34 =	vadd.bf16 v34, v32;
	v3 =	vadd.bf16 v11, v3;
	v11 =	vld [tilespmem:s26+$0x10]  }
0x61: {  	v6 =	vadd.bf16 v20, v6;
	v20 =	vadd.bf16 v37, v35;
	[tilespmem:$0x1FEE0] =	vst v63;
	v63 =	vld [tilespmem:s30+$0x20D0]  }
0x62: {  	(v2sf) =	vpush v1, $0xA;
	v18 =	vadd.bf16 v36, v34;
	[tilespmem:$0x1FE90] =	vst v29;
	v29 =	vld [tilespmem:s26+$0x20C0]  }
0x63: {  	v44 =	vadd.bf16 v44, v42;
	v20 =	vadd.bf16 v39, v20;
	[tilespmem:$0x1FEA0] =	vst v49;
	v49 =	vld [tilespmem:s26+$0x4180]  }
0x64: {  	v18 =	vadd.bf16 v38, v18;
	[tilespmem:$0x1FEB0] =	vst v50;
	v50 =	vld [tilespmem:s30+$0x20C0]  }
0x65: {  	v41 =	vadd.bf16 v41, v20;
	v20 =	vadd.bf16 v46, v44;
	v44 =	vld [tilespmem:$0x1FEE0]  }
0x66: {  	v39 =	vld [tilespmem:$0x1FEA0]  }
0x67: {  	v52 =	vadd.bf16 v54, v52;
	v18 =	vadd.bf16 v40, v18;
	v40 =	vld [tilespmem:$0x1FEB0]  }
0x68: {  	v54 =	vadd.bf16 v55, v53;
	v55 =	vadd.bf16 v59, v20;
	v59 =	vld [tilespmem:$0x1FE90];
	[tilespmem:$0x1FEF0] =	vst v49  }
0x69: {  	v46 =	vld [tilespmem:$0x1FEF0];
	s31 =	spop (v2sf)  }
0x6a: {  	v51 =	vld [tilespmem:s31+$0x8300]  }
0x6b: {  	(v2sf) =	vpush v1, $0xB;
	v62 =	vld [tilespmem:s31+$0x8310]  }
0x6c: {  	v49 =	vld [tilespmem:s31+$0x6240]  }
0x6d: {  	v4 =	vld [tilespmem:s31+$0x4180]  }
0x6e: {  	v5 =	vld [tilespmem:s31+$0x4190]  }
0x6f: {  	v24 =	vadd.bf16 v24, v22;
	v14 =	vld [tilespmem:s31+$0x20C0]  }
0x70: {  	v7 =	vadd.bf16 v15, v13;
	v25 =	vadd.bf16 v25, v23;
	v16 =	vld [tilespmem:s31+$0x20D0]  }
0x71: {  	v15 =	vadd.bf16 v26, v24;
	v26 =	vld [tilespmem:s31+$0x0]  }
0x72: {  	v7 =	vadd.bf16 v17, v7;
	v17 =	vadd.bf16 v27, v25;
	s22 =	spop (v2sf);
	v27 =	vld [tilespmem:s31+$0x10]  }
0x73: {  	v12 =	vld [tilespmem:s22+$0x6240]  }
0x74: {  	v7 =	vadd.bf16 v19, v7;
	v13 =	vld [tilespmem:s22+$0x6250]  }
0x75: {  	v19 =	vld [tilespmem:s22+$0x4180]  }
0x76: {  	v7 =	vadd.bf16 v21, v7;
	v15 =	vadd.bf16 v28, v15;
	v21 =	vld [tilespmem:s22+$0x4190]  }
0x77: {  	v28 =	vld [tilespmem:s22+$0x20C0]  }
0x78: {  	v15 =	vadd.bf16 v48, v15;
	v48 =	vadd.bf16 v45, v43;
	v32 =	vld [tilespmem:s22+$0x20D0]  }
0x79: {  	v3 =	vmax.bf16 v3, v0;
	v7 =	vmax.bf16 v7, v0;
	v45 =	vld [tilespmem:s22+$0x0]  }
0x7a: {  	v3 =	vmax.bf16 v3, v7;
	v7 =	vadd.bf16 v47, v48;
	s28 =	spop (v2sf);
	v47 =	vld [tilespmem:s22+$0x10]  }
0x7b: {  	v8 =	vld [tilespmem:s28+$0x8300]  }
0x7c: {  	v9 =	vld [tilespmem:s28+$0x8310]  }
0x7d: {  	(v2sf) =	vpush v1, $0xC;
	v22 =	vld [tilespmem:s28+$0x6240]  }
0x7e: {  	v23 =	vld [tilespmem:s28+$0x6250]  }
0x7f: {  	v34 =	vld [tilespmem:s28+$0x4180]  }
0x80: {  	v17 =	vadd.bf16 v30, v17;
	v30 =	vld [tilespmem:s28+$0x4190]  }
0x81: {  	v48 =	vld [tilespmem:s28+$0x20C0]  }
0x82: {  	[tilespmem:$0x1FED0] =	vst v62;
	v62 =	vld [tilespmem:s29+$0x0]  }
0x83: {  	[tilespmem:$0x1FEC0] =	vst v51;
	v51 =	vld [tilespmem:s26+$0x4190]  }
0x84: {  	v2 =	vmax.bf16 v2, v0;
	v6 =	vmax.bf16 v6, v0;
	v17 =	vadd.bf16 v60, v17;
	[tilespmem:$0x1FF10] =	vst v49;
	v49 =	vld [tilespmem:s22+$0x8300]  }
0x85: {  	v2 =	vmax.bf16 v2, v6;
	v60 =	vadd.bf16 v57, v54;
	v6 =	vmax.bf16 v41, v0;
	v41 =	vld [tilespmem:$0x1FEC0]  }
0x86: {  	v17 =	vmax.bf16 v17, v0;
	v43 =	vld [tilespmem:$0x1FED0]  }
0x87: {  	v3 =	vmax.bf16 v3, v17;
	v17 =	vadd.bf16 v61, v60;
	v61 =	vadd.bf16 v28, v26;
	v26 =	vld [tilespmem:s28+$0x0]  }
0x88: {  	v15 =	vmax.bf16 v15, v0;
	[tilespmem:$0x1FF00] =	vst v51;
	v51 =	vld [tilespmem:s31+$0x6250]  }
0x89: {  	v2 =	vmax.bf16 v2, v15;
	v15 =	vadd.bf16 v39, v55;
	[tilespmem:$0x1FF30] =	vst v49;
	v49 =	vld [tilespmem:s30+$0x0]  }
0x8a: {  	v18 =	vmax.bf16 v18, v0;
	(v2sf) =	vpush v1, $0xD;
	v42 =	vadd.bf16 v50, v62;
	v50 =	vld [tilespmem:$0x1FF10]  }
0x8b: {  	v2 =	vmax.bf16 v2, v18;
	v15 =	vmax.bf16 v15, v0;
	(v2sf) =	vpush v1, $0xE;
	v54 =	vld [tilespmem:$0x1FF30]  }
0x8c: {  	s29 =	spop (v2sf);
	(v2sf) =	vpush v1, $0xF;
	v1 =	vmax.bf16 v2, v15;
	v2 =	vld [tilespmem:$0x1FF00]  }
0x8d: {  	[tilespmem:$0x1FF20] =	vst v51;
	v51 =	vld [tilespmem:s22+$0x8310]  }
0x8e: {  	v56 =	vadd.bf16 v56, v52;
	v24 =	vld [tilespmem:s29+$0x8300]  }
0x8f: {  	v7 =	vadd.bf16 v59, v7;
	v25 =	vld [tilespmem:s29+$0x8310]  }
0x90: {  	v20 =	vadd.bf16 v58, v56;
	v33 =	vld [tilespmem:s29+$0x6240]  }
0x91: {  	v7 =	vadd.bf16 v40, v7;
	v58 =	vadd.bf16 v14, v10;
	v35 =	vld [tilespmem:s29+$0x6250]  }
0x92: {  	v18 =	vadd.bf16 v41, v20;
	v29 =	vadd.bf16 v29, v49;
	v49 =	vld [tilespmem:s28+$0x20D0]  }
0x93: {  	v3 =	vmax.bf16 v3, v6;
	v6 =	vadd.bf16 v43, v17;
	v17 =	vadd.bf16 v63, v44;
	v53 =	vld [tilespmem:s29+$0x4190]  }
0x94: {  	v63 =	vadd.bf16 v32, v27;
	v20 =	vadd.bf16 v46, v42;
	v32 =	vld [tilespmem:s29+$0x20C0]  }
0x95: {  	v7 =	vmax.bf16 v7, v0;
	v60 =	vadd.bf16 v16, v11;
	v28 =	vadd.bf16 v34, v61;
	v52 =	vld [tilespmem:$0x1FF20]  }
0x96: {  	v3 =	vmax.bf16 v3, v7;
	v7 =	vadd.bf16 v50, v20;
	v4 =	vadd.bf16 v4, v29;
	v29 =	vld [tilespmem:s28+$0x10]  }
0x97: {  	v27 =	vadd.bf16 v21, v60;
	v43 =	vadd.bf16 v48, v45;
	[tilespmem:$0x1FF40] =	vst v51;
	v51 =	vld [tilespmem:s30+$0x10]  }
0x98: {  	v6 =	vmax.bf16 v6, v0;
	v7 =	vadd.bf16 v54, v7;
	v10 =	vadd.bf16 v33, v28;
	v33 =	vld [tilespmem:s29+$0x20D0]  }
0x99: {  	v18 =	vmax.bf16 v18, v0;
	v3 =	vmax.bf16 v3, v6;
	v6 =	vadd.bf16 v19, v58;
	s30 =	spop (v2sf);
	v56 =	vld [tilespmem:$0x1FF40]  }
0x9a: {  	v1 =	vmax.bf16 v1, v18;
	v2 =	vadd.bf16 v2, v17;
	v7 =	vmax.bf16 v7, v0;
	v36 =	vld [tilespmem:s30+$0x8300]  }
0x9b: {  	v4 =	vadd.bf16 v12, v4;
	v1 =	vmax.bf16 v1, v7;
	v7 =	vadd.bf16 v23, v27;
	v34 =	vld [tilespmem:s30+$0x4180]  }
0x9c: {  	v15 =	vadd.bf16 v49, v47;
	v37 =	vld [tilespmem:s30+$0x8310];
	v2 =	vadd.bf16 v52, v2  }
0x9d: {  	v16 =	vadd.bf16 v32, v26;
	v4 =	vadd.bf16 v8, v4;
	v41 =	vld [tilespmem:s30+$0x4190]  }
0x9e: {  	v55 =	vld [tilespmem:s30+$0x6240];
	v31 =	vadd.bf16 v31, v51;
	v2 =	vadd.bf16 v56, v2  }
0x9f: {  	v57 =	vld [tilespmem:s30+$0x6250];
	v11 =	vadd.bf16 v33, v29;
	v36 =	vadd.bf16 v36, v10  }
0xa0: {  	s31 =	spop (v2sf);
	v51 =	vld [tilespmem:s29+$0x4180];
	v47 =	vadd.bf16 v34, v16;
	v5 =	vadd.bf16 v5, v31;
	v2 =	vmax.bf16 v2, v0  }
0xa1: {  	v59 =	vld [tilespmem:s31+$0x8300];
	v31 =	vadd.bf16 v30, v63;
	v2 =	vmax.bf16 v3, v2;
	v3 =	vadd.bf16 v22, v6  }
0xa2: {  	v44 =	vld [tilespmem:s31+$0x6240];
	v4 =	vmax.bf16 v4, v0;
	v50 =	vadd.bf16 v41, v11;
	v5 =	vadd.bf16 v13, v5  }
0xa3: {  	v45 =	vld [tilespmem:s31+$0x6250];
	v1 =	vmax.bf16 v1, v4;
	v6 =	vadd.bf16 v35, v31;
	v3 =	vadd.bf16 v24, v3  }
0xa4: {  	v62 =	vld [tilespmem:s31+$0x8310];
	v35 =	vadd.bf16 v25, v7;
	s25 =	spop (v2sf);
	v7 =	vmax.bf16 v36, v0;
	v5 =	vadd.bf16 v9, v5  }
0xa5: {  	v46 =	vld [tilespmem:s25+$0x8300];
	v42 =	vadd.bf16 v37, v6;
	v6 =	vadd.bf16 v51, v43;
	v3 =	vmax.bf16 v3, v0  }
0xa6: {  	v48 =	vld [tilespmem:s25+$0x8310];
	v4 =	vmax.bf16 v35, v0;
	v1 =	vmax.bf16 v1, v3;
	v3 =	vadd.bf16 v53, v15  }
0xa7: {  	v51 =	vadd.bf16 v44, v47;
	v5 =	vmax.bf16 v5, v0;
	v49 =	vadd.bf16 v55, v6  }
0xa8: {  	v6 =	vadd.bf16 v45, v50;
	v2 =	vmax.bf16 v2, v5;
	v3 =	vadd.bf16 v57, v3  }
0xa9: {  	v5 =	vmax.bf16 v42, v0;
	v2 =	vmax.bf16 v2, v4;
	v4 =	vadd.bf16 v59, v49  }
0xaa: {  	v1 =	vmax.bf16 v1, v7;
	v52 =	vadd.bf16 v46, v51;
	v3 =	vadd.bf16 v62, v3  }
0xab: {  	v53 =	vadd.bf16 v48, v6;
	v2 =	vmax.bf16 v2, v5;
	v4 =	vmax.bf16 v4, v0  }
0xac: {  	v54 =	vmax.bf16 v52, v0;
	v1 =	vmax.bf16 v1, v4;
	v3 =	vmax.bf16 v3, v0  }
0xad: {  	v1 =	vmax.bf16 v1, v54;
	v2 =	vmax.bf16 v2, v3;
	v3 =	vmax.bf16 v53, v0  }
0xae: {  	v2 =	vmax.bf16 v2, v3;
	v3 =	vunpack.i.l.bf16.f32 v1  }
0xaf: {  	v1 =	vunpack.i.u.bf16.f32 v1;
	[tilespmem:s20+$0xFFFFFFC0] =	vst v3  }
0xb0: {  	v55 =	vunpack.i.l.bf16.f32 v2;
	[tilespmem:s20+$0xFFFFFFE0] =	vst v1  }
0xb1: {  	v2 =	vunpack.i.u.bf16.f32 v2;
	[tilespmem:s20+$0xFFFFFFD0] =	vst v55  }
0xb2: {  	[tilespmem:s20+$0xFFFFFFF0] =	vst v2  }
0xb3: {  	v1 =	vld [tilespmem:s19+$0x0];
	_ =	sdelay $0x4  }
0xb4: {  	v1 =	vshll.u32 v1, $0x7  }
0xb5: {  	v1 =	vshra.s32 v1, $0x2  }
0xb6: {  	(v2sf) =	vpush v1, $0x0;
	_ =	sdelay $0x1  }
0xb7: {  	(v2sf) =	vpush v1, $0x1;
	_ =	sdelay $0x3  }
0xb8: {  	(v2sf) =	vpush v1, $0x2;
	_ =	sdelay $0x5  }
0xb9: {  	(v2sf) =	vpush v1, $0x3;
	_ =	sdelay $0x2  }
0xba: {  	s26 =	spop (v2sf)  }
0xbb: {  	v2 =	vld [tilespmem:s26+$0x0]  }
0xbc: {  	v3 =	vld [tilespmem:s26+$0x10];
	s28 =	spop (v2sf)  }
0xbd: {  	v4 =	vld [tilespmem:s28+$0x20C0]  }
0xbe: {  	v5 =	vld [tilespmem:s28+$0x20D0]  }
0xbf: {  	(v2sf) =	vpush v1, $0x4;
	v12 =	vld [tilespmem:s28+$0x0]  }
0xc0: {  	s29 =	spop (v2sf);
	v13 =	vld [tilespmem:s28+$0x10]  }
0xc1: {  	v6 =	vld [tilespmem:s29+$0x4180]  }
0xc2: {  	v7 =	vld [tilespmem:s29+$0x4190]  }
0xc3: {  	v14 =	vld [tilespmem:s29+$0x20C0]  }
0xc4: {  	v15 =	vld [tilespmem:s29+$0x20D0]  }
0xc5: {  	v22 =	vld [tilespmem:s29+$0x0]  }
0xc6: {  	s30 =	spop (v2sf);
	v23 =	vld [tilespmem:s29+$0x10]  }
0xc7: {  	v8 =	vld [tilespmem:s30+$0x6240]  }
0xc8: {  	v9 =	vld [tilespmem:s30+$0x6250]  }
0xc9: {  	(v2sf) =	vpush v1, $0x5;
	v16 =	vld [tilespmem:s30+$0x4180]  }
0xca: {  	v17 =	vld [tilespmem:s30+$0x4190]  }
0xcb: {  	v24 =	vld [tilespmem:s30+$0x20C0]  }
0xcc: {  	v25 =	vld [tilespmem:s30+$0x20D0]  }
0xcd: {  	v32 =	vld [tilespmem:s30+$0x0]  }
0xce: {  	s31 =	spop (v2sf);
	v33 =	vld [tilespmem:s30+$0x10]  }
0xcf: {  	v10 =	vld [tilespmem:s31+$0x8300]  }
0xd0: {  	v11 =	vld [tilespmem:s31+$0x8310]  }
0xd1: {  	v18 =	vld [tilespmem:s31+$0x6240]  }
0xd2: {  	v19 =	vld [tilespmem:s31+$0x6250]  }
0xd3: {  	(v2sf) =	vpush v1, $0x6;
	v26 =	vld [tilespmem:s31+$0x4180]  }
0xd4: {  	v27 =	vld [tilespmem:s31+$0x4190]  }
0xd5: {  	v34 =	vld [tilespmem:s31+$0x20C0]  }
0xd6: {  	v35 =	vld [tilespmem:s31+$0x20D0]  }
0xd7: {  	v42 =	vld [tilespmem:s31+$0x0]  }
0xd8: {  	v43 =	vld [tilespmem:s31+$0x10];
	s26 =	spop (v2sf)  }
0xd9: {  	v20 =	vld [tilespmem:s26+$0x8300]  }
0xda: {  	v21 =	vld [tilespmem:s26+$0x8310]  }
0xdb: {  	v28 =	vld [tilespmem:s26+$0x6240]  }
0xdc: {  	v29 =	vld [tilespmem:s26+$0x6250]  }
0xdd: {  	(v2sf) =	vpush v1, $0x7;
	v36 =	vld [tilespmem:s26+$0x4180]  }
0xde: {  	v37 =	vld [tilespmem:s26+$0x4190]  }
0xdf: {  	v44 =	vld [tilespmem:s26+$0x20C0]  }
0xe0: {  	v45 =	vld [tilespmem:s26+$0x20D0]  }
0xe1: {  	v52 =	vld [tilespmem:s26+$0x0]  }
0xe2: {  	s28 =	spop (v2sf);
	(v2sf) =	vpush v1, $0x8;
	v53 =	vld [tilespmem:s26+$0x10]  }
0xe3: {  	v30 =	vld [tilespmem:s28+$0x8300]  }
0xe4: {  	v49 =	vld [tilespmem:s28+$0x8310]  }
0xe5: {  	v38 =	vld [tilespmem:s28+$0x6240]  }
0xe6: {  	v39 =	vld [tilespmem:s28+$0x6250]  }
0xe7: {  	v46 =	vld [tilespmem:s28+$0x4180]  }
0xe8: {  	v47 =	vld [tilespmem:s28+$0x4190]  }
0xe9: {  	v54 =	vld [tilespmem:s28+$0x20C0]  }
0xea: {  	v55 =	vld [tilespmem:s28+$0x20D0]  }
0xeb: {  	v62 =	vld [tilespmem:s28+$0x0]  }
0xec: {  	v61 =	vld [tilespmem:s28+$0x10];
	s29 =	spop (v2sf)  }
0xed: {  	v40 =	vld [tilespmem:s29+$0x8300]  }
0xee: {  	v41 =	vld [tilespmem:s29+$0x8310]  }
0xef: {  	v50 =	vld [tilespmem:s29+$0x6240]  }
0xf0: {  	v2 =	vadd.bf16 v4, v2;
	v56 =	vld [tilespmem:s29+$0x6250]  }
0xf1: {  	v3 =	vadd.bf16 v5, v3;
	[tilespmem:$0x1FF90] =	vst v61;
	s30 =	spop (v2sf);
	v61 =	vld [tilespmem:s29+$0x20D0]  }
0xf2: {  	v2 =	vadd.bf16 v6, v2;
	v57 =	vld [tilespmem:s30+$0x8300]  }
0xf3: {  	v3 =	vadd.bf16 v7, v3;
	v7 =	vadd.bf16 v15, v13;
	v58 =	vld [tilespmem:s30+$0x8310]  }
0xf4: {  	v6 =	vadd.bf16 v14, v12;
	(v2sf) =	vpush v1, $0x9;
	v63 =	vld [tilespmem:s30+$0x6250]  }
0xf5: {  	v34 =	vadd.bf16 v34, v32;
	v7 =	vadd.bf16 v17, v7;
	v48 =	vld [tilespmem:s30+$0x4180]  }
0xf6: {  	v6 =	vadd.bf16 v16, v6;
	v3 =	vadd.bf16 v9, v3;
	v51 =	vld [tilespmem:s30+$0x4190]  }
0xf7: {  	v7 =	vadd.bf16 v19, v7;
	v19 =	vadd.bf16 v36, v34;
	v31 =	vld [tilespmem:s30+$0x20C0]  }
0xf8: {  	v35 =	vadd.bf16 v35, v33;
	v6 =	vadd.bf16 v18, v6;
	v4 =	vld [tilespmem:s30+$0x20D0]  }
0xf9: {  	v3 =	vadd.bf16 v11, v3;
	v19 =	vadd.bf16 v38, v19;
	v11 =	vld [tilespmem:s30+$0x0]  }
0xfa: {  	v6 =	vadd.bf16 v20, v6;
	v15 =	vld [tilespmem:s30+$0x10]  }
0xfb: {  	v20 =	vadd.bf16 v37, v35;
	[tilespmem:$0x1FF50] =	vst v56;
	v56 =	vld [tilespmem:s29+$0x4180];
	v38 =	vadd.bf16 v40, v19  }
0xfc: {  	v40 =	vadd.bf16 v44, v42;
	v42 =	vadd.bf16 v54, v52;
	v52 =	vld [tilespmem:$0x1FF90]  }
0xfd: {  	[tilespmem:$0x1FF60] =	vst v57;
	v57 =	vld [tilespmem:s29+$0x4190]  }
0xfe: {  	v20 =	vadd.bf16 v39, v20;
	(v2sf) =	vpush v1, $0xA;
	[tilespmem:$0x1FF70] =	vst v58;
	v58 =	vld [tilespmem:s30+$0x6240]  }
0xff: {  	v25 =	vadd.bf16 v25, v23;
	v44 =	vld [tilespmem:$0x1FF50]  }
0x100: {  	v39 =	vadd.bf16 v41, v20;
	v41 =	vadd.bf16 v45, v43;
	v45 =	vld [tilespmem:$0x1FF60]  }
0x101: {  	v17 =	vadd.bf16 v27, v25;
	[tilespmem:$0x1FFA0] =	vst v48;
	v27 =	vadd.bf16 v46, v40;
	v46 =	vld [tilespmem:$0x1FF70]  }
0x102: {  	v43 =	vadd.bf16 v55, v53;
	[tilespmem:$0x1FFB0] =	vst v51;
	v53 =	vld [tilespmem:$0x1FFA0]  }
0x103: {  	v54 =	vld [tilespmem:$0x1FFB0];
	s31 =	spop (v2sf)  }
0x104: {  	v60 =	vld [tilespmem:s31+$0x8300]  }
0x105: {  	v59 =	vld [tilespmem:s31+$0x8310]  }
0x106: {  	v48 =	vld [tilespmem:s31+$0x6240]  }
0x107: {  	v51 =	vld [tilespmem:s31+$0x6250]  }
0x108: {  	v5 =	vld [tilespmem:s31+$0x4180]  }
0x109: {  	v24 =	vadd.bf16 v24, v22;
	v12 =	vld [tilespmem:s31+$0x4190]  }
0x10a: {  	v16 =	vld [tilespmem:s31+$0x20C0]  }
0x10b: {  	v14 =	vadd.bf16 v26, v24;
	v18 =	vld [tilespmem:s31+$0x20D0]  }
0x10c: {  	v20 =	vld [tilespmem:s31+$0x0]  }
0x10d: {  	v14 =	vadd.bf16 v28, v14;
	s22 =	spop (v2sf);
	v28 =	vld [tilespmem:s31+$0x10]  }
0x10e: {  	(v2sf) =	vpush v1, $0xB;
	v13 =	vld [tilespmem:s22+$0x6240]  }
0x10f: {  	v2 =	vadd.bf16 v8, v2;
	v8 =	vld [tilespmem:s22+$0x6250]  }
0x110: {  	v7 =	vadd.bf16 v21, v7;
	v21 =	vld [tilespmem:s22+$0x4180]  }
0x111: {  	v2 =	vadd.bf16 v10, v2;
	v22 =	vld [tilespmem:s22+$0x4190]  }
0x112: {  	v17 =	vadd.bf16 v29, v17;
	v29 =	vld [tilespmem:s22+$0x20C0]  }
0x113: {  	v2 =	vmax.bf16 v2, v0;
	v6 =	vmax.bf16 v6, v0;
	v32 =	vld [tilespmem:s22+$0x20D0]  }
0x114: {  	v2 =	vmax.bf16 v2, v6;
	v6 =	vmax.bf16 v38, v0;
	v38 =	vld [tilespmem:s22+$0x0]  }
0x115: {  	v19 =	vmax.bf16 v39, v0;
	v39 =	vld [tilespmem:s22+$0x10]  }
0x116: {  	[tilespmem:$0x1FF80] =	vst v59;
	v59 =	vld [tilespmem:s29+$0x20C0]  }
0x117: {  	[tilespmem:$0x1FFC0] =	vst v48;
	v48 =	vld [tilespmem:s22+$0x8300]  }
0x118: {  	v14 =	vadd.bf16 v30, v14;
	v27 =	vadd.bf16 v50, v27;
	[tilespmem:$0x1FFD0] =	vst v51;
	v51 =	vld [tilespmem:s22+$0x8310]  }
0x119: {  	v30 =	vadd.bf16 v56, v42;
	(v2sf) =	vpush v1, $0xC;
	v50 =	vld [tilespmem:$0x1FF80]  }
0x11a: {  	v56 =	vld [tilespmem:$0x1FFC0]  }
0x11b: {  	v30 =	vadd.bf16 v58, v30;
	v58 =	vld [tilespmem:$0x1FFD0]  }
0x11c: {  	[tilespmem:$0x1FFE0] =	vst v48;
	v48 =	vld [tilespmem:s29+$0x0]  }
0x11d: {  	[tilespmem:$0x1FFF0] =	vst v51;
	v51 =	vld [tilespmem:s29+$0x10];
	s24 =	spop (v2sf);
	(v2sf) =	vpush v1, $0xD  }
0x11e: {  	v30 =	vadd.bf16 v60, v30;
	v60 =	vld [tilespmem:$0x1FFE0]  }
0x11f: {  	v17 =	vadd.bf16 v49, v17;
	v49 =	vadd.bf16 v59, v62;
	v62 =	vld [tilespmem:$0x1FFF0]  }
0x120: {  	v9 =	vld [tilespmem:s24+$0x8300]  }
0x121: {  	v3 =	vmax.bf16 v3, v0;
	v7 =	vmax.bf16 v7, v0;
	v10 =	vld [tilespmem:s24+$0x8310]  }
0x122: {  	v3 =	vmax.bf16 v3, v7;
	v17 =	vmax.bf16 v17, v0;
	v23 =	vld [tilespmem:s24+$0x6240]  }
0x123: {  	v3 =	vmax.bf16 v3, v17;
	v7 =	vadd.bf16 v47, v41;
	v24 =	vld [tilespmem:s24+$0x6250]  }
0x124: {  	v14 =	vmax.bf16 v14, v0;
	v3 =	vmax.bf16 v3, v19;
	v19 =	vadd.bf16 v61, v52;
	v33 =	vld [tilespmem:s24+$0x4180]  }
0x125: {  	v2 =	vmax.bf16 v2, v14;
	v7 =	vadd.bf16 v44, v7;
	v27 =	vadd.bf16 v45, v27;
	v34 =	vld [tilespmem:s24+$0x4190]  }
0x126: {  	v2 =	vmax.bf16 v2, v6;
	v14 =	vadd.bf16 v57, v43;
	v55 =	vld [tilespmem:s24+$0x20D0]  }
0x127: {  	v19 =	vadd.bf16 v54, v19;
	v6 =	vadd.bf16 v46, v7;
	v27 =	vmax.bf16 v27, v0;
	v44 =	vld [tilespmem:s24+$0x0]  }
0x128: {  	v2 =	vmax.bf16 v2, v27;
	v30 =	vmax.bf16 v30, v0;
	s28 =	spop (v2sf);
	(v2sf) =	vpush v1, $0xE;
	v45 =	vld [tilespmem:s24+$0x10]  }
0x129: {  	v47 =	vadd.bf16 v63, v14;
	v2 =	vmax.bf16 v2, v30;
	v30 =	vadd.bf16 v16, v11;
	v25 =	vld [tilespmem:s28+$0x8300]  }
0x12a: {  	v40 =	vadd.bf16 v29, v20;
	v43 =	vadd.bf16 v32, v28;
	v26 =	vld [tilespmem:s28+$0x8310]  }
0x12b: {  	v42 =	vadd.bf16 v21, v30;
	v36 =	vadd.bf16 v53, v49;
	v17 =	vld [tilespmem:s28+$0x6240]  }
0x12c: {  	v6 =	vmax.bf16 v6, v0;
	v7 =	vadd.bf16 v50, v47;
	v35 =	vld [tilespmem:s28+$0x6250];
	s29 =	spop (v2sf);
	(v2sf) =	vpush v1, $0xF  }
0x12d: {  	v3 =	vmax.bf16 v3, v6;
	v19 =	vadd.bf16 v58, v19;
	v6 =	vadd.bf16 v56, v36;
	v57 =	vld [tilespmem:s28+$0x4180]  }
0x12e: {  	v31 =	vadd.bf16 v31, v48;
	v4 =	vadd.bf16 v4, v51;
	v59 =	vld [tilespmem:s28+$0x4190]  }
0x12f: {  	v36 =	vadd.bf16 v18, v15;
	v6 =	vadd.bf16 v60, v6;
	v46 =	vld [tilespmem:s28+$0x20C0]  }
0x130: {  	v47 =	vld [tilespmem:s28+$0x20D0];
	v5 =	vadd.bf16 v5, v31;
	v4 =	vadd.bf16 v12, v4  }
0x131: {  	v7 =	vmax.bf16 v7, v0;
	v19 =	vadd.bf16 v62, v19;
	v11 =	vadd.bf16 v22, v36;
	v1 =	vld [tilespmem:s24+$0x20C0]  }
0x132: {  	v6 =	vmax.bf16 v6, v0;
	v5 =	vadd.bf16 v13, v5;
	v4 =	vadd.bf16 v8, v4;
	v14 =	vld [tilespmem:s29+$0x8300]  }
0x133: {  	v2 =	vmax.bf16 v2, v6;
	v15 =	vadd.bf16 v33, v40;
	v6 =	vadd.bf16 v23, v42;
	v37 =	vld [tilespmem:s29+$0x8310]  }
0x134: {  	v3 =	vmax.bf16 v3, v7;
	v7 =	vadd.bf16 v34, v43;
	v11 =	vadd.bf16 v24, v11;
	v61 =	vld [tilespmem:s29+$0x6240]  }
0x135: {  	v54 =	vadd.bf16 v55, v39;
	v5 =	vadd.bf16 v9, v5;
	v63 =	vld [tilespmem:s29+$0x6250]  }
0x136: {  	v4 =	vadd.bf16 v10, v4;
	v18 =	vadd.bf16 v46, v44;
	v50 =	vld [tilespmem:s29+$0x4180]  }
0x137: {  	v56 =	vadd.bf16 v47, v45;
	v15 =	vadd.bf16 v17, v15;
	s30 =	spop (v2sf);
	v51 =	vld [tilespmem:s29+$0x4190]  }
0x138: {  	v19 =	vmax.bf16 v19, v0;
	v48 =	vadd.bf16 v25, v6;
	v49 =	vadd.bf16 v35, v7;
	v31 =	vld [tilespmem:s30+$0x8300]  }
0x139: {  	v3 =	vmax.bf16 v3, v19;
	v11 =	vadd.bf16 v26, v11;
	v13 =	vadd.bf16 v59, v54;
	v41 =	vld [tilespmem:s30+$0x8310]  }
0x13a: {  	v5 =	vmax.bf16 v5, v0;
	v4 =	vmax.bf16 v4, v0;
	v53 =	vld [tilespmem:s30+$0x6240];
	v1 =	vadd.bf16 v1, v38  }
0x13b: {  	v2 =	vmax.bf16 v2, v5;
	v3 =	vmax.bf16 v3, v4;
	v5 =	vmax.bf16 v48, v0;
	v55 =	vld [tilespmem:s30+$0x6250];
	s31 =	spop (v2sf)  }
0x13c: {  	v11 =	vmax.bf16 v11, v0;
	v14 =	vadd.bf16 v14, v15;
	v1 =	vadd.bf16 v57, v1;
	v57 =	vld [tilespmem:s31+$0x8300]  }
0x13d: {  	v2 =	vmax.bf16 v2, v5;
	v52 =	vadd.bf16 v37, v49;
	v7 =	vadd.bf16 v50, v18;
	v58 =	vld [tilespmem:s31+$0x8310]  }
0x13e: {  	v3 =	vmax.bf16 v3, v11;
	v5 =	vadd.bf16 v51, v56;
	v1 =	vadd.bf16 v61, v1  }
0x13f: {  	v59 =	vadd.bf16 v63, v13;
	v6 =	vadd.bf16 v53, v7;
	v60 =	vmax.bf16 v14, v0  }
0x140: {  	v5 =	vadd.bf16 v55, v5;
	v4 =	vmax.bf16 v52, v0;
	v1 =	vadd.bf16 v31, v1  }
0x141: {  	v2 =	vmax.bf16 v2, v60;
	v61 =	vadd.bf16 v41, v59;
	v6 =	vadd.bf16 v57, v6  }
0x142: {  	v3 =	vmax.bf16 v3, v4;
	v1 =	vmax.bf16 v1, v0;
	v62 =	vadd.bf16 v58, v5  }
0x143: {  	s21 =	sadd.s32 $0x2, s21;
	v63 =	vmax.bf16 v61, v0;
	v1 =	vmax.bf16 v2, v1;
	v2 =	vmax.bf16 v6, v0  }
0x144: {  	p1 =	slt.u32 s21, $0x7E;
	v3 =	vmax.bf16 v3, v63;
	v4 =	vmax.bf16 v62, v0;
	v1 =	vmax.bf16 v1, v2  }
.Ltmp0:
0x145: {  	v2 =	vmax.bf16 v3, v4;
	v3 =	vunpack.i.l.bf16.f32 v1;
	(pc) =	sbr.rel @p1 .LBB2_3-.Ltmp0, $4  }
0x146: {  	v4 =	vunpack.i.l.bf16.f32 v2;
	[tilespmem:s20+$0x0] =	vst v3  }
0x147: {  	v1 =	vunpack.i.u.bf16.f32 v1;
	[tilespmem:s20+$0x10] =	vst v4  }
0x148: {  	v2 =	vunpack.i.u.bf16.f32 v2;
	[tilespmem:s20+$0x20] =	vst v1  }
0x149: {  	s19 =	sadd.s32 $0x20, s19;
	[tilespmem:s20+$0x30] =	vst v2;
	s20 =	sadd.s32 $0x80, s20  }
0x14a: {  	s19 =	sshll.u32 s17, $0xD  }
0x14b: {  	s19 =	sadd.s32 s8, s19  }
0x14c: {  	p1 =	seq.s32 s17, $0x31;
	s19 =	sshrl.u32 s19, $0x3  }
0x14d: {  	s20 =	sadd.s32 $0xB3C0, s18;
	p2 =	sgt.u32 @!p1 s17, $0x2F;
	s19 =	sadd.s32 s6, s19  }
0x14e: {  	[hbm4b:s19+s2] =	stream.linear.scatter [tilespmem:s20], [sflag:$0x2], $0x2000, $0x38;
	[tilespmem:$0xF3C0] =	vst v63  }
0x14f: {  	p2 =	por p2, p1;
	s19 =	simm.s32 @!p1 $0x1  }
0x150: {  	s20 =	sshll.u32 @!p2 s17, $0xB;
	_ =	swait.ge @!p1 [sflag:s19], $0x800  }
0x151: {  	s18 =	sshrl.u32 @!p2 s18, $0x2;
	s20 =	sadd.s32 @!p2 s20, s9;
	[sflag:s19] =	ssyncset.done @!p1 $0x0  }
0x152: {  	s17 =	sadd.s32 $0x1, s17;
	[sflag:s19] =	ssyncadd.s32 @!p1 $0xFFFFF800;
	s19 =	sshrl.u32 @!p2 s20, $0x3  }
0x153: {  	s18 =	sadd.s32 @!p2 $0xA3C0, s18;
	s20 =	simm.s32 @!p2 $0x0;
	s19 =	sadd.s32 @!p2 s3, s19  }
0x154: {  	[tilespmem:s18], [sflag:$0x1] =	stream.linear.gather @!p2 [hbm4b:s19+s20], $0x800, $0x38;
	[tilespmem:$0xF3C0] =	vst v63  }
0x155: {  	p2 =	sne.s32 @!p1 s17, $0x32  }
0x156: {  	p2 =	por p1, !p2  }
.Ltmp1:
0x157: {  	_ = 	snop;
	(pc) =	sbr.rel @!p2 .LBB2_2-.Ltmp1, $2  }
0x158: {  	_ =	sdelay $0x2  }
0x159: {  	p0 =	por @!p1 !p0, !p0  }
0x15a: {  	s16 =	sadd.s32 $0x1, s16  }
0x15b: {  	_ =	swait.ge [sflag:s15], $0x2000;
	p0 =	sne.s32 s16, s10  }
.Ltmp2:
0x15c: {  	[sflag:s15] =	ssyncset.done $0x0;
	(pc) =	sbr.rel @p0 .LBB2_1-.Ltmp2, $4  }
0x15d: {  	[sflag:s15] =	ssyncadd.s32 $0xFFFFE000  }
0x15e: {  	_ =	swait.ge [sflag:s15], $0x2000  }
0x15f: {  	[sflag:s15] =	ssyncset.done $0x0  }
0x160: {  	[sflag:s15] =	ssyncadd.s32 $0xFFFFE000  }
0x161: {  	_ =	sfence.sel $0x180000  }
0x162: {  	[bflag:$0x0] =	sbarrier.arrive $0xFFFF  }
0x163: {  	p0 =	sne.s32 s1, $0x0;
	_ =	strace $0x90000047  }
0x164: {  	s0 =	sadd.s32 @!p0 $0x100000, s0;
	[bflag:$0x2] =	sbarrier.arrive $0xFFFF  }
0x165: {  	[sflag:s0] =	ssyncadd.tile.s32 @!p0 $0x1;
	_ =	shalt  }
.Lfunc_end2:
_tile_overlayer_lowered:
.L_overlay_start_2:
0x166: {  	(tag) =	ssettag $0x2  }
0x167: {  	s0 =	rddreg [dreg:$0x0];
	s2 =	stileid.u32  }
0x168: {  	s1 =	rddreg [dreg:$0x1];
	p0 =	sne.s32 s2, $0x0  }
0x169: {  	s3 =	rddreg [dreg:$0x2];
	[bflag:$0x3] =	sbarrier.arrive $0xFFFF;
	s2 =	simm.s32 @!p0 $0x1C03  }
0x16a: {  	[timem:s3], [sflag:s2] =	dma.local @!p0 [hbm:s0], s1  }
0x16b: {  	s0 =	simm.s32 @!p0 $0x3  }
0x16c: {  	_ =	swait.ge @!p0 [sflag:s0], s1  }
0x16d: {  	s1 =	ssub.s32 @!p0 $0x0, s1;
	[sflag:s0] =	ssyncset.done @!p0 $0x0  }
0x16e: {  	[sflag:s0] =	ssyncadd.s32 @!p0 s1  }
0x16f: {  	[bflag:$0x3] =	sbarrier.arrive $0xFFFF  }
0x170: {  	_ =	shalt  }

// kernel: kernel.9.cloned.1.call-start
scs
__scs_entry_jumppad:
0x0: {  	(pc) =	sbr.rel $0x88, $3  }
0x1: {  	(tag) =	ssettag $0x0;
	lr =	simm.s32 $0x1  }
0x2: {  	[smem:$0x3F9A] =	sst lr;
	_ =	strace $0xD0000000  }
0x3: {  	_ = 	snop  }
0x4: {  	_ = 	snop  }
0x5: {  	_ = 	snop  }
0x6: {  	_ = 	snop  }
0x7: {  	_ = 	snop  }
__scs_overlays_trampoline_lowered:
0x8: {  	[smem:$0x3FA9] =	sst s0  }
0x9: {  	[smem:$0x3FAA] =	sst s1  }
0xa: {  	[smem:$0x3FAB] =	sst s2  }
0xb: {  	[smem:$0x3FAC] =	sst s3  }
0xc: {  	[smem:$0x3FAD] =	sst s4  }
0xd: {  	[smem:$0x3FAE] =	sst s5  }
0xe: {  	[smem:$0x3FAF] =	sst s6  }
0xf: {  	[smem:$0x3FB0] =	sst s7  }
0x10: {  	[smem:$0x3FB1] =	sst s8  }
0x11: {  	[smem:$0x3FB2] =	sst s9;
	s0 =	simm.s32 @!p0 $0x0  }
0x12: {  	s1 =	sld [smem:$0x3F98];
	s0 =	simm.s32 @p0 $0x1  }
0x13: {  	[smem:$0x3FB3] =	sst s0;
	s0 =	simm.s32 @!p1 $0x0  }
0x14: {  	s2 =	sld [smem:$0x3F97];
	s0 =	simm.s32 @p1 $0x1  }
0x15: {  	[smem:$0x3FB4] =	sst s0;
	s0 =	simm.s32 @!p2 $0x0  }
0x16: {  	s3 =	sld [smem:$0x3FDB];
	s0 =	simm.s32 @p2 $0x1  }
0x17: {  	s4 =	simm.s32 $0x1BF5;
	[smem:$0x3FB6] =	sst s0  }
0x18: {  	s0 =	sld [smem:$0x3F99];
	_ =	swait.ge [sflag:s4], $0x0  }
0x19: {  	s7 =	sld [smem:$0x3F9A]  }
0x1a: {  	s8 =	sadd.s32 $0xFFFFE003, lr  }
0x1b: {  	s9 =	sadd.s32 $0xFFFFFEF7, lr;
	s5 =	simm.s32 $0xFFFFFFFF;
	p2 =	slt.u32 s8, $0xFFFFF086  }
0x1c: {  	p1 =	slt.u32 s9, $0xF7A;
	s5 =	simm.s32 @!p2 $0x0  }
0x1d: {  	s5 =	simm.s32 @p1 $0x1;
	p0 =	seq.s32 s7, s2  }
0x1e: {  	s7 =	smul.u32 @!p0 $0xF7A, s2;
	p2 =	seq.s32 @!p0 s5, $0x0  }
0x1f: {  	s9 =	smul.u32 $0xF7A, s1;
	s8 =	simm.s32 @!p0 $0x1BF5;
	p2 =	por !p2, p0  }
0x20: {  	[sflag:s8] =	ssyncset.s32 @!p0 $0xFFFFF086;
	s6 =	sadd.s32 @!p0 s3, s7;
	s7 =	simm.s32 @!p0 $0x108  }
0x21: {  	s3 =	sadd.s32 s3, s9;
	s6 =	sadd.s32 @!p0 $0x88, s6;
	s7 =	simm.s32 @p2 $0x1082  }
0x22: {  	[simem:s7], [sflag:s8] =	dma.local @!p0 [hbm:s6], $0xF7A  }
0x23: {  	s9 =	sor.u32 $0xD0000000, s2;
	s6 =	simm.s32 $0x108;
	_ =	swait.ge @!p0 [sflag:s8], $0x0  }
0x24: {  	s3 =	sadd.s32 $0x88, s3;
	s6 =	simm.s32 @!p1 $0x1082;
	[sflag:s4] =	ssyncset.s32 $0xFFFFF086  }
0x25: {  	[simem:s6], [sflag:s4] =	dma.local [hbm:s3], $0xF7A  }
0x26: {  	[smem:$0x3F9A] =	sst s1;
	(tag) =	ssettag s2;
	_ =	strace s9  }
0x27: {  	s1 =	sld [smem:$0x3FAA]  }
0x28: {  	s2 =	sld [smem:$0x3FAB]  }
0x29: {  	s4 =	sld [smem:$0x3FAD]  }
0x2a: {  	p0 =	seq.s32 s5, $0x0;
	s5 =	sld [smem:$0x3FAE]  }
0x2b: {  	s6 =	sld [smem:$0x3FAF]  }
0x2c: {  	s7 =	sld [smem:$0x3FB0]  }
0x2d: {  	s3 =	simm.s32 $0x108;
	s8 =	sld [smem:$0x3FB1]  }
0x2e: {  	s3 =	simm.s32 @!p0 $0x1082;
	s9 =	sld [smem:$0x3FB2]  }
0x2f: {  	lr =	sadd.s32 s0, s3;
	s0 =	sld [smem:$0x3FA9]  }
0x30: {  	s3 =	sld [smem:$0x3FAC]  }
0x31: {  	[smem:$0x3FB5] =	sst s10  }
0x32: {  	s10 =	sld [smem:$0x3FB3];
	_ =	sdelay $0x3  }
0x33: {  	p0 =	seq.s32 s10, $0x1;
	s10 =	sld [smem:$0x3FB5];
	_ =	sdelay $0x3  }
0x34: {  	[smem:$0x3FB5] =	sst s10  }
0x35: {  	s10 =	sld [smem:$0x3FB4];
	_ =	sdelay $0x3  }
0x36: {  	p1 =	seq.s32 s10, $0x1;
	s10 =	sld [smem:$0x3FB5];
	_ =	sdelay $0x3  }
0x37: {  	[smem:$0x3FB5] =	sst s10  }
0x38: {  	s10 =	sld [smem:$0x3FB6]  }
0x39: {  	_ = 	snop;
	(pc) =	sbr.ind lr, $3  }
0x3a: {  	_ = 	snop  }
0x3b: {  	_ = 	snop  }
0x3c: {  	p2 =	seq.s32 s10, $0x1;
	s10 =	sld [smem:$0x3FB5]  }
0x3d: {  	_ =	shalt  }
0x3e: {  	_ =	shalt  }
0x3f: {  	_ =	shalt  }
0x40: {  	_ =	shalt  }
0x41: {  	_ =	shalt  }
0x42: {  	_ =	shalt  }
0x43: {  	_ =	shalt  }
0x44: {  	_ =	shalt  }
0x45: {  	_ =	shalt  }
0x46: {  	_ =	shalt  }
0x47: {  	_ =	shalt  }
0x48: {  	_ =	shalt  }
0x49: {  	_ =	shalt  }
0x4a: {  	_ =	shalt  }
0x4b: {  	_ =	shalt  }
0x4c: {  	_ =	shalt  }
0x4d: {  	_ =	shalt  }
0x4e: {  	_ =	shalt  }
0x4f: {  	_ =	shalt  }
0x50: {  	_ =	shalt  }
0x51: {  	_ =	shalt  }
0x52: {  	_ =	shalt  }
0x53: {  	_ =	shalt  }
0x54: {  	_ =	shalt  }
0x55: {  	_ =	shalt  }
0x56: {  	_ =	shalt  }
0x57: {  	_ =	shalt  }
0x58: {  	_ =	shalt  }
0x59: {  	_ =	shalt  }
0x5a: {  	_ =	shalt  }
0x5b: {  	_ =	shalt  }
0x5c: {  	_ =	shalt  }
0x5d: {  	_ =	shalt  }
0x5e: {  	_ =	shalt  }
0x5f: {  	_ =	shalt  }
0x60: {  	_ =	shalt  }
0x61: {  	_ =	shalt  }
0x62: {  	_ =	shalt  }
0x63: {  	_ =	shalt  }
0x64: {  	_ =	shalt  }
0x65: {  	_ =	shalt  }
0x66: {  	_ =	shalt  }
0x67: {  	_ =	shalt  }
0x68: {  	_ =	shalt  }
0x69: {  	_ =	shalt  }
0x6a: {  	_ =	shalt  }
0x6b: {  	_ =	shalt  }
0x6c: {  	_ =	shalt  }
0x6d: {  	_ =	shalt  }
0x6e: {  	_ =	shalt  }
0x6f: {  	_ =	shalt  }
0x70: {  	_ =	shalt  }
0x71: {  	_ =	shalt  }
0x72: {  	_ =	shalt  }
0x73: {  	_ =	shalt  }
0x74: {  	_ =	shalt  }
0x75: {  	_ =	shalt  }
0x76: {  	_ =	shalt  }
0x77: {  	_ =	shalt  }
0x78: {  	_ =	shalt  }
0x79: {  	_ =	shalt  }
0x7a: {  	_ =	shalt  }
0x7b: {  	_ =	shalt  }
0x7c: {  	_ =	shalt  }
0x7d: {  	_ =	shalt  }
0x7e: {  	_ =	shalt  }
0x7f: {  	_ =	shalt  }
0x80: {  	_ =	shalt  }
0x81: {  	_ =	shalt  }
0x82: {  	_ =	shalt  }
0x83: {  	_ =	shalt  }
0x84: {  	_ =	shalt  }
0x85: {  	_ =	shalt  }
0x86: {  	_ =	shalt  }
0x87: {  	_ =	shalt  }
.Lfunc_end0:
.L_simem_size_0:
called_computation.1_lowered:
.L_overlay_start_0:
0x88: {  	s2 =	sld [smem:$0x3FD9]  }
0x89: {  	s3 =	sld [smem:$0x3FFE];
	_ =	sdelay $0x1  }
0x8a: {  	s1 =	srdreg.scid  }
0x8b: {  	s0 =	sand.u32 $0x1, s1  }
0x8c: {  	s17 =	sshll.u32 s0, $0xA;
	s2 =	sadd.s32 s3, s2  }
0x8d: {  	s2 =	sadd.s32 s2, s17  }
0x8e: {  	[smem:$0x3FC1] =	sst s2  }
0x8f: {  	_ = 	snop  }
0x90: {  	s2 =	sld [smem:$0x3FD0];
	(tm) =	ssettm $0x1  }
0x91: {  	s18 =	sld [smem:$0x3FFB];
	_ =	sdelay $0x3  }
0x92: {  	_ =	strace s18  }
0x93: {  	s3 =	sld [smem:$0x3FFC];
	_ =	sdelay $0x3  }
0x94: {  	_ =	strace s3  }
0x95: {  	s3 =	sld [smem:$0x3FFD];
	_ =	sdelay $0x3  }
0x96: {  	_ =	strace s3  }
0x97: {  	_ =	strace $0x8FFFFFFF  }
0x98: {  	s19 =	sld [smem:$0x3FDB];
	_ =	sdelay $0x1  }
0x99: {  	s4 =	simm.s32 $_scs_section_size  }
0x9a: {  	s5 =	simm.s32 $_size__tile_overlayer_lowered;
	s6 =	simm.s32 $_tile_overlayer_lowered  }
0x9b: {  	s22 =	simm.s32 $0x1BFF;
	s21 =	sshll.u32 s6, $0x1;
	s3 =	sadd.s32 s4, s19  }
0x9c: {  	s7 =	simm.s32 $0x0;
	s20 =	sshll.u32 s5, $0x1;
	s5 =	sadd.s32 s21, s3  }
0x9d: {  	[timem:s7], [sflag:s22] =	dma.local [hbm:s5], s20  }
0x9e: {  	_ =	swait.ge [sflag:s22], s20  }
0x9f: {  	s4 =	ssub.s32 $0x0, s20;
	[sflag:s22] =	ssyncset.done $0x0  }
0xa0: {  	[sflag:s22] =	ssyncadd.s32 s4;
	_ =	sdelay $0x1  }
0xa1: {  	s23 =	simm.s32 $0x1B8B  }
0xa2: {  	_ =	swait.ge [sflag:s23], $0x1  }
0xa3: {  	[sflag:s23] =	ssyncset.done $0x0  }
0xa4: {  	s25 =	simm.s32 $0x1B8E;
	s24 =	sld [smem:$0x3FFE];
	[sflag:s23] =	ssyncadd.s32 $0xFFFFFFFF  }
0xa5: {  	s26 =	simm.s32 $execute0_lowered;
	[smem:$0x3FD2] =	sst s25  }
0xa6: {  	s5 =	sshll.u32 s26, $0x1;
	_ =	strace $0x80000049;
	[dreg:$0x1] =	wrdreg $0xFFFFFFFF  }
0xa7: {  	s28 =	simm.s32 $_size_execute0_lowered;
	s3 =	sadd.s32 s3, s5;
	[dreg:$0x0] =	wrdreg $0x0  }
0xa8: {  	s5 =	sshll.u32 s28, $0x1;
	[dreg:$0x2] =	wrdreg s3  }
0xa9: {  	[dreg:$0x3] =	wrdreg s5  }
0xaa: {  	[dreg:$0x4] =	wrdreg $0xC0  }
0xab: {  	_ =	task [dreg:s7], $0x5FFFF  }
0xac: {  	[dreg:$0x1] =	wrdreg $0xFFFFFFFF  }
0xad: {  	[dreg:$0x0] =	wrdreg $0x60  }
0xae: {  	[dreg:$0x2] =	wrdreg s24  }
0xaf: {  	[dreg:$0x3] =	wrdreg s2  }
0xb0: {  	[dreg:$0x4] =	wrdreg $0x9  }
0xb1: {  	_ =	task.clear_ibuf [dreg:s7], $0x5FFFF;
	_ =	strace $0x90000049  }
0xb2: {  	s29 =	simm.s32 $0x9;
	_ =	strace $0x8000004B  }
0xb3: {  	_ =	swait.ge [sflag:s29], $0x1  }
0xb4: {  	[sflag:s29] =	ssyncadd.s32 $0xFFFFFFFF  }
0xb5: {  	_ =	strace $0x9000004B  }
0xb6: {  	_ =	sfence  }
0xb7: {  	s30 =	sld [smem:$0x0];
	_ =	sdelay $0x2  }
0xb8: {  	s31 =	sshll.u32 s1, $0xD;
	s1 =	sshrl.u32 s1, $0x2  }
0xb9: {  	s3 =	sand.u32 $0x4000, s31;
	s1 =	sadd.s32 s1, s30  }
0xba: {  	s0 =	sor.u32 s3, s0;
	s1 =	sshll.u32 s1, $0x11  }
0xbb: {  	s0 =	sor.u32 s1, s0  }
0xbc: {  	s0 =	sadd.s32 $0x8F2B, s0  }
0xbd: {  	[sflag:s0] =	ssyncadd.remote.s32 $0x1  }
0xbe: {  	_ =	sfence.sel $0xFFFF  }
0xbf: {  	[dreg:$0x0] =	wrdreg $0xFFFFFFFF;
	(pc) =	sbr.abs _section_cstart, $3  }
0xc0: {  	[dreg:$0x1] =	wrdreg $0xFFFFFFFF  }
0xc1: {  	_ =	task.clear_ibuf [dreg:s7], $0x2FFFF;
	_ =	strace $0x9FFFFFFF  }
0xc2: {  	(tm) =	ssettm $0x7FFFFFFF  }
0xc3: {  	_ =	shalt  }
tec
execute0_lowered:
.L_overlay_start_1:
0x0: {  	(tag) =	ssettag $0x1  }
0x1: {  	s4 =	rddreg [dreg:$0x0]  }
0x2: {  	s9 =	rddreg [dreg:$0x1]  }
0x3: {  	s2 =	simm.s32 $0x0;
	s3 =	srdreg.scid;
	s0 =	stileid.u32  }
0x4: {  	[smem:$0x7FF] =	sst s2;
	s10 =	sand.u32 $0x1, s3;
	s16 =	smul.u32 $0x3200, s0  }
0x5: {  	s21 =	sshll.u32 s0, $0x1;
	s14 =	sadd.s32 $0x2B9A00, s4;
	s19 =	smul.u32 $0x190000, s0  }
0x6: {  	s3 =	sadd.s32 $0x1F6400, s4;
	s13 =	sadd.s32 $0x66400, s4;
	s25 =	smul.u32 $0x1900, s10  }
0x7: {  	s17 =	sadd.s32 $0x8, s9;
	s6 =	sor.u32 s10, s21;
	s20 =	smul.u32 $0xC8000, s10  }
0x8: {  	_ =	strace $0x8000004A;
	s5 =	ssub.s32 $0x2, s10;
	s11 =	smul.u32 $0x1900, s6  }
0x9: {  	s21 =	simm.s32 $0x40;
	s7 =	sshrl.u32 s5, $0x1;
	s8 =	smul.u32 $0xC800, s6  }
0xa: {  	s15 =	smul.u32 $0xC8000, s6;
	s12 =	ssub.s32 s5, s7;
	s28 =	sadd.s32 s20, s19  }
0xb: {  	s20 =	simm.s32 $0x2;
	s22 =	sshrl.u32 s11, $0x3;
	s5 =	sadd.s32 s13, s8  }
0xc: {  	s23 =	sor.u32 $0x80, s11;
	s8 =	smax.u32 s12, $0x1;
	s15 =	sshrl.u32 s15, $0x3  }
0xd: {  	s18 =	sadd.s32 $0x100, s11;
	s12 =	sadd.s32 s25, s16;
	s25 =	simm.s32 $0x0  }
0xe: {  	s4 =	sadd.s32 s14, s22;
	s24 =	sshrl.u32 s23, $0x3;
	s7 =	sshll.u32 s23, $0x3  }
0xf: {  	s9 =	sadd.s32 s9, s15;
	s11 =	sshrl.u32 s18, $0x3;
	s10 =	sadd.s32 s15, s17  }
0x10: {  	s26 =	sshll.u32 s18, $0x3;
	s16 =	sadd.s32 $0x180, s12;
	s18 =	sor.u32 $0x4000, s28  }
0x11: {  	s23 =	simm.s32 $0x8100;
	s6 =	sadd.s32 s14, s24;
	s7 =	sadd.s32 s13, s7  }
0x12: {  	s11 =	sadd.s32 s14, s11;
	s12 =	sadd.s32 s13, s26;
	s29 =	sshll.u32 s16, $0x3  }
0x13: {  	s30 =	sshrl.u32 s16, $0x3;
	s31 =	sshrl.u32 s18, $0x3;
	s16 =	simm.s32 $0x4100  }
0x14: {  	s18 =	simm.s32 $0x100;
	s24 =	simm.s32 $0x3;
	s13 =	sadd.s32 s29, s13  }
0x15: {  	s14 =	sadd.s32 s30, s14;
	s15 =	sadd.s32 s31, s17;
	s17 =	simm.s32 $0x80  }
.LBB2_1:
0x16: {  	[tilespmem:s2], [sflag:$0x1] =	stream.linear.gather [hbm4b:s4+s2], $0x80, $0x38;
	[tilespmem:$0xC100] =	vst v63  }
0x17: {  	s26 =	simm.s32 $0x1  }
0x18: {  	[tilespmem:s16], [sflag:$0x1] =	stream.linear.gather [hbm4b:s5+s2], $0x2000, $0x38;
	[tilespmem:$0xC100] =	vst v63  }
0x19: {  	_ =	swait.ge [sflag:s26], $0x80  }
0x1a: {  	[sflag:s26] =	ssyncset.done $0x0  }
0x1b: {  	[sflag:s26] =	ssyncadd.s32 $0xFFFFFF80  }
0x1c: {  	_ =	swait.ge [sflag:s26], $0x2000  }
0x1d: {  	[sflag:s26] =	ssyncset.done $0x0  }
0x1e: {  	[sflag:s26] =	ssyncadd.s32 $0xFFFFE000  }
0x1f: {  	[tilespmem:s18], [sflag:$0x2] =	stream.indirect.gather [hbm4b:s3+s17], $0x40, s2, s17, $0xb8;
	[tilespmem:$0xC100] =	vst v63  }
0x20: {  	_ = 	snop  }
0x21: {  	[tilespmem:s17], [sflag:$0x1] =	stream.linear.gather [hbm4b:s6+s2], $0x80, $0x38;
	[tilespmem:$0xC100] =	vst v63  }
0x22: {  	s0 =	simm.s32 $0x6100  }
0x23: {  	[tilespmem:s0], [sflag:$0x1] =	stream.linear.gather [hbm4b:s7+s2], $0x2000, $0x38;
	[tilespmem:$0xC100] =	vst v63  }
0x24: {  	_ =	swait.ge [sflag:s20], $0x2000  }
0x25: {  	[sflag:s20] =	ssyncset.done $0x0  }
0x26: {  	[sflag:s20] =	ssyncadd.s32 $0xFFFFE000  }
0x27: {  	[hbm4b:s9+s21] =	stream.strided.scatter [tilespmem:s18], [sflag:$0x3], $0x2000, s17, s21, $0x38;
	[tilespmem:$0xC100] =	vst v63  }
0x28: {  	_ = 	snop  }
0x29: {  	[hbm4b:s10+s21] =	stream.strided.scatter [tilespmem:s16], [sflag:$0x3], $0x2000, s17, s21, $0x38;
	[tilespmem:$0xC100] =	vst v63  }
0x2a: {  	_ =	swait.ge [sflag:s26], $0x80  }
0x2b: {  	[sflag:s26] =	ssyncset.done $0x0  }
0x2c: {  	[sflag:s26] =	ssyncadd.s32 $0xFFFFFF80  }
0x2d: {  	_ =	swait.ge [sflag:s26], $0x2000  }
0x2e: {  	[sflag:s26] =	ssyncset.done $0x0  }
0x2f: {  	s22 =	simm.s32 $0x2100;
	[sflag:s26] =	ssyncadd.s32 $0xFFFFE000  }
0x30: {  	[tilespmem:s22], [sflag:$0x2] =	stream.indirect.gather [hbm4b:s3+s17], $0x40, s17, s17, $0xb8;
	[tilespmem:$0xC100] =	vst v63  }
0x31: {  	s28 =	simm.s32 $0x6000  }
0x32: {  	[tilespmem:s2], [sflag:$0x1] =	stream.linear.gather [hbm4b:s11+s2], $0x80, $0x38;
	[tilespmem:$0xC100] =	vst v63  }
0x33: {  	s29 =	smov.u32 s15;
	s30 =	smov.u32 s14;
	s31 =	smov.u32 s13  }
0x34: {  	[tilespmem:s23], [sflag:$0x1] =	stream.linear.gather [hbm4b:s12+s2], $0x2000, $0x38;
	[tilespmem:$0xC100] =	vst v63  }
.LBB2_2:
0x35: {  	s0 =	sand.u32 $0x1, s26;
	_ =	swait.ge [sflag:s20], $0x2000  }
0x36: {  	s19 =	sadd.s32 $0xFFFFFFF8, s29;
	[sflag:s20] =	ssyncset.done $0x0;
	s1 =	sshll.u32 s0, $0xD  }
0x37: {  	s22 =	sadd.s32 $0xFFFFC000, s28;
	[sflag:s20] =	ssyncadd.s32 $0xFFFFE000;
	s1 =	sor.u32 $0x100, s1  }
0x38: {  	[hbm4b:s19+s21] =	stream.strided.scatter [tilespmem:s1], [sflag:$0x3], $0x2000, s17, s21, $0x38;
	[tilespmem:$0xC100] =	vst v63  }
0x39: {  	s1 =	sand.u32 $0x6000, s22  }
0x3a: {  	p0 =	seq.s32 s28, $0x66000;
	s1 =	sadd.s32 $0x4100, s1  }
0x3b: {  	[hbm4b:s29+s21] =	stream.strided.scatter [tilespmem:s1], [sflag:$0x3], $0x2000, s17, s21, $0x38;
	[tilespmem:$0xC100] =	vst v63  }
0x3c: {  	s1 =	simm.s32 @!p0 $0x1  }
0x3d: {  	_ =	swait.ge @!p0 [sflag:s1], $0x80  }
0x3e: {  	[sflag:s1] =	ssyncset.done @!p0 $0x0  }
0x3f: {  	[sflag:s1] =	ssyncadd.s32 @!p0 $0xFFFFFF80  }
0x40: {  	_ =	swait.ge @!p0 [sflag:s1], $0x2000  }
0x41: {  	[sflag:s1] =	ssyncset.done @!p0 $0x0  }
0x42: {  	[sflag:s1] =	ssyncadd.s32 @!p0 $0xFFFFE000;
	s1 =	simm.s32 @!p0 $0x3  }
0x43: {  	_ =	swait.ge @!p0 [sflag:s1], $0x2000  }
0x44: {  	[sflag:s1] =	ssyncset.done @!p0 $0x0  }
0x45: {  	p1 =	sgt.u32 @!p0 s26, $0x2F;
	[sflag:s1] =	ssyncadd.s32 @!p0 $0xFFFFE000  }
0x46: {  	p1 =	por p1, p0;
	s19 =	sxor.u32 @!p0 $0x1, s0;
	_ =	swait.ge @!p0 [sflag:s1], $0x2000  }
0x47: {  	s22 =	sshll.u32 @!p0 s19, $0x7;
	s19 =	sshll.u32 @!p0 s19, $0xD;
	[sflag:s1] =	ssyncset.done @!p0 $0x0  }
0x48: {  	[sflag:s1] =	ssyncadd.s32 @!p0 $0xFFFFE000;
	s1 =	sor.u32 @!p0 $0x100, s19;
	s19 =	simm.s32 @!p0 $0x80  }
0x49: {  	[tilespmem:s1], [sflag:$0x2] =	stream.indirect.gather @!p0 [hbm4b:s3+s19], $0x40, s22, s19, $0xb8;
	[tilespmem:$0xC100] =	vst v63  }
0x4a: {  	s0 =	sshll.u32 @!p1 s0, $0x7;
	s1 =	simm.s32 @!p1 $0x0  }
0x4b: {  	[tilespmem:s0], [sflag:$0x1] =	stream.linear.gather @!p1 [hbm4b:s30+s1], $0x80, $0x38;
	[tilespmem:$0xC100] =	vst v63  }
0x4c: {  	s0 =	sand.u32 @!p1 $0x6000, s28  }
0x4d: {  	s28 =	sadd.s32 @!p0 $0x2000, s28;
	s0 =	sadd.s32 @!p1 $0x4100, s0  }
0x4e: {  	[tilespmem:s0], [sflag:$0x1] =	stream.linear.gather @!p1 [hbm4b:s31+s1], $0x2000, $0x38;
	[tilespmem:$0xC100] =	vst v63  }
0x4f: {  	p1 =	sne.s32 @!p0 s28, $0x68000  }
0x50: {  	p1 =	por p0, !p1  }
.Ltmp0:
0x51: {  	_ = 	snop;
	(pc) =	sbr.rel @!p1 .LBB2_2-.Ltmp0, $3  }
0x52: {  	_ =	sdelay $0x1  }
0x53: {  	s26 =	sadd.s32 @!p0 $0x1, s26  }
0x54: {  	s29 =	sadd.s32 @!p0 $0x800, s29;
	s30 =	sadd.s32 @!p0 $0x10, s30;
	s31 =	sadd.s32 @!p0 $0x400, s31  }
0x55: {  	_ =	swait.ge [sflag:s24], $0x2000  }
0x56: {  	[sflag:s24] =	ssyncset.done $0x0  }
0x57: {  	[sflag:s24] =	ssyncadd.s32 $0xFFFFE000  }
0x58: {  	_ =	swait.ge [sflag:s24], $0x2000  }
0x59: {  	[sflag:s24] =	ssyncset.done $0x0  }
0x5a: {  	s25 =	sadd.s32 $0x1, s25;
	[sflag:s24] =	ssyncadd.s32 $0xFFFFE000  }
0x5b: {  	p0 =	sne.s32 s25, s8;
	_ =	swait.ge [sflag:s24], $0x2000  }
.Ltmp1:
0x5c: {  	[sflag:s24] =	ssyncset.done $0x0;
	(pc) =	sbr.rel @p0 .LBB2_1-.Ltmp1, $4  }
0x5d: {  	[sflag:s24] =	ssyncadd.s32 $0xFFFFE000  }
0x5e: {  	_ =	swait.ge [sflag:s24], $0x2000  }
0x5f: {  	[sflag:s24] =	ssyncset.done $0x0  }
0x60: {  	[sflag:s24] =	ssyncadd.s32 $0xFFFFE000  }
0x61: {  	_ =	sfence.sel $0x180000  }
0x62: {  	[bflag:$0x0] =	sbarrier.arrive $0xFFFF  }
0x63: {  	_ =	strace $0x9000004A  }
0x64: {  	s0 =	stileid.u32;
	[bflag:$0x2] =	sbarrier.arrive $0xFFFF  }
0x65: {  	p0 =	sne.s32 s0, $0x0;
	s0 =	rddreg [dreg:$0x2]  }
0x66: {  	s0 =	sadd.s32 @!p0 $0x100000, s0  }
0x67: {  	[sflag:s0] =	ssyncadd.tile.s32 @!p0 $0x1;
	_ =	shalt  }
.Lfunc_end2:
_tile_overlayer_lowered:
.L_overlay_start_2:
0x68: {  	(tag) =	ssettag $0x2  }
0x69: {  	s0 =	rddreg [dreg:$0x0];
	s2 =	stileid.u32  }
0x6a: {  	s1 =	rddreg [dreg:$0x1];
	p0 =	sne.s32 s2, $0x0  }
0x6b: {  	s3 =	rddreg [dreg:$0x2];
	[bflag:$0x3] =	sbarrier.arrive $0xFFFF;
	s2 =	simm.s32 @!p0 $0x1C04  }
0x6c: {  	[timem:s3], [sflag:s2] =	dma.local @!p0 [hbm:s0], s1  }
0x6d: {  	s0 =	simm.s32 @!p0 $0x4  }
0x6e: {  	_ =	swait.ge @!p0 [sflag:s0], s1  }
0x6f: {  	s1 =	ssub.s32 @!p0 $0x0, s1;
	[sflag:s0] =	ssyncset.done @!p0 $0x0  }
0x70: {  	[sflag:s0] =	ssyncadd.s32 @!p0 s1  }
0x71: {  	[bflag:$0x3] =	sbarrier.arrive $0xFFFF  }
0x72: {  	_ =	shalt  }

</sc_bundles>
